<compile_context>
chip_gen: v7x
topology: tpu7x:2x2x1
jax: 0.10.2.dev20260603
libtpu: 0.0.44.dev20260713+nightly
codegen_flags: <defaults>
</compile_context>

<pallas_src>
import functools

import jax
import jax.numpy as jnp
from jax import lax
from jax.experimental import pallas as pl
from jax.experimental.pallas import tpu as pltpu
from jax.experimental.pallas import tpu_sc as plsc

N = 10000
D = 128
E = 320000

NC = 2
NS = 16
NW = NC * NS

CHUNK = 128
NCHUNK = 80
EPT = NCHUNK * CHUNK
E_PAD = EPT * NW
N_ACC = 10240
NBUF = 2

_mesh = plsc.VectorSubcoreMesh(core_axis_name="c", subcore_axis_name="s")


@functools.partial(
    pl.kernel,
    mesh=_mesh,
    out_type=jax.ShapeDtypeStruct((NC, N_ACC), jnp.float32),
    scratch_types=[
        pltpu.VMEM((CHUNK,), jnp.int32),
        pltpu.VMEM((CHUNK,), jnp.float32),
        pltpu.VMEM((N_ACC // NS,), jnp.float32),
        pltpu.VMEM_SHARED((N_ACC,), jnp.float32),
    ],
)
def _deg_kernel(dst_hbm, ones_hbm, zeros_hbm, out_hbm, idx_d, ones_v,
                obuf, acc_sh):
    c = lax.axis_index("c")
    s = lax.axis_index("s")
    wid = c * NS + s
    seg = N_ACC // NS
    pltpu.sync_copy(zeros_hbm, obuf)
    pltpu.sync_copy(obuf, acc_sh.at[pl.ds(s * seg, seg)])
    pltpu.sync_copy(ones_hbm, ones_v)
    plsc.subcore_barrier()

    def body(j, carry):
        pltpu.sync_copy(dst_hbm.at[wid, j], idx_d)
        pltpu.sync_copy(ones_v, acc_sh.at[idx_d], add=True)
        return carry

    lax.fori_loop(0, NCHUNK, body, 0)
    plsc.subcore_barrier()
    pltpu.sync_copy(acc_sh.at[pl.ds(s * seg, seg)], obuf)
    pltpu.sync_copy(obuf, out_hbm.at[c, pl.ds(s * seg, seg)])


@functools.partial(
    pl.kernel,
    mesh=_mesh,
    out_type=jax.ShapeDtypeStruct((NC, N_ACC, D), jnp.float32),
    scratch_types=[
        pltpu.VMEM((NCHUNK, CHUNK), jnp.int32),
        pltpu.VMEM((NBUF, CHUNK), jnp.int32),
        pltpu.VMEM((NBUF, CHUNK, D), jnp.float32),
        pltpu.VMEM_SHARED((N_ACC, D), jnp.float32),
        pltpu.SemaphoreType.DMA((NBUF,)),
        pltpu.SemaphoreType.DMA((NBUF,)),
    ],
)
def _prop_kernel(y_hbm, src_hbm, dst_hbm, zrow_hbm, out_hbm, sidx,
                 dring, rows, acc_sh, gsem, dsem):
    c = lax.axis_index("c")
    s = lax.axis_index("s")
    wid = c * NS + s
    pltpu.sync_copy(zrow_hbm, rows.at[0])
    for z in range(5):
        pltpu.sync_copy(rows.at[0], acc_sh.at[pl.ds((s * 5 + z) * CHUNK,
                                                    CHUNK)])
    pltpu.sync_copy(src_hbm.at[wid], sidx)
    plsc.subcore_barrier()

    for b in range(NBUF):
        pltpu.async_copy(y_hbm.at[sidx.at[b]], rows.at[b], gsem.at[b])
        pltpu.async_copy(dst_hbm.at[wid, b], dring.at[b], dsem.at[b])

    def outer(g, carry):
        for b in range(NBUF):
            j = g * NBUF + b
            pltpu.make_async_copy(dst_hbm.at[wid, j], dring.at[b],
                                  dsem.at[b]).wait()
            pltpu.make_async_copy(y_hbm.at[sidx.at[b]], rows.at[b],
                                  gsem.at[b]).wait()
            pltpu.sync_copy(rows.at[b], acc_sh.at[dring.at[b]], add=True)
            jn = lax.rem(j + NBUF, NCHUNK)
            pltpu.async_copy(y_hbm.at[sidx.at[jn]], rows.at[b], gsem.at[b])
            pltpu.async_copy(dst_hbm.at[wid, jn], dring.at[b], dsem.at[b])
        return carry

    lax.fori_loop(0, NCHUNK // NBUF, outer, 0)
    for b in range(NBUF):
        pltpu.make_async_copy(y_hbm.at[sidx.at[b]], rows.at[b],
                              gsem.at[b]).wait()
        pltpu.make_async_copy(dst_hbm.at[wid, b], dring.at[b],
                              dsem.at[b]).wait()
    plsc.subcore_barrier()
    for z in range(5):
        r0 = (s * 5 + z) * CHUNK
        pltpu.sync_copy(acc_sh.at[pl.ds(r0, CHUNK)], rows.at[0])
        pltpu.sync_copy(rows.at[0], out_hbm.at[c, pl.ds(r0, CHUNK)])


def _tc1_body(p0_ref, p1_ref, x_ref, w1_ref, y_ref):
    dis = lax.rsqrt(p0_ref[...] + p1_ref[...] + 1.0)
    h = jnp.dot(x_ref[...], w1_ref[...], preferred_element_type=jnp.float32)
    y_ref[...] = h * dis


def _tc2_body(p0_ref, p1_ref, s0_ref, s1_ref, y1_ref, b1_ref, w2_ref, y2_ref):
    dis = lax.rsqrt(p0_ref[...] + p1_ref[...] + 1.0)
    sagg = s0_ref[pl.ds(0, N), :] + s1_ref[pl.ds(0, N), :]
    z = dis * (sagg + y1_ref[...]) + b1_ref[...]
    h = jnp.maximum(z, 0.0)
    h2 = jnp.dot(h, w2_ref[...], preferred_element_type=jnp.float32)
    y2_ref[...] = h2 * dis


def _tc3_body(p0_ref, p1_ref, s0_ref, s1_ref, y2_ref, b2_ref, out_ref):
    dis = lax.rsqrt(p0_ref[...] + p1_ref[...] + 1.0)
    sagg = s0_ref[pl.ds(0, N), :] + s1_ref[pl.ds(0, N), :]
    out_ref[...] = dis * (sagg + y2_ref[...]) + b2_ref[...]


def kernel(x, edge_index, W1, b1, W2, b2):
    src = edge_index[0]
    dst = edge_index[1]
    pad = E_PAD - E
    src_p = jnp.concatenate(
        [src, jnp.zeros((pad,), jnp.int32)]).reshape(NW, NCHUNK, CHUNK)
    dst_p = jnp.concatenate(
        [dst, jnp.full((pad,), N, jnp.int32)]).reshape(NW, NCHUNK, CHUNK)

    ones_c = jnp.ones((CHUNK,), jnp.float32)
    zeros_seg = jnp.zeros((N_ACC // NS,), jnp.float32)
    zrow = jnp.zeros((CHUNK, D), jnp.float32)

    degp = _deg_kernel(dst_p, ones_c, zeros_seg)
    p0 = degp[0, :N].reshape(N, 1)
    p1 = degp[1, :N].reshape(N, 1)
    b1r = b1.reshape(1, D)
    b2r = b2.reshape(1, D)

    fs = jax.ShapeDtypeStruct((N, D), jnp.float32)
    y1 = pl.pallas_call(_tc1_body, out_shape=fs)(p0, p1, x, W1)
    s1 = _prop_kernel(y1, src_p, dst_p, zrow)
    y2 = pl.pallas_call(_tc2_body, out_shape=fs)(
        p0, p1, s1[0], s1[1], y1, b1r, W2)
    s2 = _prop_kernel(y2, src_p, dst_p, zrow)
    out = pl.pallas_call(_tc3_body, out_shape=fs)(
        p0, p1, s2[0], s2[1], y2, b2r)
    return out

# --- scband reference (transcript-rebuilt; emitter-appended) ---
"""Pipeline reference for scband-gcnmodel-60129542735 (READ-ONLY COPY).

The authoritative reference and input builder live on the scoring server;
editing this copy changes nothing except your own understanding.
"""

import jax, jax.numpy as jnp
import numpy as np

N = 10000
D_IN = 128
D_HID = 128
D_OUT = 128
E = 320000


def gcn_conv(x, src, dst, W, b, num_nodes):
    # PyG GCNConv (normalize=True, add_self_loops already applied to src/dst):
    # out = D^{-1/2} (A+I) D^{-1/2} X W + b
    h = x @ W
    ones = jnp.ones(src.shape[0], dtype=x.dtype)
    deg = jnp.zeros((num_nodes,), dtype=x.dtype).at[dst].add(ones)
    deg_inv_sqrt = jnp.where(deg > 0, deg ** -0.5, 0.0)
    norm = deg_inv_sqrt[src] * deg_inv_sqrt[dst]
    msg = h[src] * norm[:, None]
    out = jnp.zeros((num_nodes, W.shape[1]), dtype=x.dtype).at[dst].add(msg)
    return out + b


def setup_inputs(seed: int = 0):
    key = jax.random.key(seed)
    k1, k2, k3, k4 = jax.random.split(key, 4)
    x = jax.random.normal(k1, (N, D_IN), dtype=jnp.float32)
    edge_index = jax.random.randint(k2, (2, E), 0, N, dtype=jnp.int32)
    W1 = jax.random.normal(k3, (D_IN, D_HID), dtype=jnp.float32) * 0.05
    b1 = jnp.zeros((D_HID,), dtype=jnp.float32)
    W2 = jax.random.normal(k4, (D_HID, D_OUT), dtype=jnp.float32) * 0.05
    b2 = jnp.zeros((D_OUT,), dtype=jnp.float32)
    return {"x": x, "edge_index": edge_index, "W1": W1, "b1": b1, "W2": W2, "b2": b2}


def reference(x, edge_index, W1, b1, W2, b2):
    # add self-loops once, shared by both conv layers
    loop = jnp.arange(N, dtype=edge_index.dtype)
    src = jnp.concatenate([edge_index[0], loop])
    dst = jnp.concatenate([edge_index[1], loop])
    h = gcn_conv(x, src, dst, W1, b1, N)
    h = jax.nn.relu(h)
    out = gcn_conv(h, src, dst, W2, b2, N)
    return out

if __name__ == "__main__":
    import jax
    _d = setup_inputs()
    print(jax.jit(kernel)(*tuple(_d.values())))

</pallas_src>

<mosaic_0001>
#map = affine_map<(d0, d1) -> (0, 0)>
#map1 = affine_map<(d0, d1) -> (0, 0, 0)>
module attributes {stable_mosaic.version = 14 : i64} {
  func.func @_prop_kernel(%arg0: i32, %arg1: i32, %arg2: memref<10000x128xf32, #tpu.memory_space<hbm>>, %arg3: memref<32x80x128xi32, #tpu.memory_space<hbm>>, %arg4: memref<32x80x128xi32, #tpu.memory_space<hbm>>, %arg5: memref<128x128xf32, #tpu.memory_space<hbm>>, %arg6: memref<2x10240x128xf32, #tpu.memory_space<hbm>>, %arg7: memref<80x128xi32, #tpu.memory_space<vmem>>, %arg8: memref<2x128xi32, #tpu.memory_space<vmem>>, %arg9: memref<2x128x128xf32, #tpu.memory_space<vmem>>, %arg10: memref<10240x128xf32, #tpu.memory_space<vmem_shared>>, %arg11: memref<2x!tpu.dma_semaphore, #tpu.memory_space<semaphore_mem>>, %arg12: memref<2x!tpu.dma_semaphore, #tpu.memory_space<semaphore_mem>>) attributes {dimension_semantics = [#tpu.dimension_semantics<core_parallel>, #tpu.dimension_semantics<subcore_parallel>], iteration_bounds = array<i64: 2, 16>, scalar_prefetch = 0 : i64, scratch_operands = 6 : i64, tpu.core_type = #tpu.core_type<sc_vector_subcore>, window_params = [{transform_indices = #map}, {transform_indices = #map1}, {transform_indices = #map1}, {transform_indices = #map}, {transform_indices = #map1}]} {
    %mul3A = arith.constant 16 : i32
    %mul3A_0 = arith.muli %arg0, %mul3A : i32
    %add3A = arith.addi %mul3A_0, %arg1 : i32
    %run_scoped3A = arith.constant 0 : i32
    "tpu.region"() ({
      %run_scoped3A_208 = tpu.sem_alloc : memref<!tpu.dma_semaphore, #tpu.memory_space<semaphore_mem>>
      %dma_start3A_209 = arith.constant 0 : i32
      %dma_start3A_210 = arith.constant 0 : i32
      %dma_start3A_211 = tpu.memref_slice %arg9[%run_scoped3A, %dma_start3A_209, %dma_start3A_210] : memref<2x128x128xf32, #tpu.memory_space<vmem>> -> memref<1x128x128xf32, #tpu.memory_space<vmem>>
      %dma_start3A_212 = tpu.memref_squeeze %dma_start3A_211 : memref<1x128x128xf32, #tpu.memory_space<vmem>> -> memref<128x128xf32, #tpu.memory_space<vmem>>
      %dma_start3A_213 = arith.constant 0 : i32
      %dma_start3A_214 = arith.constant 0 : i32
      %dma_start3A_215 = tpu.memref_slice %arg9[%run_scoped3A, %dma_start3A_213, %dma_start3A_214] : memref<2x128x128xf32, #tpu.memory_space<vmem>> -> memref<1x128x128xf32, #tpu.memory_space<vmem>>
      %dma_start3A_216 = tpu.memref_squeeze %dma_start3A_215 : memref<1x128x128xf32, #tpu.memory_space<vmem>> -> memref<128x128xf32, #tpu.memory_space<vmem>>
      tpu.enqueue_dma source(%arg5 : memref<128x128xf32, #tpu.memory_space<hbm>>) target(%dma_start3A_216 : memref<128x128xf32, #tpu.memory_space<vmem>>) target_semaphore(%run_scoped3A_208 : memref<!tpu.dma_semaphore, #tpu.memory_space<semaphore_mem>>)
      %dma_wait3A_217 = arith.constant 0 : i32
      %dma_wait3A_218 = arith.constant 0 : i32
      %dma_wait3A_219 = tpu.memref_slice %arg9[%run_scoped3A, %dma_wait3A_217, %dma_wait3A_218] : memref<2x128x128xf32, #tpu.memory_space<vmem>> -> memref<1x128x128xf32, #tpu.memory_space<vmem>>
      %dma_wait3A_220 = tpu.memref_squeeze %dma_wait3A_219 : memref<1x128x128xf32, #tpu.memory_space<vmem>> -> memref<128x128xf32, #tpu.memory_space<vmem>>
      %dma_wait3A_221 = arith.constant 0 : i32
      %dma_wait3A_222 = arith.constant 0 : i32
      %dma_wait3A_223 = tpu.memref_slice %arg9[%run_scoped3A, %dma_wait3A_221, %dma_wait3A_222] : memref<2x128x128xf32, #tpu.memory_space<vmem>> -> memref<1x128x128xf32, #tpu.memory_space<vmem>>
      %dma_wait3A_224 = tpu.memref_squeeze %dma_wait3A_223 : memref<1x128x128xf32, #tpu.memory_space<vmem>> -> memref<128x128xf32, #tpu.memory_space<vmem>>
      tpu.wait_dma2 semaphore(%run_scoped3A_208 : memref<!tpu.dma_semaphore, #tpu.memory_space<semaphore_mem>>) src(%arg5 : memref<128x128xf32, #tpu.memory_space<hbm>>) dst(%dma_wait3A_224 : memref<128x128xf32, #tpu.memory_space<vmem>>)
      tpu.yield
    }) : () -> ()
    %mul3A_1 = arith.constant 5 : i32
    %mul3A_2 = arith.muli %arg1, %mul3A_1 : i32
    %add3A_3 = arith.constant 0 : i32
    %add3A_4 = arith.addi %mul3A_2, %add3A_3 : i32
    %mul3A_5 = arith.constant 128 : i32
    %mul3A_6 = arith.muli %add3A_4, %mul3A_5 : i32
    %run_scoped3A_7 = arith.constant 0 : i32
    "tpu.region"() ({
      %run_scoped3A_208 = tpu.sem_alloc : memref<!tpu.dma_semaphore, #tpu.memory_space<semaphore_mem>>
      %dma_start3A_209 = arith.constant 0 : i32
      %dma_start3A_210 = arith.constant 0 : i32
      %dma_start3A_211 = tpu.memref_slice %arg9[%run_scoped3A_7, %dma_start3A_209, %dma_start3A_210] : memref<2x128x128xf32, #tpu.memory_space<vmem>> -> memref<1x128x128xf32, #tpu.memory_space<vmem>>
      %dma_start3A_212 = tpu.memref_squeeze %dma_start3A_211 : memref<1x128x128xf32, #tpu.memory_space<vmem>> -> memref<128x128xf32, #tpu.memory_space<vmem>>
      %dma_start3A_213 = arith.constant 0 : i32
      %dma_start3A_214 = tpu.memref_slice %arg10[%mul3A_6, %dma_start3A_213] : memref<10240x128xf32, #tpu.memory_space<vmem_shared>> -> memref<128x128xf32, #tpu.memory_space<vmem_shared>>
      %dma_start3A_215 = arith.constant 0 : i32
      %dma_start3A_216 = tpu.memref_slice %arg10[%mul3A_6, %dma_start3A_215] : memref<10240x128xf32, #tpu.memory_space<vmem_shared>> -> memref<128x128xf32, #tpu.memory_space<vmem_shared>>
      %dma_start3A_217 = arith.constant 0 : i32
      %dma_start3A_218 = arith.constant 0 : i32
      %dma_start3A_219 = tpu.memref_slice %arg9[%run_scoped3A_7, %dma_start3A_217, %dma_start3A_218] : memref<2x128x128xf32, #tpu.memory_space<vmem>> -> memref<1x128x128xf32, #tpu.memory_space<vmem>>
      %dma_start3A_220 = tpu.memref_squeeze %dma_start3A_219 : memref<1x128x128xf32, #tpu.memory_space<vmem>> -> memref<128x128xf32, #tpu.memory_space<vmem>>
      tpu.enqueue_dma source(%dma_start3A_220 : memref<128x128xf32, #tpu.memory_space<vmem>>) target(%dma_start3A_216 : memref<128x128xf32, #tpu.memory_space<vmem_shared>>) target_semaphore(%run_scoped3A_208 : memref<!tpu.dma_semaphore, #tpu.memory_space<semaphore_mem>>)
      %dma_wait3A_221 = arith.constant 0 : i32
      %dma_wait3A_222 = arith.constant 0 : i32
      %dma_wait3A_223 = tpu.memref_slice %arg9[%run_scoped3A_7, %dma_wait3A_221, %dma_wait3A_222] : memref<2x128x128xf32, #tpu.memory_space<vmem>> -> memref<1x128x128xf32, #tpu.memory_space<vmem>>
      %dma_wait3A_224 = tpu.memref_squeeze %dma_wait3A_223 : memref<1x128x128xf32, #tpu.memory_space<vmem>> -> memref<128x128xf32, #tpu.memory_space<vmem>>
      %dma_wait3A_225 = arith.constant 0 : i32
      %dma_wait3A_226 = tpu.memref_slice %arg10[%mul3A_6, %dma_wait3A_225] : memref<10240x128xf32, #tpu.memory_space<vmem_shared>> -> memref<128x128xf32, #tpu.memory_space<vmem_shared>>
      %dma_wait3A_227 = arith.constant 0 : i32
      %dma_wait3A_228 = tpu.memref_slice %arg10[%mul3A_6, %dma_wait3A_227] : memref<10240x128xf32, #tpu.memory_space<vmem_shared>> -> memref<128x128xf32, #tpu.memory_space<vmem_shared>>
      %dma_wait3A_229 = arith.constant 0 : i32
      %dma_wait3A_230 = arith.constant 0 : i32
      %dma_wait3A_231 = tpu.memref_slice %arg9[%run_scoped3A_7, %dma_wait3A_229, %dma_wait3A_230] : memref<2x128x128xf32, #tpu.memory_space<vmem>> -> memref<1x128x128xf32, #tpu.memory_space<vmem>>
      %dma_wait3A_232 = tpu.memref_squeeze %dma_wait3A_231 : memref<1x128x128xf32, #tpu.memory_space<vmem>> -> memref<128x128xf32, #tpu.memory_space<vmem>>
      tpu.wait_dma2 semaphore(%run_scoped3A_208 : memref<!tpu.dma_semaphore, #tpu.memory_space<semaphore_mem>>) src(%dma_wait3A_232 : memref<128x128xf32, #tpu.memory_space<vmem>>) dst(%dma_wait3A_228 : memref<128x128xf32, #tpu.memory_space<vmem_shared>>)
      tpu.yield
    }) : () -> ()
    %mul3A_8 = arith.constant 5 : i32
    %mul3A_9 = arith.muli %arg1, %mul3A_8 : i32
    %add3A_10 = arith.constant 1 : i32
    %add3A_11 = arith.addi %mul3A_9, %add3A_10 : i32
    %mul3A_12 = arith.constant 128 : i32
    %mul3A_13 = arith.muli %add3A_11, %mul3A_12 : i32
    %run_scoped3A_14 = arith.constant 0 : i32
    "tpu.region"() ({
      %run_scoped3A_208 = tpu.sem_alloc : memref<!tpu.dma_semaphore, #tpu.memory_space<semaphore_mem>>
      %dma_start3A_209 = arith.constant 0 : i32
      %dma_start3A_210 = arith.constant 0 : i32
      %dma_start3A_211 = tpu.memref_slice %arg9[%run_scoped3A_14, %dma_start3A_209, %dma_start3A_210] : memref<2x128x128xf32, #tpu.memory_space<vmem>> -> memref<1x128x128xf32, #tpu.memory_space<vmem>>
      %dma_start3A_212 = tpu.memref_squeeze %dma_start3A_211 : memref<1x128x128xf32, #tpu.memory_space<vmem>> -> memref<128x128xf32, #tpu.memory_space<vmem>>
      %dma_start3A_213 = arith.constant 0 : i32
      %dma_start3A_214 = tpu.memref_slice %arg10[%mul3A_13, %dma_start3A_213] : memref<10240x128xf32, #tpu.memory_space<vmem_shared>> -> memref<128x128xf32, #tpu.memory_space<vmem_shared>>
      %dma_start3A_215 = arith.constant 0 : i32
      %dma_start3A_216 = tpu.memref_slice %arg10[%mul3A_13, %dma_start3A_215] : memref<10240x128xf32, #tpu.memory_space<vmem_shared>> -> memref<128x128xf32, #tpu.memory_space<vmem_shared>>
      %dma_start3A_217 = arith.constant 0 : i32
      %dma_start3A_218 = arith.constant 0 : i32
      %dma_start3A_219 = tpu.memref_slice %arg9[%run_scoped3A_14, %dma_start3A_217, %dma_start3A_218] : memref<2x128x128xf32, #tpu.memory_space<vmem>> -> memref<1x128x128xf32, #tpu.memory_space<vmem>>
      %dma_start3A_220 = tpu.memref_squeeze %dma_start3A_219 : memref<1x128x128xf32, #tpu.memory_space<vmem>> -> memref<128x128xf32, #tpu.memory_space<vmem>>
      tpu.enqueue_dma source(%dma_start3A_220 : memref<128x128xf32, #tpu.memory_space<vmem>>) target(%dma_start3A_216 : memref<128x128xf32, #tpu.memory_space<vmem_shared>>) target_semaphore(%run_scoped3A_208 : memref<!tpu.dma_semaphore, #tpu.memory_space<semaphore_mem>>)
      %dma_wait3A_221 = arith.constant 0 : i32
      %dma_wait3A_222 = arith.constant 0 : i32
      %dma_wait3A_223 = tpu.memref_slice %arg9[%run_scoped3A_14, %dma_wait3A_221, %dma_wait3A_222] : memref<2x128x128xf32, #tpu.memory_space<vmem>> -> memref<1x128x128xf32, #tpu.memory_space<vmem>>
      %dma_wait3A_224 = tpu.memref_squeeze %dma_wait3A_223 : memref<1x128x128xf32, #tpu.memory_space<vmem>> -> memref<128x128xf32, #tpu.memory_space<vmem>>
      %dma_wait3A_225 = arith.constant 0 : i32
      %dma_wait3A_226 = tpu.memref_slice %arg10[%mul3A_13, %dma_wait3A_225] : memref<10240x128xf32, #tpu.memory_space<vmem_shared>> -> memref<128x128xf32, #tpu.memory_space<vmem_shared>>
      %dma_wait3A_227 = arith.constant 0 : i32
      %dma_wait3A_228 = tpu.memref_slice %arg10[%mul3A_13, %dma_wait3A_227] : memref<10240x128xf32, #tpu.memory_space<vmem_shared>> -> memref<128x128xf32, #tpu.memory_space<vmem_shared>>
      %dma_wait3A_229 = arith.constant 0 : i32
      %dma_wait3A_230 = arith.constant 0 : i32
      %dma_wait3A_231 = tpu.memref_slice %arg9[%run_scoped3A_14, %dma_wait3A_229, %dma_wait3A_230] : memref<2x128x128xf32, #tpu.memory_space<vmem>> -> memref<1x128x128xf32, #tpu.memory_space<vmem>>
      %dma_wait3A_232 = tpu.memref_squeeze %dma_wait3A_231 : memref<1x128x128xf32, #tpu.memory_space<vmem>> -> memref<128x128xf32, #tpu.memory_space<vmem>>
      tpu.wait_dma2 semaphore(%run_scoped3A_208 : memref<!tpu.dma_semaphore, #tpu.memory_space<semaphore_mem>>) src(%dma_wait3A_232 : memref<128x128xf32, #tpu.memory_space<vmem>>) dst(%dma_wait3A_228 : memref<128x128xf32, #tpu.memory_space<vmem_shared>>)
      tpu.yield
    }) : () -> ()
    %mul3A_15 = arith.constant 5 : i32
    %mul3A_16 = arith.muli %arg1, %mul3A_15 : i32
    %add3A_17 = arith.constant 2 : i32
    %add3A_18 = arith.addi %mul3A_16, %add3A_17 : i32
    %mul3A_19 = arith.constant 128 : i32
    %mul3A_20 = arith.muli %add3A_18, %mul3A_19 : i32
    %run_scoped3A_21 = arith.constant 0 : i32
    "tpu.region"() ({
      %run_scoped3A_208 = tpu.sem_alloc : memref<!tpu.dma_semaphore, #tpu.memory_space<semaphore_mem>>
      %dma_start3A_209 = arith.constant 0 : i32
      %dma_start3A_210 = arith.constant 0 : i32
      %dma_start3A_211 = tpu.memref_slice %arg9[%run_scoped3A_21, %dma_start3A_209, %dma_start3A_210] : memref<2x128x128xf32, #tpu.memory_space<vmem>> -> memref<1x128x128xf32, #tpu.memory_space<vmem>>
      %dma_start3A_212 = tpu.memref_squeeze %dma_start3A_211 : memref<1x128x128xf32, #tpu.memory_space<vmem>> -> memref<128x128xf32, #tpu.memory_space<vmem>>
      %dma_start3A_213 = arith.constant 0 : i32
      %dma_start3A_214 = tpu.memref_slice %arg10[%mul3A_20, %dma_start3A_213] : memref<10240x128xf32, #tpu.memory_space<vmem_shared>> -> memref<128x128xf32, #tpu.memory_space<vmem_shared>>
      %dma_start3A_215 = arith.constant 0 : i32
      %dma_start3A_216 = tpu.memref_slice %arg10[%mul3A_20, %dma_start3A_215] : memref<10240x128xf32, #tpu.memory_space<vmem_shared>> -> memref<128x128xf32, #tpu.memory_space<vmem_shared>>
      %dma_start3A_217 = arith.constant 0 : i32
      %dma_start3A_218 = arith.constant 0 : i32
      %dma_start3A_219 = tpu.memref_slice %arg9[%run_scoped3A_21, %dma_start3A_217, %dma_start3A_218] : memref<2x128x128xf32, #tpu.memory_space<vmem>> -> memref<1x128x128xf32, #tpu.memory_space<vmem>>
      %dma_start3A_220 = tpu.memref_squeeze %dma_start3A_219 : memref<1x128x128xf32, #tpu.memory_space<vmem>> -> memref<128x128xf32, #tpu.memory_space<vmem>>
      tpu.enqueue_dma source(%dma_start3A_220 : memref<128x128xf32, #tpu.memory_space<vmem>>) target(%dma_start3A_216 : memref<128x128xf32, #tpu.memory_space<vmem_shared>>) target_semaphore(%run_scoped3A_208 : memref<!tpu.dma_semaphore, #tpu.memory_space<semaphore_mem>>)
      %dma_wait3A_221 = arith.constant 0 : i32
      %dma_wait3A_222 = arith.constant 0 : i32
      %dma_wait3A_223 = tpu.memref_slice %arg9[%run_scoped3A_21, %dma_wait3A_221, %dma_wait3A_222] : memref<2x128x128xf32, #tpu.memory_space<vmem>> -> memref<1x128x128xf32, #tpu.memory_space<vmem>>
      %dma_wait3A_224 = tpu.memref_squeeze %dma_wait3A_223 : memref<1x128x128xf32, #tpu.memory_space<vmem>> -> memref<128x128xf32, #tpu.memory_space<vmem>>
      %dma_wait3A_225 = arith.constant 0 : i32
      %dma_wait3A_226 = tpu.memref_slice %arg10[%mul3A_20, %dma_wait3A_225] : memref<10240x128xf32, #tpu.memory_space<vmem_shared>> -> memref<128x128xf32, #tpu.memory_space<vmem_shared>>
      %dma_wait3A_227 = arith.constant 0 : i32
      %dma_wait3A_228 = tpu.memref_slice %arg10[%mul3A_20, %dma_wait3A_227] : memref<10240x128xf32, #tpu.memory_space<vmem_shared>> -> memref<128x128xf32, #tpu.memory_space<vmem_shared>>
      %dma_wait3A_229 = arith.constant 0 : i32
      %dma_wait3A_230 = arith.constant 0 : i32
      %dma_wait3A_231 = tpu.memref_slice %arg9[%run_scoped3A_21, %dma_wait3A_229, %dma_wait3A_230] : memref<2x128x128xf32, #tpu.memory_space<vmem>> -> memref<1x128x128xf32, #tpu.memory_space<vmem>>
      %dma_wait3A_232 = tpu.memref_squeeze %dma_wait3A_231 : memref<1x128x128xf32, #tpu.memory_space<vmem>> -> memref<128x128xf32, #tpu.memory_space<vmem>>
      tpu.wait_dma2 semaphore(%run_scoped3A_208 : memref<!tpu.dma_semaphore, #tpu.memory_space<semaphore_mem>>) src(%dma_wait3A_232 : memref<128x128xf32, #tpu.memory_space<vmem>>) dst(%dma_wait3A_228 : memref<128x128xf32, #tpu.memory_space<vmem_shared>>)
      tpu.yield
    }) : () -> ()
    %mul3A_22 = arith.constant 5 : i32
    %mul3A_23 = arith.muli %arg1, %mul3A_22 : i32
    %add3A_24 = arith.constant 3 : i32
    %add3A_25 = arith.addi %mul3A_23, %add3A_24 : i32
    %mul3A_26 = arith.constant 128 : i32
    %mul3A_27 = arith.muli %add3A_25, %mul3A_26 : i32
    %run_scoped3A_28 = arith.constant 0 : i32
    "tpu.region"() ({
      %run_scoped3A_208 = tpu.sem_alloc : memref<!tpu.dma_semaphore, #tpu.memory_space<semaphore_mem>>
      %dma_start3A_209 = arith.constant 0 : i32
      %dma_start3A_210 = arith.constant 0 : i32
      %dma_start3A_211 = tpu.memref_slice %arg9[%run_scoped3A_28, %dma_start3A_209, %dma_start3A_210] : memref<2x128x128xf32, #tpu.memory_space<vmem>> -> memref<1x128x128xf32, #tpu.memory_space<vmem>>
      %dma_start3A_212 = tpu.memref_squeeze %dma_start3A_211 : memref<1x128x128xf32, #tpu.memory_space<vmem>> -> memref<128x128xf32, #tpu.memory_space<vmem>>
      %dma_start3A_213 = arith.constant 0 : i32
      %dma_start3A_214 = tpu.memref_slice %arg10[%mul3A_27, %dma_start3A_213] : memref<10240x128xf32, #tpu.memory_space<vmem_shared>> -> memref<128x128xf32, #tpu.memory_space<vmem_shared>>
      %dma_start3A_215 = arith.constant 0 : i32
      %dma_start3A_216 = tpu.memref_slice %arg10[%mul3A_27, %dma_start3A_215] : memref<10240x128xf32, #tpu.memory_space<vmem_shared>> -> memref<128x128xf32, #tpu.memory_space<vmem_shared>>
      %dma_start3A_217 = arith.constant 0 : i32
      %dma_start3A_218 = arith.constant 0 : i32
      %dma_start3A_219 = tpu.memref_slice %arg9[%run_scoped3A_28, %dma_start3A_217, %dma_start3A_218] : memref<2x128x128xf32, #tpu.memory_space<vmem>> -> memref<1x128x128xf32, #tpu.memory_space<vmem>>
      %dma_start3A_220 = tpu.memref_squeeze %dma_start3A_219 : memref<1x128x128xf32, #tpu.memory_space<vmem>> -> memref<128x128xf32, #tpu.memory_space<vmem>>
      tpu.enqueue_dma source(%dma_start3A_220 : memref<128x128xf32, #tpu.memory_space<vmem>>) target(%dma_start3A_216 : memref<128x128xf32, #tpu.memory_space<vmem_shared>>) target_semaphore(%run_scoped3A_208 : memref<!tpu.dma_semaphore, #tpu.memory_space<semaphore_mem>>)
      %dma_wait3A_221 = arith.constant 0 : i32
      %dma_wait3A_222 = arith.constant 0 : i32
      %dma_wait3A_223 = tpu.memref_slice %arg9[%run_scoped3A_28, %dma_wait3A_221, %dma_wait3A_222] : memref<2x128x128xf32, #tpu.memory_space<vmem>> -> memref<1x128x128xf32, #tpu.memory_space<vmem>>
      %dma_wait3A_224 = tpu.memref_squeeze %dma_wait3A_223 : memref<1x128x128xf32, #tpu.memory_space<vmem>> -> memref<128x128xf32, #tpu.memory_space<vmem>>
      %dma_wait3A_225 = arith.constant 0 : i32
      %dma_wait3A_226 = tpu.memref_slice %arg10[%mul3A_27, %dma_wait3A_225] : memref<10240x128xf32, #tpu.memory_space<vmem_shared>> -> memref<128x128xf32, #tpu.memory_space<vmem_shared>>
      %dma_wait3A_227 = arith.constant 0 : i32
      %dma_wait3A_228 = tpu.memref_slice %arg10[%mul3A_27, %dma_wait3A_227] : memref<10240x128xf32, #tpu.memory_space<vmem_shared>> -> memref<128x128xf32, #tpu.memory_space<vmem_shared>>
      %dma_wait3A_229 = arith.constant 0 : i32
      %dma_wait3A_230 = arith.constant 0 : i32
      %dma_wait3A_231 = tpu.memref_slice %arg9[%run_scoped3A_28, %dma_wait3A_229, %dma_wait3A_230] : memref<2x128x128xf32, #tpu.memory_space<vmem>> -> memref<1x128x128xf32, #tpu.memory_space<vmem>>
      %dma_wait3A_232 = tpu.memref_squeeze %dma_wait3A_231 : memref<1x128x128xf32, #tpu.memory_space<vmem>> -> memref<128x128xf32, #tpu.memory_space<vmem>>
      tpu.wait_dma2 semaphore(%run_scoped3A_208 : memref<!tpu.dma_semaphore, #tpu.memory_space<semaphore_mem>>) src(%dma_wait3A_232 : memref<128x128xf32, #tpu.memory_space<vmem>>) dst(%dma_wait3A_228 : memref<128x128xf32, #tpu.memory_space<vmem_shared>>)
      tpu.yield
    }) : () -> ()
    %mul3A_29 = arith.constant 5 : i32
    %mul3A_30 = arith.muli %arg1, %mul3A_29 : i32
    %add3A_31 = arith.constant 4 : i32
    %add3A_32 = arith.addi %mul3A_30, %add3A_31 : i32
    %mul3A_33 = arith.constant 128 : i32
    %mul3A_34 = arith.muli %add3A_32, %mul3A_33 : i32
    %run_scoped3A_35 = arith.constant 0 : i32
    "tpu.region"() ({
      %run_scoped3A_208 = tpu.sem_alloc : memref<!tpu.dma_semaphore, #tpu.memory_space<semaphore_mem>>
      %dma_start3A_209 = arith.constant 0 : i32
      %dma_start3A_210 = arith.constant 0 : i32
      %dma_start3A_211 = tpu.memref_slice %arg9[%run_scoped3A_35, %dma_start3A_209, %dma_start3A_210] : memref<2x128x128xf32, #tpu.memory_space<vmem>> -> memref<1x128x128xf32, #tpu.memory_space<vmem>>
      %dma_start3A_212 = tpu.memref_squeeze %dma_start3A_211 : memref<1x128x128xf32, #tpu.memory_space<vmem>> -> memref<128x128xf32, #tpu.memory_space<vmem>>
      %dma_start3A_213 = arith.constant 0 : i32
      %dma_start3A_214 = tpu.memref_slice %arg10[%mul3A_34, %dma_start3A_213] : memref<10240x128xf32, #tpu.memory_space<vmem_shared>> -> memref<128x128xf32, #tpu.memory_space<vmem_shared>>
      %dma_start3A_215 = arith.constant 0 : i32
      %dma_start3A_216 = tpu.memref_slice %arg10[%mul3A_34, %dma_start3A_215] : memref<10240x128xf32, #tpu.memory_space<vmem_shared>> -> memref<128x128xf32, #tpu.memory_space<vmem_shared>>
      %dma_start3A_217 = arith.constant 0 : i32
      %dma_start3A_218 = arith.constant 0 : i32
      %dma_start3A_219 = tpu.memref_slice %arg9[%run_scoped3A_35, %dma_start3A_217, %dma_start3A_218] : memref<2x128x128xf32, #tpu.memory_space<vmem>> -> memref<1x128x128xf32, #tpu.memory_space<vmem>>
      %dma_start3A_220 = tpu.memref_squeeze %dma_start3A_219 : memref<1x128x128xf32, #tpu.memory_space<vmem>> -> memref<128x128xf32, #tpu.memory_space<vmem>>
      tpu.enqueue_dma source(%dma_start3A_220 : memref<128x128xf32, #tpu.memory_space<vmem>>) target(%dma_start3A_216 : memref<128x128xf32, #tpu.memory_space<vmem_shared>>) target_semaphore(%run_scoped3A_208 : memref<!tpu.dma_semaphore, #tpu.memory_space<semaphore_mem>>)
      %dma_wait3A_221 = arith.constant 0 : i32
      %dma_wait3A_222 = arith.constant 0 : i32
      %dma_wait3A_223 = tpu.memref_slice %arg9[%run_scoped3A_35, %dma_wait3A_221, %dma_wait3A_222] : memref<2x128x128xf32, #tpu.memory_space<vmem>> -> memref<1x128x128xf32, #tpu.memory_space<vmem>>
      %dma_wait3A_224 = tpu.memref_squeeze %dma_wait3A_223 : memref<1x128x128xf32, #tpu.memory_space<vmem>> -> memref<128x128xf32, #tpu.memory_space<vmem>>
      %dma_wait3A_225 = arith.constant 0 : i32
      %dma_wait3A_226 = tpu.memref_slice %arg10[%mul3A_34, %dma_wait3A_225] : memref<10240x128xf32, #tpu.memory_space<vmem_shared>> -> memref<128x128xf32, #tpu.memory_space<vmem_shared>>
      %dma_wait3A_227 = arith.constant 0 : i32
      %dma_wait3A_228 = tpu.memref_slice %arg10[%mul3A_34, %dma_wait3A_227] : memref<10240x128xf32, #tpu.memory_space<vmem_shared>> -> memref<128x128xf32, #tpu.memory_space<vmem_shared>>
      %dma_wait3A_229 = arith.constant 0 : i32
      %dma_wait3A_230 = arith.constant 0 : i32
      %dma_wait3A_231 = tpu.memref_slice %arg9[%run_scoped3A_35, %dma_wait3A_229, %dma_wait3A_230] : memref<2x128x128xf32, #tpu.memory_space<vmem>> -> memref<1x128x128xf32, #tpu.memory_space<vmem>>
      %dma_wait3A_232 = tpu.memref_squeeze %dma_wait3A_231 : memref<1x128x128xf32, #tpu.memory_space<vmem>> -> memref<128x128xf32, #tpu.memory_space<vmem>>
      tpu.wait_dma2 semaphore(%run_scoped3A_208 : memref<!tpu.dma_semaphore, #tpu.memory_space<semaphore_mem>>) src(%dma_wait3A_232 : memref<128x128xf32, #tpu.memory_space<vmem>>) dst(%dma_wait3A_228 : memref<128x128xf32, #tpu.memory_space<vmem_shared>>)
      tpu.yield
    }) : () -> ()
    "tpu.region"() ({
      %run_scoped3A_208 = tpu.sem_alloc : memref<!tpu.dma_semaphore, #tpu.memory_space<semaphore_mem>>
      %dma_start3A_209 = arith.constant 0 : i32
      %dma_start3A_210 = arith.constant 0 : i32
      %dma_start3A_211 = tpu.memref_slice %arg3[%add3A, %dma_start3A_209, %dma_start3A_210] : memref<32x80x128xi32, #tpu.memory_space<hbm>> -> memref<1x80x128xi32, #tpu.memory_space<hbm>>
      %dma_start3A_212 = tpu.memref_squeeze %dma_start3A_211 : memref<1x80x128xi32, #tpu.memory_space<hbm>> -> memref<80x128xi32, #tpu.memory_space<hbm>>
      %dma_start3A_213 = arith.constant 0 : i32
      %dma_start3A_214 = arith.constant 0 : i32
      %dma_start3A_215 = tpu.memref_slice %arg3[%add3A, %dma_start3A_213, %dma_start3A_214] : memref<32x80x128xi32, #tpu.memory_space<hbm>> -> memref<1x80x128xi32, #tpu.memory_space<hbm>>
      %dma_start3A_216 = tpu.memref_squeeze %dma_start3A_215 : memref<1x80x128xi32, #tpu.memory_space<hbm>> -> memref<80x128xi32, #tpu.memory_space<hbm>>
      tpu.enqueue_dma source(%dma_start3A_216 : memref<80x128xi32, #tpu.memory_space<hbm>>) target(%arg7 : memref<80x128xi32, #tpu.memory_space<vmem>>) target_semaphore(%run_scoped3A_208 : memref<!tpu.dma_semaphore, #tpu.memory_space<semaphore_mem>>)
      %dma_wait3A_217 = arith.constant 0 : i32
      %dma_wait3A_218 = arith.constant 0 : i32
      %dma_wait3A_219 = tpu.memref_slice %arg3[%add3A, %dma_wait3A_217, %dma_wait3A_218] : memref<32x80x128xi32, #tpu.memory_space<hbm>> -> memref<1x80x128xi32, #tpu.memory_space<hbm>>
      %dma_wait3A_220 = tpu.memref_squeeze %dma_wait3A_219 : memref<1x80x128xi32, #tpu.memory_space<hbm>> -> memref<80x128xi32, #tpu.memory_space<hbm>>
      %dma_wait3A_221 = arith.constant 0 : i32
      %dma_wait3A_222 = arith.constant 0 : i32
      %dma_wait3A_223 = tpu.memref_slice %arg3[%add3A, %dma_wait3A_221, %dma_wait3A_222] : memref<32x80x128xi32, #tpu.memory_space<hbm>> -> memref<1x80x128xi32, #tpu.memory_space<hbm>>
      %dma_wait3A_224 = tpu.memref_squeeze %dma_wait3A_223 : memref<1x80x128xi32, #tpu.memory_space<hbm>> -> memref<80x128xi32, #tpu.memory_space<hbm>>
      tpu.wait_dma2 semaphore(%run_scoped3A_208 : memref<!tpu.dma_semaphore, #tpu.memory_space<semaphore_mem>>) src(%dma_wait3A_224 : memref<80x128xi32, #tpu.memory_space<hbm>>) dst(%arg7 : memref<80x128xi32, #tpu.memory_space<vmem>>)
      tpu.yield
    }) : () -> ()
    %barrier3A = arith.constant 0 : index
    tpu.barrier barrier_id(%barrier3A)
    %dma_start3A = arith.constant 0 : i32
    %dma_start3A_36 = arith.constant 0 : i32
    %dma_start3A_37 = arith.constant 0 : i32
    %dma_start3A_38 = arith.constant 0 : i32
    %dma_start3A_39 = arith.constant 0 : i32
    %dma_start3A_40 = tpu.memref_slice %arg9[%dma_start3A_36, %dma_start3A_38, %dma_start3A_39] : memref<2x128x128xf32, #tpu.memory_space<vmem>> -> memref<1x128x128xf32, #tpu.memory_space<vmem>>
    %dma_start3A_41 = tpu.memref_squeeze %dma_start3A_40 : memref<1x128x128xf32, #tpu.memory_space<vmem>> -> memref<128x128xf32, #tpu.memory_space<vmem>>
    %dma_start3A_42 = arith.constant 0 : i32
    %dma_start3A_43 = tpu.memref_slice %arg7[%dma_start3A, %dma_start3A_42] : memref<80x128xi32, #tpu.memory_space<vmem>> -> memref<1x128xi32, #tpu.memory_space<vmem>>
    %dma_start3A_44 = tpu.memref_squeeze %dma_start3A_43 : memref<1x128xi32, #tpu.memory_space<vmem>> -> memref<128xi32, #tpu.memory_space<vmem>>
    %dma_start3A_45 = arith.constant 0 : i32
    %dma_start3A_46 = arith.constant 0 : i32
    %dma_start3A_47 = tpu.memref_slice %arg2[%dma_start3A_45, %dma_start3A_46] : memref<10000x128xf32, #tpu.memory_space<hbm>> -> memref<10000x128xf32, #tpu.memory_space<hbm>>
    %dma_start3A_48 = tpu.memref_slice %arg11[%dma_start3A_37] : memref<2x!tpu.dma_semaphore, #tpu.memory_space<semaphore_mem>> -> memref<1x!tpu.dma_semaphore, #tpu.memory_space<semaphore_mem>>
    %dma_start3A_49 = tpu.memref_squeeze %dma_start3A_48 : memref<1x!tpu.dma_semaphore, #tpu.memory_space<semaphore_mem>> -> memref<!tpu.dma_semaphore, #tpu.memory_space<semaphore_mem>>
    tpu.enqueue_indirect_dma source(%dma_start3A_47 : memref<10000x128xf32, #tpu.memory_space<hbm>>) target(%dma_start3A_41 : memref<128x128xf32, #tpu.memory_space<vmem>>) offsets(%dma_start3A_44 : memref<128xi32, #tpu.memory_space<vmem>>) semaphore(%dma_start3A_49 : memref<!tpu.dma_semaphore, #tpu.memory_space<semaphore_mem>>)
    %dma_start3A_50 = arith.constant 0 : i32
    %dma_start3A_51 = arith.constant 0 : i32
    %dma_start3A_52 = arith.constant 0 : i32
    %dma_start3A_53 = arith.constant 0 : i32
    %dma_start3A_54 = tpu.memref_slice %arg8[%dma_start3A_51, %dma_start3A_53] : memref<2x128xi32, #tpu.memory_space<vmem>> -> memref<1x128xi32, #tpu.memory_space<vmem>>
    %dma_start3A_55 = tpu.memref_squeeze %dma_start3A_54 : memref<1x128xi32, #tpu.memory_space<vmem>> -> memref<128xi32, #tpu.memory_space<vmem>>
    %dma_start3A_56 = arith.constant 0 : i32
    %dma_start3A_57 = tpu.memref_slice %arg4[%add3A, %dma_start3A_50, %dma_start3A_56] : memref<32x80x128xi32, #tpu.memory_space<hbm>> -> memref<1x1x128xi32, #tpu.memory_space<hbm>>
    %dma_start3A_58 = tpu.memref_squeeze %dma_start3A_57 : memref<1x1x128xi32, #tpu.memory_space<hbm>> -> memref<128xi32, #tpu.memory_space<hbm>>
    %dma_start3A_59 = tpu.memref_slice %arg12[%dma_start3A_52] : memref<2x!tpu.dma_semaphore, #tpu.memory_space<semaphore_mem>> -> memref<1x!tpu.dma_semaphore, #tpu.memory_space<semaphore_mem>>
    %dma_start3A_60 = tpu.memref_squeeze %dma_start3A_59 : memref<1x!tpu.dma_semaphore, #tpu.memory_space<semaphore_mem>> -> memref<!tpu.dma_semaphore, #tpu.memory_space<semaphore_mem>>
    %dma_start3A_61 = arith.constant 0 : i32
    %dma_start3A_62 = tpu.memref_slice %arg8[%dma_start3A_51, %dma_start3A_61] : memref<2x128xi32, #tpu.memory_space<vmem>> -> memref<1x128xi32, #tpu.memory_space<vmem>>
    %dma_start3A_63 = tpu.memref_squeeze %dma_start3A_62 : memref<1x128xi32, #tpu.memory_space<vmem>> -> memref<128xi32, #tpu.memory_space<vmem>>
    %dma_start3A_64 = arith.constant 0 : i32
    %dma_start3A_65 = tpu.memref_slice %arg4[%add3A, %dma_start3A_50, %dma_start3A_64] : memref<32x80x128xi32, #tpu.memory_space<hbm>> -> memref<1x1x128xi32, #tpu.memory_space<hbm>>
    %dma_start3A_66 = tpu.memref_squeeze %dma_start3A_65 : memref<1x1x128xi32, #tpu.memory_space<hbm>> -> memref<128xi32, #tpu.memory_space<hbm>>
    tpu.enqueue_dma source(%dma_start3A_66 : memref<128xi32, #tpu.memory_space<hbm>>) target(%dma_start3A_63 : memref<128xi32, #tpu.memory_space<vmem>>) target_semaphore(%dma_start3A_60 : memref<!tpu.dma_semaphore, #tpu.memory_space<semaphore_mem>>)
    %dma_start3A_67 = arith.constant 1 : i32
    %dma_start3A_68 = arith.constant 1 : i32
    %dma_start3A_69 = arith.constant 1 : i32
    %dma_start3A_70 = arith.constant 0 : i32
    %dma_start3A_71 = arith.constant 0 : i32
    %dma_start3A_72 = tpu.memref_slice %arg9[%dma_start3A_68, %dma_start3A_70, %dma_start3A_71] : memref<2x128x128xf32, #tpu.memory_space<vmem>> -> memref<1x128x128xf32, #tpu.memory_space<vmem>>
    %dma_start3A_73 = tpu.memref_squeeze %dma_start3A_72 : memref<1x128x128xf32, #tpu.memory_space<vmem>> -> memref<128x128xf32, #tpu.memory_space<vmem>>
    %dma_start3A_74 = arith.constant 0 : i32
    %dma_start3A_75 = tpu.memref_slice %arg7[%dma_start3A_67, %dma_start3A_74] : memref<80x128xi32, #tpu.memory_space<vmem>> -> memref<1x128xi32, #tpu.memory_space<vmem>>
    %dma_start3A_76 = tpu.memref_squeeze %dma_start3A_75 : memref<1x128xi32, #tpu.memory_space<vmem>> -> memref<128xi32, #tpu.memory_space<vmem>>
    %dma_start3A_77 = arith.constant 0 : i32
    %dma_start3A_78 = arith.constant 0 : i32
    %dma_start3A_79 = tpu.memref_slice %arg2[%dma_start3A_77, %dma_start3A_78] : memref<10000x128xf32, #tpu.memory_space<hbm>> -> memref<10000x128xf32, #tpu.memory_space<hbm>>
    %dma_start3A_80 = tpu.memref_slice %arg11[%dma_start3A_69] : memref<2x!tpu.dma_semaphore, #tpu.memory_space<semaphore_mem>> -> memref<1x!tpu.dma_semaphore, #tpu.memory_space<semaphore_mem>>
    %dma_start3A_81 = tpu.memref_squeeze %dma_start3A_80 : memref<1x!tpu.dma_semaphore, #tpu.memory_space<semaphore_mem>> -> memref<!tpu.dma_semaphore, #tpu.memory_space<semaphore_mem>>
    tpu.enqueue_indirect_dma source(%dma_start3A_79 : memref<10000x128xf32, #tpu.memory_space<hbm>>) target(%dma_start3A_73 : memref<128x128xf32, #tpu.memory_space<vmem>>) offsets(%dma_start3A_76 : memref<128xi32, #tpu.memory_space<vmem>>) semaphore(%dma_start3A_81 : memref<!tpu.dma_semaphore, #tpu.memory_space<semaphore_mem>>)
    %dma_start3A_82 = arith.constant 1 : i32
    %dma_start3A_83 = arith.constant 1 : i32
    %dma_start3A_84 = arith.constant 1 : i32
    %dma_start3A_85 = arith.constant 0 : i32
    %dma_start3A_86 = tpu.memref_slice %arg8[%dma_start3A_83, %dma_start3A_85] : memref<2x128xi32, #tpu.memory_space<vmem>> -> memref<1x128xi32, #tpu.memory_space<vmem>>
    %dma_start3A_87 = tpu.memref_squeeze %dma_start3A_86 : memref<1x128xi32, #tpu.memory_space<vmem>> -> memref<128xi32, #tpu.memory_space<vmem>>
    %dma_start3A_88 = arith.constant 0 : i32
    %dma_start3A_89 = tpu.memref_slice %arg4[%add3A, %dma_start3A_82, %dma_start3A_88] : memref<32x80x128xi32, #tpu.memory_space<hbm>> -> memref<1x1x128xi32, #tpu.memory_space<hbm>>
    %dma_start3A_90 = tpu.memref_squeeze %dma_start3A_89 : memref<1x1x128xi32, #tpu.memory_space<hbm>> -> memref<128xi32, #tpu.memory_space<hbm>>
    %dma_start3A_91 = tpu.memref_slice %arg12[%dma_start3A_84] : memref<2x!tpu.dma_semaphore, #tpu.memory_space<semaphore_mem>> -> memref<1x!tpu.dma_semaphore, #tpu.memory_space<semaphore_mem>>
    %dma_start3A_92 = tpu.memref_squeeze %dma_start3A_91 : memref<1x!tpu.dma_semaphore, #tpu.memory_space<semaphore_mem>> -> memref<!tpu.dma_semaphore, #tpu.memory_space<semaphore_mem>>
    %dma_start3A_93 = arith.constant 0 : i32
    %dma_start3A_94 = tpu.memref_slice %arg8[%dma_start3A_83, %dma_start3A_93] : memref<2x128xi32, #tpu.memory_space<vmem>> -> memref<1x128xi32, #tpu.memory_space<vmem>>
    %dma_start3A_95 = tpu.memref_squeeze %dma_start3A_94 : memref<1x128xi32, #tpu.memory_space<vmem>> -> memref<128xi32, #tpu.memory_space<vmem>>
    %dma_start3A_96 = arith.constant 0 : i32
    %dma_start3A_97 = tpu.memref_slice %arg4[%add3A, %dma_start3A_82, %dma_start3A_96] : memref<32x80x128xi32, #tpu.memory_space<hbm>> -> memref<1x1x128xi32, #tpu.memory_space<hbm>>
    %dma_start3A_98 = tpu.memref_squeeze %dma_start3A_97 : memref<1x1x128xi32, #tpu.memory_space<hbm>> -> memref<128xi32, #tpu.memory_space<hbm>>
    tpu.enqueue_dma source(%dma_start3A_98 : memref<128xi32, #tpu.memory_space<hbm>>) target(%dma_start3A_95 : memref<128xi32, #tpu.memory_space<vmem>>) target_semaphore(%dma_start3A_92 : memref<!tpu.dma_semaphore, #tpu.memory_space<semaphore_mem>>)
    %scan3A = arith.constant 0 : i32
    %scan3A_99 = arith.constant 0 : i32
    %scan3A_100 = arith.constant 40 : i32
    %scan3A_101 = arith.addi %scan3A_99, %scan3A_100 : i32
    %scan3A_102 = arith.constant 1 : i32
    scf.for %scan3A_208 = %scan3A_99 to %scan3A_101 step %scan3A_102  : i32 {
      %mul3A_209 = arith.constant 2 : i32
      %mul3A_210 = arith.muli %scan3A_208, %mul3A_209 : i32
      %add3A_211 = arith.constant 0 : i32
      %add3A_212 = arith.addi %mul3A_210, %add3A_211 : i32
      %dma_wait3A_213 = arith.constant 0 : i32
      %dma_wait3A_214 = arith.constant 0 : i32
      %dma_wait3A_215 = arith.constant 0 : i32
      %dma_wait3A_216 = tpu.memref_slice %arg8[%dma_wait3A_213, %dma_wait3A_215] : memref<2x128xi32, #tpu.memory_space<vmem>> -> memref<1x128xi32, #tpu.memory_space<vmem>>
      %dma_wait3A_217 = tpu.memref_squeeze %dma_wait3A_216 : memref<1x128xi32, #tpu.memory_space<vmem>> -> memref<128xi32, #tpu.memory_space<vmem>>
      %dma_wait3A_218 = arith.constant 0 : i32
      %dma_wait3A_219 = tpu.memref_slice %arg4[%add3A, %add3A_212, %dma_wait3A_218] : memref<32x80x128xi32, #tpu.memory_space<hbm>> -> memref<1x1x128xi32, #tpu.memory_space<hbm>>
      %dma_wait3A_220 = tpu.memref_squeeze %dma_wait3A_219 : memref<1x1x128xi32, #tpu.memory_space<hbm>> -> memref<128xi32, #tpu.memory_space<hbm>>
      %dma_wait3A_221 = tpu.memref_slice %arg12[%dma_wait3A_214] : memref<2x!tpu.dma_semaphore, #tpu.memory_space<semaphore_mem>> -> memref<1x!tpu.dma_semaphore, #tpu.memory_space<semaphore_mem>>
      %dma_wait3A_222 = tpu.memref_squeeze %dma_wait3A_221 : memref<1x!tpu.dma_semaphore, #tpu.memory_space<semaphore_mem>> -> memref<!tpu.dma_semaphore, #tpu.memory_space<semaphore_mem>>
      %dma_wait3A_223 = arith.constant 0 : i32
      %dma_wait3A_224 = tpu.memref_slice %arg8[%dma_wait3A_213, %dma_wait3A_223] : memref<2x128xi32, #tpu.memory_space<vmem>> -> memref<1x128xi32, #tpu.memory_space<vmem>>
      %dma_wait3A_225 = tpu.memref_squeeze %dma_wait3A_224 : memref<1x128xi32, #tpu.memory_space<vmem>> -> memref<128xi32, #tpu.memory_space<vmem>>
      %dma_wait3A_226 = arith.constant 0 : i32
      %dma_wait3A_227 = tpu.memref_slice %arg4[%add3A, %add3A_212, %dma_wait3A_226] : memref<32x80x128xi32, #tpu.memory_space<hbm>> -> memref<1x1x128xi32, #tpu.memory_space<hbm>>
      %dma_wait3A_228 = tpu.memref_squeeze %dma_wait3A_227 : memref<1x1x128xi32, #tpu.memory_space<hbm>> -> memref<128xi32, #tpu.memory_space<hbm>>
      tpu.wait_dma2 semaphore(%dma_wait3A_222 : memref<!tpu.dma_semaphore, #tpu.memory_space<semaphore_mem>>) src(%dma_wait3A_228 : memref<128xi32, #tpu.memory_space<hbm>>) dst(%dma_wait3A_225 : memref<128xi32, #tpu.memory_space<vmem>>)
      %dma_wait3A_229 = arith.constant 0 : i32
      %dma_wait3A_230 = arith.constant 0 : i32
      %dma_wait3A_231 = arith.constant 0 : i32
      %dma_wait3A_232 = arith.constant 0 : i32
      %dma_wait3A_233 = arith.constant 0 : i32
      %dma_wait3A_234 = tpu.memref_slice %arg9[%dma_wait3A_230, %dma_wait3A_232, %dma_wait3A_233] : memref<2x128x128xf32, #tpu.memory_space<vmem>> -> memref<1x128x128xf32, #tpu.memory_space<vmem>>
      %dma_wait3A_235 = tpu.memref_squeeze %dma_wait3A_234 : memref<1x128x128xf32, #tpu.memory_space<vmem>> -> memref<128x128xf32, #tpu.memory_space<vmem>>
      %dma_wait3A_236 = arith.constant 0 : i32
      %dma_wait3A_237 = tpu.memref_slice %arg7[%dma_wait3A_229, %dma_wait3A_236] : memref<80x128xi32, #tpu.memory_space<vmem>> -> memref<1x128xi32, #tpu.memory_space<vmem>>
      %dma_wait3A_238 = tpu.memref_squeeze %dma_wait3A_237 : memref<1x128xi32, #tpu.memory_space<vmem>> -> memref<128xi32, #tpu.memory_space<vmem>>
      %dma_wait3A_239 = arith.constant 0 : i32
      %dma_wait3A_240 = arith.constant 0 : i32
      %dma_wait3A_241 = tpu.memref_slice %arg2[%dma_wait3A_239, %dma_wait3A_240] : memref<10000x128xf32, #tpu.memory_space<hbm>> -> memref<10000x128xf32, #tpu.memory_space<hbm>>
      %dma_wait3A_242 = tpu.memref_slice %arg11[%dma_wait3A_231] : memref<2x!tpu.dma_semaphore, #tpu.memory_space<semaphore_mem>> -> memref<1x!tpu.dma_semaphore, #tpu.memory_space<semaphore_mem>>
      %dma_wait3A_243 = tpu.memref_squeeze %dma_wait3A_242 : memref<1x!tpu.dma_semaphore, #tpu.memory_space<semaphore_mem>> -> memref<!tpu.dma_semaphore, #tpu.memory_space<semaphore_mem>>
      tpu.wait_indirect_dma semaphore(%dma_wait3A_243 : memref<!tpu.dma_semaphore, #tpu.memory_space<semaphore_mem>>) src(%dma_wait3A_241 : memref<10000x128xf32, #tpu.memory_space<hbm>>) dst(%dma_wait3A_235 : memref<128x128xf32, #tpu.memory_space<vmem>>)
      %run_scoped3A_244 = arith.constant 0 : i32
      %run_scoped3A_245 = arith.constant 0 : i32
      "tpu.region"() ({
        %run_scoped3A_350 = tpu.sem_alloc : memref<!tpu.dma_semaphore, #tpu.memory_space<semaphore_mem>>
        %dma_start3A_351 = arith.constant 0 : i32
        %dma_start3A_352 = arith.constant 0 : i32
        %dma_start3A_353 = tpu.memref_slice %arg9[%run_scoped3A_244, %dma_start3A_351, %dma_start3A_352] : memref<2x128x128xf32, #tpu.memory_space<vmem>> -> memref<1x128x128xf32, #tpu.memory_space<vmem>>
        %dma_start3A_354 = tpu.memref_squeeze %dma_start3A_353 : memref<1x128x128xf32, #tpu.memory_space<vmem>> -> memref<128x128xf32, #tpu.memory_space<vmem>>
        %dma_start3A_355 = arith.constant 0 : i32
        %dma_start3A_356 = tpu.memref_slice %arg8[%run_scoped3A_245, %dma_start3A_355] : memref<2x128xi32, #tpu.memory_space<vmem>> -> memref<1x128xi32, #tpu.memory_space<vmem>>
        %dma_start3A_357 = tpu.memref_squeeze %dma_start3A_356 : memref<1x128xi32, #tpu.memory_space<vmem>> -> memref<128xi32, #tpu.memory_space<vmem>>
        %dma_start3A_358 = arith.constant 0 : i32
        %dma_start3A_359 = arith.constant 0 : i32
        %dma_start3A_360 = tpu.memref_slice %arg10[%dma_start3A_358, %dma_start3A_359] : memref<10240x128xf32, #tpu.memory_space<vmem_shared>> -> memref<10240x128xf32, #tpu.memory_space<vmem_shared>>
        tpu.enqueue_indirect_dma source(%dma_start3A_354 : memref<128x128xf32, #tpu.memory_space<vmem>>) target(%dma_start3A_360 : memref<10240x128xf32, #tpu.memory_space<vmem_shared>>) offsets(%dma_start3A_357 : memref<128xi32, #tpu.memory_space<vmem>>) semaphore(%run_scoped3A_350 : memref<!tpu.dma_semaphore, #tpu.memory_space<semaphore_mem>>) {add = true}
        %dma_wait3A_361 = arith.constant 0 : i32
        %dma_wait3A_362 = arith.constant 0 : i32
        %dma_wait3A_363 = tpu.memref_slice %arg9[%run_scoped3A_244, %dma_wait3A_361, %dma_wait3A_362] : memref<2x128x128xf32, #tpu.memory_space<vmem>> -> memref<1x128x128xf32, #tpu.memory_space<vmem>>
        %dma_wait3A_364 = tpu.memref_squeeze %dma_wait3A_363 : memref<1x128x128xf32, #tpu.memory_space<vmem>> -> memref<128x128xf32, #tpu.memory_space<vmem>>
        %dma_wait3A_365 = arith.constant 0 : i32
        %dma_wait3A_366 = tpu.memref_slice %arg8[%run_scoped3A_245, %dma_wait3A_365] : memref<2x128xi32, #tpu.memory_space<vmem>> -> memref<1x128xi32, #tpu.memory_space<vmem>>
        %dma_wait3A_367 = tpu.memref_squeeze %dma_wait3A_366 : memref<1x128xi32, #tpu.memory_space<vmem>> -> memref<128xi32, #tpu.memory_space<vmem>>
        %dma_wait3A_368 = arith.constant 0 : i32
        %dma_wait3A_369 = arith.constant 0 : i32
        %dma_wait3A_370 = tpu.memref_slice %arg10[%dma_wait3A_368, %dma_wait3A_369] : memref<10240x128xf32, #tpu.memory_space<vmem_shared>> -> memref<10240x128xf32, #tpu.memory_space<vmem_shared>>
        tpu.wait_indirect_dma semaphore(%run_scoped3A_350 : memref<!tpu.dma_semaphore, #tpu.memory_space<semaphore_mem>>) src(%dma_wait3A_364 : memref<128x128xf32, #tpu.memory_space<vmem>>) dst(%dma_wait3A_370 : memref<10240x128xf32, #tpu.memory_space<vmem_shared>>)
        tpu.yield
      }) : () -> ()
      %add3A_246 = arith.constant 2 : i32
      %add3A_247 = arith.addi %add3A_212, %add3A_246 : i32
      %rem3A = arith.constant 80 : i32
      %rem3A_248 = arith.remsi %add3A_247, %rem3A : i32
      %dma_start3A_249 = arith.constant 0 : i32
      %dma_start3A_250 = arith.constant 0 : i32
      %dma_start3A_251 = arith.constant 0 : i32
      %dma_start3A_252 = arith.constant 0 : i32
      %dma_start3A_253 = tpu.memref_slice %arg9[%dma_start3A_249, %dma_start3A_251, %dma_start3A_252] : memref<2x128x128xf32, #tpu.memory_space<vmem>> -> memref<1x128x128xf32, #tpu.memory_space<vmem>>
      %dma_start3A_254 = tpu.memref_squeeze %dma_start3A_253 : memref<1x128x128xf32, #tpu.memory_space<vmem>> -> memref<128x128xf32, #tpu.memory_space<vmem>>
      %dma_start3A_255 = arith.constant 0 : i32
      %dma_start3A_256 = tpu.memref_slice %arg7[%rem3A_248, %dma_start3A_255] : memref<80x128xi32, #tpu.memory_space<vmem>> -> memref<1x128xi32, #tpu.memory_space<vmem>>
      %dma_start3A_257 = tpu.memref_squeeze %dma_start3A_256 : memref<1x128xi32, #tpu.memory_space<vmem>> -> memref<128xi32, #tpu.memory_space<vmem>>
      %dma_start3A_258 = arith.constant 0 : i32
      %dma_start3A_259 = arith.constant 0 : i32
      %dma_start3A_260 = tpu.memref_slice %arg2[%dma_start3A_258, %dma_start3A_259] : memref<10000x128xf32, #tpu.memory_space<hbm>> -> memref<10000x128xf32, #tpu.memory_space<hbm>>
      %dma_start3A_261 = tpu.memref_slice %arg11[%dma_start3A_250] : memref<2x!tpu.dma_semaphore, #tpu.memory_space<semaphore_mem>> -> memref<1x!tpu.dma_semaphore, #tpu.memory_space<semaphore_mem>>
      %dma_start3A_262 = tpu.memref_squeeze %dma_start3A_261 : memref<1x!tpu.dma_semaphore, #tpu.memory_space<semaphore_mem>> -> memref<!tpu.dma_semaphore, #tpu.memory_space<semaphore_mem>>
      tpu.enqueue_indirect_dma source(%dma_start3A_260 : memref<10000x128xf32, #tpu.memory_space<hbm>>) target(%dma_start3A_254 : memref<128x128xf32, #tpu.memory_space<vmem>>) offsets(%dma_start3A_257 : memref<128xi32, #tpu.memory_space<vmem>>) semaphore(%dma_start3A_262 : memref<!tpu.dma_semaphore, #tpu.memory_space<semaphore_mem>>)
      %dma_start3A_263 = arith.constant 0 : i32
      %dma_start3A_264 = arith.constant 0 : i32
      %dma_start3A_265 = arith.constant 0 : i32
      %dma_start3A_266 = tpu.memref_slice %arg8[%dma_start3A_263, %dma_start3A_265] : memref<2x128xi32, #tpu.memory_space<vmem>> -> memref<1x128xi32, #tpu.memory_space<vmem>>
      %dma_start3A_267 = tpu.memref_squeeze %dma_start3A_266 : memref<1x128xi32, #tpu.memory_space<vmem>> -> memref<128xi32, #tpu.memory_space<vmem>>
      %dma_start3A_268 = arith.constant 0 : i32
      %dma_start3A_269 = tpu.memref_slice %arg4[%add3A, %rem3A_248, %dma_start3A_268] : memref<32x80x128xi32, #tpu.memory_space<hbm>> -> memref<1x1x128xi32, #tpu.memory_space<hbm>>
      %dma_start3A_270 = tpu.memref_squeeze %dma_start3A_269 : memref<1x1x128xi32, #tpu.memory_space<hbm>> -> memref<128xi32, #tpu.memory_space<hbm>>
      %dma_start3A_271 = tpu.memref_slice %arg12[%dma_start3A_264] : memref<2x!tpu.dma_semaphore, #tpu.memory_space<semaphore_mem>> -> memref<1x!tpu.dma_semaphore, #tpu.memory_space<semaphore_mem>>
      %dma_start3A_272 = tpu.memref_squeeze %dma_start3A_271 : memref<1x!tpu.dma_semaphore, #tpu.memory_space<semaphore_mem>> -> memref<!tpu.dma_semaphore, #tpu.memory_space<semaphore_mem>>
      %dma_start3A_273 = arith.constant 0 : i32
      %dma_start3A_274 = tpu.memref_slice %arg8[%dma_start3A_263, %dma_start3A_273] : memref<2x128xi32, #tpu.memory_space<vmem>> -> memref<1x128xi32, #tpu.memory_space<vmem>>
      %dma_start3A_275 = tpu.memref_squeeze %dma_start3A_274 : memref<1x128xi32, #tpu.memory_space<vmem>> -> memref<128xi32, #tpu.memory_space<vmem>>
      %dma_start3A_276 = arith.constant 0 : i32
      %dma_start3A_277 = tpu.memref_slice %arg4[%add3A, %rem3A_248, %dma_start3A_276] : memref<32x80x128xi32, #tpu.memory_space<hbm>> -> memref<1x1x128xi32, #tpu.memory_space<hbm>>
      %dma_start3A_278 = tpu.memref_squeeze %dma_start3A_277 : memref<1x1x128xi32, #tpu.memory_space<hbm>> -> memref<128xi32, #tpu.memory_space<hbm>>
      tpu.enqueue_dma source(%dma_start3A_278 : memref<128xi32, #tpu.memory_space<hbm>>) target(%dma_start3A_275 : memref<128xi32, #tpu.memory_space<vmem>>) target_semaphore(%dma_start3A_272 : memref<!tpu.dma_semaphore, #tpu.memory_space<semaphore_mem>>)
      %mul3A_279 = arith.constant 2 : i32
      %mul3A_280 = arith.muli %scan3A_208, %mul3A_279 : i32
      %add3A_281 = arith.constant 1 : i32
      %add3A_282 = arith.addi %mul3A_280, %add3A_281 : i32
      %dma_wait3A_283 = arith.constant 1 : i32
      %dma_wait3A_284 = arith.constant 1 : i32
      %dma_wait3A_285 = arith.constant 0 : i32
      %dma_wait3A_286 = tpu.memref_slice %arg8[%dma_wait3A_283, %dma_wait3A_285] : memref<2x128xi32, #tpu.memory_space<vmem>> -> memref<1x128xi32, #tpu.memory_space<vmem>>
      %dma_wait3A_287 = tpu.memref_squeeze %dma_wait3A_286 : memref<1x128xi32, #tpu.memory_space<vmem>> -> memref<128xi32, #tpu.memory_space<vmem>>
      %dma_wait3A_288 = arith.constant 0 : i32
      %dma_wait3A_289 = tpu.memref_slice %arg4[%add3A, %add3A_282, %dma_wait3A_288] : memref<32x80x128xi32, #tpu.memory_space<hbm>> -> memref<1x1x128xi32, #tpu.memory_space<hbm>>
      %dma_wait3A_290 = tpu.memref_squeeze %dma_wait3A_289 : memref<1x1x128xi32, #tpu.memory_space<hbm>> -> memref<128xi32, #tpu.memory_space<hbm>>
      %dma_wait3A_291 = tpu.memref_slice %arg12[%dma_wait3A_284] : memref<2x!tpu.dma_semaphore, #tpu.memory_space<semaphore_mem>> -> memref<1x!tpu.dma_semaphore, #tpu.memory_space<semaphore_mem>>
      %dma_wait3A_292 = tpu.memref_squeeze %dma_wait3A_291 : memref<1x!tpu.dma_semaphore, #tpu.memory_space<semaphore_mem>> -> memref<!tpu.dma_semaphore, #tpu.memory_space<semaphore_mem>>
      %dma_wait3A_293 = arith.constant 0 : i32
      %dma_wait3A_294 = tpu.memref_slice %arg8[%dma_wait3A_283, %dma_wait3A_293] : memref<2x128xi32, #tpu.memory_space<vmem>> -> memref<1x128xi32, #tpu.memory_space<vmem>>
      %dma_wait3A_295 = tpu.memref_squeeze %dma_wait3A_294 : memref<1x128xi32, #tpu.memory_space<vmem>> -> memref<128xi32, #tpu.memory_space<vmem>>
      %dma_wait3A_296 = arith.constant 0 : i32
      %dma_wait3A_297 = tpu.memref_slice %arg4[%add3A, %add3A_282, %dma_wait3A_296] : memref<32x80x128xi32, #tpu.memory_space<hbm>> -> memref<1x1x128xi32, #tpu.memory_space<hbm>>
      %dma_wait3A_298 = tpu.memref_squeeze %dma_wait3A_297 : memref<1x1x128xi32, #tpu.memory_space<hbm>> -> memref<128xi32, #tpu.memory_space<hbm>>
      tpu.wait_dma2 semaphore(%dma_wait3A_292 : memref<!tpu.dma_semaphore, #tpu.memory_space<semaphore_mem>>) src(%dma_wait3A_298 : memref<128xi32, #tpu.memory_space<hbm>>) dst(%dma_wait3A_295 : memref<128xi32, #tpu.memory_space<vmem>>)
      %dma_wait3A_299 = arith.constant 1 : i32
      %dma_wait3A_300 = arith.constant 1 : i32
      %dma_wait3A_301 = arith.constant 1 : i32
      %dma_wait3A_302 = arith.constant 0 : i32
      %dma_wait3A_303 = arith.constant 0 : i32
      %dma_wait3A_304 = tpu.memref_slice %arg9[%dma_wait3A_300, %dma_wait3A_302, %dma_wait3A_303] : memref<2x128x128xf32, #tpu.memory_space<vmem>> -> memref<1x128x128xf32, #tpu.memory_space<vmem>>
      %dma_wait3A_305 = tpu.memref_squeeze %dma_wait3A_304 : memref<1x128x128xf32, #tpu.memory_space<vmem>> -> memref<128x128xf32, #tpu.memory_space<vmem>>
      %dma_wait3A_306 = arith.constant 0 : i32
      %dma_wait3A_307 = tpu.memref_slice %arg7[%dma_wait3A_299, %dma_wait3A_306] : memref<80x128xi32, #tpu.memory_space<vmem>> -> memref<1x128xi32, #tpu.memory_space<vmem>>
      %dma_wait3A_308 = tpu.memref_squeeze %dma_wait3A_307 : memref<1x128xi32, #tpu.memory_space<vmem>> -> memref<128xi32, #tpu.memory_space<vmem>>
      %dma_wait3A_309 = arith.constant 0 : i32
      %dma_wait3A_310 = arith.constant 0 : i32
      %dma_wait3A_311 = tpu.memref_slice %arg2[%dma_wait3A_309, %dma_wait3A_310] : memref<10000x128xf32, #tpu.memory_space<hbm>> -> memref<10000x128xf32, #tpu.memory_space<hbm>>
      %dma_wait3A_312 = tpu.memref_slice %arg11[%dma_wait3A_301] : memref<2x!tpu.dma_semaphore, #tpu.memory_space<semaphore_mem>> -> memref<1x!tpu.dma_semaphore, #tpu.memory_space<semaphore_mem>>
      %dma_wait3A_313 = tpu.memref_squeeze %dma_wait3A_312 : memref<1x!tpu.dma_semaphore, #tpu.memory_space<semaphore_mem>> -> memref<!tpu.dma_semaphore, #tpu.memory_space<semaphore_mem>>
      tpu.wait_indirect_dma semaphore(%dma_wait3A_313 : memref<!tpu.dma_semaphore, #tpu.memory_space<semaphore_mem>>) src(%dma_wait3A_311 : memref<10000x128xf32, #tpu.memory_space<hbm>>) dst(%dma_wait3A_305 : memref<128x128xf32, #tpu.memory_space<vmem>>)
      %run_scoped3A_314 = arith.constant 1 : i32
      %run_scoped3A_315 = arith.constant 1 : i32
      "tpu.region"() ({
        %run_scoped3A_350 = tpu.sem_alloc : memref<!tpu.dma_semaphore, #tpu.memory_space<semaphore_mem>>
        %dma_start3A_351 = arith.constant 0 : i32
        %dma_start3A_352 = arith.constant 0 : i32
        %dma_start3A_353 = tpu.memref_slice %arg9[%run_scoped3A_314, %dma_start3A_351, %dma_start3A_352] : memref<2x128x128xf32, #tpu.memory_space<vmem>> -> memref<1x128x128xf32, #tpu.memory_space<vmem>>
        %dma_start3A_354 = tpu.memref_squeeze %dma_start3A_353 : memref<1x128x128xf32, #tpu.memory_space<vmem>> -> memref<128x128xf32, #tpu.memory_space<vmem>>
        %dma_start3A_355 = arith.constant 0 : i32
        %dma_start3A_356 = tpu.memref_slice %arg8[%run_scoped3A_315, %dma_start3A_355] : memref<2x128xi32, #tpu.memory_space<vmem>> -> memref<1x128xi32, #tpu.memory_space<vmem>>
        %dma_start3A_357 = tpu.memref_squeeze %dma_start3A_356 : memref<1x128xi32, #tpu.memory_space<vmem>> -> memref<128xi32, #tpu.memory_space<vmem>>
        %dma_start3A_358 = arith.constant 0 : i32
        %dma_start3A_359 = arith.constant 0 : i32
        %dma_start3A_360 = tpu.memref_slice %arg10[%dma_start3A_358, %dma_start3A_359] : memref<10240x128xf32, #tpu.memory_space<vmem_shared>> -> memref<10240x128xf32, #tpu.memory_space<vmem_shared>>
        tpu.enqueue_indirect_dma source(%dma_start3A_354 : memref<128x128xf32, #tpu.memory_space<vmem>>) target(%dma_start3A_360 : memref<10240x128xf32, #tpu.memory_space<vmem_shared>>) offsets(%dma_start3A_357 : memref<128xi32, #tpu.memory_space<vmem>>) semaphore(%run_scoped3A_350 : memref<!tpu.dma_semaphore, #tpu.memory_space<semaphore_mem>>) {add = true}
        %dma_wait3A_361 = arith.constant 0 : i32
        %dma_wait3A_362 = arith.constant 0 : i32
        %dma_wait3A_363 = tpu.memref_slice %arg9[%run_scoped3A_314, %dma_wait3A_361, %dma_wait3A_362] : memref<2x128x128xf32, #tpu.memory_space<vmem>> -> memref<1x128x128xf32, #tpu.memory_space<vmem>>
        %dma_wait3A_364 = tpu.memref_squeeze %dma_wait3A_363 : memref<1x128x128xf32, #tpu.memory_space<vmem>> -> memref<128x128xf32, #tpu.memory_space<vmem>>
        %dma_wait3A_365 = arith.constant 0 : i32
        %dma_wait3A_366 = tpu.memref_slice %arg8[%run_scoped3A_315, %dma_wait3A_365] : memref<2x128xi32, #tpu.memory_space<vmem>> -> memref<1x128xi32, #tpu.memory_space<vmem>>
        %dma_wait3A_367 = tpu.memref_squeeze %dma_wait3A_366 : memref<1x128xi32, #tpu.memory_space<vmem>> -> memref<128xi32, #tpu.memory_space<vmem>>
        %dma_wait3A_368 = arith.constant 0 : i32
        %dma_wait3A_369 = arith.constant 0 : i32
        %dma_wait3A_370 = tpu.memref_slice %arg10[%dma_wait3A_368, %dma_wait3A_369] : memref<10240x128xf32, #tpu.memory_space<vmem_shared>> -> memref<10240x128xf32, #tpu.memory_space<vmem_shared>>
        tpu.wait_indirect_dma semaphore(%run_scoped3A_350 : memref<!tpu.dma_semaphore, #tpu.memory_space<semaphore_mem>>) src(%dma_wait3A_364 : memref<128x128xf32, #tpu.memory_space<vmem>>) dst(%dma_wait3A_370 : memref<10240x128xf32, #tpu.memory_space<vmem_shared>>)
        tpu.yield
      }) : () -> ()
      %add3A_316 = arith.constant 2 : i32
      %add3A_317 = arith.addi %add3A_282, %add3A_316 : i32
      %rem3A_318 = arith.constant 80 : i32
      %rem3A_319 = arith.remsi %add3A_317, %rem3A_318 : i32
      %dma_start3A_320 = arith.constant 1 : i32
      %dma_start3A_321 = arith.constant 1 : i32
      %dma_start3A_322 = arith.constant 0 : i32
      %dma_start3A_323 = arith.constant 0 : i32
      %dma_start3A_324 = tpu.memref_slice %arg9[%dma_start3A_320, %dma_start3A_322, %dma_start3A_323] : memref<2x128x128xf32, #tpu.memory_space<vmem>> -> memref<1x128x128xf32, #tpu.memory_space<vmem>>
      %dma_start3A_325 = tpu.memref_squeeze %dma_start3A_324 : memref<1x128x128xf32, #tpu.memory_space<vmem>> -> memref<128x128xf32, #tpu.memory_space<vmem>>
      %dma_start3A_326 = arith.constant 0 : i32
      %dma_start3A_327 = tpu.memref_slice %arg7[%rem3A_319, %dma_start3A_326] : memref<80x128xi32, #tpu.memory_space<vmem>> -> memref<1x128xi32, #tpu.memory_space<vmem>>
      %dma_start3A_328 = tpu.memref_squeeze %dma_start3A_327 : memref<1x128xi32, #tpu.memory_space<vmem>> -> memref<128xi32, #tpu.memory_space<vmem>>
      %dma_start3A_329 = arith.constant 0 : i32
      %dma_start3A_330 = arith.constant 0 : i32
      %dma_start3A_331 = tpu.memref_slice %arg2[%dma_start3A_329, %dma_start3A_330] : memref<10000x128xf32, #tpu.memory_space<hbm>> -> memref<10000x128xf32, #tpu.memory_space<hbm>>
      %dma_start3A_332 = tpu.memref_slice %arg11[%dma_start3A_321] : memref<2x!tpu.dma_semaphore, #tpu.memory_space<semaphore_mem>> -> memref<1x!tpu.dma_semaphore, #tpu.memory_space<semaphore_mem>>
      %dma_start3A_333 = tpu.memref_squeeze %dma_start3A_332 : memref<1x!tpu.dma_semaphore, #tpu.memory_space<semaphore_mem>> -> memref<!tpu.dma_semaphore, #tpu.memory_space<semaphore_mem>>
      tpu.enqueue_indirect_dma source(%dma_start3A_331 : memref<10000x128xf32, #tpu.memory_space<hbm>>) target(%dma_start3A_325 : memref<128x128xf32, #tpu.memory_space<vmem>>) offsets(%dma_start3A_328 : memref<128xi32, #tpu.memory_space<vmem>>) semaphore(%dma_start3A_333 : memref<!tpu.dma_semaphore, #tpu.memory_space<semaphore_mem>>)
      %dma_start3A_334 = arith.constant 1 : i32
      %dma_start3A_335 = arith.constant 1 : i32
      %dma_start3A_336 = arith.constant 0 : i32
      %dma_start3A_337 = tpu.memref_slice %arg8[%dma_start3A_334, %dma_start3A_336] : memref<2x128xi32, #tpu.memory_space<vmem>> -> memref<1x128xi32, #tpu.memory_space<vmem>>
      %dma_start3A_338 = tpu.memref_squeeze %dma_start3A_337 : memref<1x128xi32, #tpu.memory_space<vmem>> -> memref<128xi32, #tpu.memory_space<vmem>>
      %dma_start3A_339 = arith.constant 0 : i32
      %dma_start3A_340 = tpu.memref_slice %arg4[%add3A, %rem3A_319, %dma_start3A_339] : memref<32x80x128xi32, #tpu.memory_space<hbm>> -> memref<1x1x128xi32, #tpu.memory_space<hbm>>
      %dma_start3A_341 = tpu.memref_squeeze %dma_start3A_340 : memref<1x1x128xi32, #tpu.memory_space<hbm>> -> memref<128xi32, #tpu.memory_space<hbm>>
      %dma_start3A_342 = tpu.memref_slice %arg12[%dma_start3A_335] : memref<2x!tpu.dma_semaphore, #tpu.memory_space<semaphore_mem>> -> memref<1x!tpu.dma_semaphore, #tpu.memory_space<semaphore_mem>>
      %dma_start3A_343 = tpu.memref_squeeze %dma_start3A_342 : memref<1x!tpu.dma_semaphore, #tpu.memory_space<semaphore_mem>> -> memref<!tpu.dma_semaphore, #tpu.memory_space<semaphore_mem>>
      %dma_start3A_344 = arith.constant 0 : i32
      %dma_start3A_345 = tpu.memref_slice %arg8[%dma_start3A_334, %dma_start3A_344] : memref<2x128xi32, #tpu.memory_space<vmem>> -> memref<1x128xi32, #tpu.memory_space<vmem>>
      %dma_start3A_346 = tpu.memref_squeeze %dma_start3A_345 : memref<1x128xi32, #tpu.memory_space<vmem>> -> memref<128xi32, #tpu.memory_space<vmem>>
      %dma_start3A_347 = arith.constant 0 : i32
      %dma_start3A_348 = tpu.memref_slice %arg4[%add3A, %rem3A_319, %dma_start3A_347] : memref<32x80x128xi32, #tpu.memory_space<hbm>> -> memref<1x1x128xi32, #tpu.memory_space<hbm>>
      %dma_start3A_349 = tpu.memref_squeeze %dma_start3A_348 : memref<1x1x128xi32, #tpu.memory_space<hbm>> -> memref<128xi32, #tpu.memory_space<hbm>>
      tpu.enqueue_dma source(%dma_start3A_349 : memref<128xi32, #tpu.memory_space<hbm>>) target(%dma_start3A_346 : memref<128xi32, #tpu.memory_space<vmem>>) target_semaphore(%dma_start3A_343 : memref<!tpu.dma_semaphore, #tpu.memory_space<semaphore_mem>>)
    }
    %scan3A_103 = arith.constant 40 : i32
    %dma_wait3A = arith.constant 0 : i32
    %dma_wait3A_104 = arith.constant 0 : i32
    %dma_wait3A_105 = arith.constant 0 : i32
    %dma_wait3A_106 = arith.constant 0 : i32
    %dma_wait3A_107 = arith.constant 0 : i32
    %dma_wait3A_108 = tpu.memref_slice %arg9[%dma_wait3A_104, %dma_wait3A_106, %dma_wait3A_107] : memref<2x128x128xf32, #tpu.memory_space<vmem>> -> memref<1x128x128xf32, #tpu.memory_space<vmem>>
    %dma_wait3A_109 = tpu.memref_squeeze %dma_wait3A_108 : memref<1x128x128xf32, #tpu.memory_space<vmem>> -> memref<128x128xf32, #tpu.memory_space<vmem>>
    %dma_wait3A_110 = arith.constant 0 : i32
    %dma_wait3A_111 = tpu.memref_slice %arg7[%dma_wait3A, %dma_wait3A_110] : memref<80x128xi32, #tpu.memory_space<vmem>> -> memref<1x128xi32, #tpu.memory_space<vmem>>
    %dma_wait3A_112 = tpu.memref_squeeze %dma_wait3A_111 : memref<1x128xi32, #tpu.memory_space<vmem>> -> memref<128xi32, #tpu.memory_space<vmem>>
    %dma_wait3A_113 = arith.constant 0 : i32
    %dma_wait3A_114 = arith.constant 0 : i32
    %dma_wait3A_115 = tpu.memref_slice %arg2[%dma_wait3A_113, %dma_wait3A_114] : memref<10000x128xf32, #tpu.memory_space<hbm>> -> memref<10000x128xf32, #tpu.memory_space<hbm>>
    %dma_wait3A_116 = tpu.memref_slice %arg11[%dma_wait3A_105] : memref<2x!tpu.dma_semaphore, #tpu.memory_space<semaphore_mem>> -> memref<1x!tpu.dma_semaphore, #tpu.memory_space<semaphore_mem>>
    %dma_wait3A_117 = tpu.memref_squeeze %dma_wait3A_116 : memref<1x!tpu.dma_semaphore, #tpu.memory_space<semaphore_mem>> -> memref<!tpu.dma_semaphore, #tpu.memory_space<semaphore_mem>>
    tpu.wait_indirect_dma semaphore(%dma_wait3A_117 : memref<!tpu.dma_semaphore, #tpu.memory_space<semaphore_mem>>) src(%dma_wait3A_115 : memref<10000x128xf32, #tpu.memory_space<hbm>>) dst(%dma_wait3A_109 : memref<128x128xf32, #tpu.memory_space<vmem>>)
    %dma_wait3A_118 = arith.constant 0 : i32
    %dma_wait3A_119 = arith.constant 0 : i32
    %dma_wait3A_120 = arith.constant 0 : i32
    %dma_wait3A_121 = arith.constant 0 : i32
    %dma_wait3A_122 = tpu.memref_slice %arg8[%dma_wait3A_119, %dma_wait3A_121] : memref<2x128xi32, #tpu.memory_space<vmem>> -> memref<1x128xi32, #tpu.memory_space<vmem>>
    %dma_wait3A_123 = tpu.memref_squeeze %dma_wait3A_122 : memref<1x128xi32, #tpu.memory_space<vmem>> -> memref<128xi32, #tpu.memory_space<vmem>>
    %dma_wait3A_124 = arith.constant 0 : i32
    %dma_wait3A_125 = tpu.memref_slice %arg4[%add3A, %dma_wait3A_118, %dma_wait3A_124] : memref<32x80x128xi32, #tpu.memory_space<hbm>> -> memref<1x1x128xi32, #tpu.memory_space<hbm>>
    %dma_wait3A_126 = tpu.memref_squeeze %dma_wait3A_125 : memref<1x1x128xi32, #tpu.memory_space<hbm>> -> memref<128xi32, #tpu.memory_space<hbm>>
    %dma_wait3A_127 = tpu.memref_slice %arg12[%dma_wait3A_120] : memref<2x!tpu.dma_semaphore, #tpu.memory_space<semaphore_mem>> -> memref<1x!tpu.dma_semaphore, #tpu.memory_space<semaphore_mem>>
    %dma_wait3A_128 = tpu.memref_squeeze %dma_wait3A_127 : memref<1x!tpu.dma_semaphore, #tpu.memory_space<semaphore_mem>> -> memref<!tpu.dma_semaphore, #tpu.memory_space<semaphore_mem>>
    %dma_wait3A_129 = arith.constant 0 : i32
    %dma_wait3A_130 = tpu.memref_slice %arg8[%dma_wait3A_119, %dma_wait3A_129] : memref<2x128xi32, #tpu.memory_space<vmem>> -> memref<1x128xi32, #tpu.memory_space<vmem>>
    %dma_wait3A_131 = tpu.memref_squeeze %dma_wait3A_130 : memref<1x128xi32, #tpu.memory_space<vmem>> -> memref<128xi32, #tpu.memory_space<vmem>>
    %dma_wait3A_132 = arith.constant 0 : i32
    %dma_wait3A_133 = tpu.memref_slice %arg4[%add3A, %dma_wait3A_118, %dma_wait3A_132] : memref<32x80x128xi32, #tpu.memory_space<hbm>> -> memref<1x1x128xi32, #tpu.memory_space<hbm>>
    %dma_wait3A_134 = tpu.memref_squeeze %dma_wait3A_133 : memref<1x1x128xi32, #tpu.memory_space<hbm>> -> memref<128xi32, #tpu.memory_space<hbm>>
    tpu.wait_dma2 semaphore(%dma_wait3A_128 : memref<!tpu.dma_semaphore, #tpu.memory_space<semaphore_mem>>) src(%dma_wait3A_134 : memref<128xi32, #tpu.memory_space<hbm>>) dst(%dma_wait3A_131 : memref<128xi32, #tpu.memory_space<vmem>>)
    %dma_wait3A_135 = arith.constant 1 : i32
    %dma_wait3A_136 = arith.constant 1 : i32
    %dma_wait3A_137 = arith.constant 1 : i32
    %dma_wait3A_138 = arith.constant 0 : i32
    %dma_wait3A_139 = arith.constant 0 : i32
    %dma_wait3A_140 = tpu.memref_slice %arg9[%dma_wait3A_136, %dma_wait3A_138, %dma_wait3A_139] : memref<2x128x128xf32, #tpu.memory_space<vmem>> -> memref<1x128x128xf32, #tpu.memory_space<vmem>>
    %dma_wait3A_141 = tpu.memref_squeeze %dma_wait3A_140 : memref<1x128x128xf32, #tpu.memory_space<vmem>> -> memref<128x128xf32, #tpu.memory_space<vmem>>
    %dma_wait3A_142 = arith.constant 0 : i32
    %dma_wait3A_143 = tpu.memref_slice %arg7[%dma_wait3A_135, %dma_wait3A_142] : memref<80x128xi32, #tpu.memory_space<vmem>> -> memref<1x128xi32, #tpu.memory_space<vmem>>
    %dma_wait3A_144 = tpu.memref_squeeze %dma_wait3A_143 : memref<1x128xi32, #tpu.memory_space<vmem>> -> memref<128xi32, #tpu.memory_space<vmem>>
    %dma_wait3A_145 = arith.constant 0 : i32
    %dma_wait3A_146 = arith.constant 0 : i32
    %dma_wait3A_147 = tpu.memref_slice %arg2[%dma_wait3A_145, %dma_wait3A_146] : memref<10000x128xf32, #tpu.memory_space<hbm>> -> memref<10000x128xf32, #tpu.memory_space<hbm>>
    %dma_wait3A_148 = tpu.memref_slice %arg11[%dma_wait3A_137] : memref<2x!tpu.dma_semaphore, #tpu.memory_space<semaphore_mem>> -> memref<1x!tpu.dma_semaphore, #tpu.memory_space<semaphore_mem>>
    %dma_wait3A_149 = tpu.memref_squeeze %dma_wait3A_148 : memref<1x!tpu.dma_semaphore, #tpu.memory_space<semaphore_mem>> -> memref<!tpu.dma_semaphore, #tpu.memory_space<semaphore_mem>>
    tpu.wait_indirect_dma semaphore(%dma_wait3A_149 : memref<!tpu.dma_semaphore, #tpu.memory_space<semaphore_mem>>) src(%dma_wait3A_147 : memref<10000x128xf32, #tpu.memory_space<hbm>>) dst(%dma_wait3A_141 : memref<128x128xf32, #tpu.memory_space<vmem>>)
    %dma_wait3A_150 = arith.constant 1 : i32
    %dma_wait3A_151 = arith.constant 1 : i32
    %dma_wait3A_152 = arith.constant 1 : i32
    %dma_wait3A_153 = arith.constant 0 : i32
    %dma_wait3A_154 = tpu.memref_slice %arg8[%dma_wait3A_151, %dma_wait3A_153] : memref<2x128xi32, #tpu.memory_space<vmem>> -> memref<1x128xi32, #tpu.memory_space<vmem>>
    %dma_wait3A_155 = tpu.memref_squeeze %dma_wait3A_154 : memref<1x128xi32, #tpu.memory_space<vmem>> -> memref<128xi32, #tpu.memory_space<vmem>>
    %dma_wait3A_156 = arith.constant 0 : i32
    %dma_wait3A_157 = tpu.memref_slice %arg4[%add3A, %dma_wait3A_150, %dma_wait3A_156] : memref<32x80x128xi32, #tpu.memory_space<hbm>> -> memref<1x1x128xi32, #tpu.memory_space<hbm>>
    %dma_wait3A_158 = tpu.memref_squeeze %dma_wait3A_157 : memref<1x1x128xi32, #tpu.memory_space<hbm>> -> memref<128xi32, #tpu.memory_space<hbm>>
    %dma_wait3A_159 = tpu.memref_slice %arg12[%dma_wait3A_152] : memref<2x!tpu.dma_semaphore, #tpu.memory_space<semaphore_mem>> -> memref<1x!tpu.dma_semaphore, #tpu.memory_space<semaphore_mem>>
    %dma_wait3A_160 = tpu.memref_squeeze %dma_wait3A_159 : memref<1x!tpu.dma_semaphore, #tpu.memory_space<semaphore_mem>> -> memref<!tpu.dma_semaphore, #tpu.memory_space<semaphore_mem>>
    %dma_wait3A_161 = arith.constant 0 : i32
    %dma_wait3A_162 = tpu.memref_slice %arg8[%dma_wait3A_151, %dma_wait3A_161] : memref<2x128xi32, #tpu.memory_space<vmem>> -> memref<1x128xi32, #tpu.memory_space<vmem>>
    %dma_wait3A_163 = tpu.memref_squeeze %dma_wait3A_162 : memref<1x128xi32, #tpu.memory_space<vmem>> -> memref<128xi32, #tpu.memory_space<vmem>>
    %dma_wait3A_164 = arith.constant 0 : i32
    %dma_wait3A_165 = tpu.memref_slice %arg4[%add3A, %dma_wait3A_150, %dma_wait3A_164] : memref<32x80x128xi32, #tpu.memory_space<hbm>> -> memref<1x1x128xi32, #tpu.memory_space<hbm>>
    %dma_wait3A_166 = tpu.memref_squeeze %dma_wait3A_165 : memref<1x1x128xi32, #tpu.memory_space<hbm>> -> memref<128xi32, #tpu.memory_space<hbm>>
    tpu.wait_dma2 semaphore(%dma_wait3A_160 : memref<!tpu.dma_semaphore, #tpu.memory_space<semaphore_mem>>) src(%dma_wait3A_166 : memref<128xi32, #tpu.memory_space<hbm>>) dst(%dma_wait3A_163 : memref<128xi32, #tpu.memory_space<vmem>>)
    %barrier3A_167 = arith.constant 0 : index
    tpu.barrier barrier_id(%barrier3A_167)
    %mul3A_168 = arith.constant 5 : i32
    %mul3A_169 = arith.muli %arg1, %mul3A_168 : i32
    %add3A_170 = arith.constant 0 : i32
    %add3A_171 = arith.addi %mul3A_169, %add3A_170 : i32
    %mul3A_172 = arith.constant 128 : i32
    %mul3A_173 = arith.muli %add3A_171, %mul3A_172 : i32
    %run_scoped3A_174 = arith.constant 0 : i32
    "tpu.region"() ({
      %run_scoped3A_208 = tpu.sem_alloc : memref<!tpu.dma_semaphore, #tpu.memory_space<semaphore_mem>>
      %dma_start3A_209 = arith.constant 0 : i32
      %dma_start3A_210 = arith.constant 0 : i32
      %dma_start3A_211 = tpu.memref_slice %arg9[%run_scoped3A_174, %dma_start3A_209, %dma_start3A_210] : memref<2x128x128xf32, #tpu.memory_space<vmem>> -> memref<1x128x128xf32, #tpu.memory_space<vmem>>
      %dma_start3A_212 = tpu.memref_squeeze %dma_start3A_211 : memref<1x128x128xf32, #tpu.memory_space<vmem>> -> memref<128x128xf32, #tpu.memory_space<vmem>>
      %dma_start3A_213 = arith.constant 0 : i32
      %dma_start3A_214 = tpu.memref_slice %arg10[%mul3A_173, %dma_start3A_213] : memref<10240x128xf32, #tpu.memory_space<vmem_shared>> -> memref<128x128xf32, #tpu.memory_space<vmem_shared>>
      %dma_start3A_215 = arith.constant 0 : i32
      %dma_start3A_216 = arith.constant 0 : i32
      %dma_start3A_217 = tpu.memref_slice %arg9[%run_scoped3A_174, %dma_start3A_215, %dma_start3A_216] : memref<2x128x128xf32, #tpu.memory_space<vmem>> -> memref<1x128x128xf32, #tpu.memory_space<vmem>>
      %dma_start3A_218 = tpu.memref_squeeze %dma_start3A_217 : memref<1x128x128xf32, #tpu.memory_space<vmem>> -> memref<128x128xf32, #tpu.memory_space<vmem>>
      %dma_start3A_219 = arith.constant 0 : i32
      %dma_start3A_220 = tpu.memref_slice %arg10[%mul3A_173, %dma_start3A_219] : memref<10240x128xf32, #tpu.memory_space<vmem_shared>> -> memref<128x128xf32, #tpu.memory_space<vmem_shared>>
      tpu.enqueue_dma source(%dma_start3A_220 : memref<128x128xf32, #tpu.memory_space<vmem_shared>>) target(%dma_start3A_218 : memref<128x128xf32, #tpu.memory_space<vmem>>) target_semaphore(%run_scoped3A_208 : memref<!tpu.dma_semaphore, #tpu.memory_space<semaphore_mem>>)
      %dma_wait3A_221 = arith.constant 0 : i32
      %dma_wait3A_222 = arith.constant 0 : i32
      %dma_wait3A_223 = tpu.memref_slice %arg9[%run_scoped3A_174, %dma_wait3A_221, %dma_wait3A_222] : memref<2x128x128xf32, #tpu.memory_space<vmem>> -> memref<1x128x128xf32, #tpu.memory_space<vmem>>
      %dma_wait3A_224 = tpu.memref_squeeze %dma_wait3A_223 : memref<1x128x128xf32, #tpu.memory_space<vmem>> -> memref<128x128xf32, #tpu.memory_space<vmem>>
      %dma_wait3A_225 = arith.constant 0 : i32
      %dma_wait3A_226 = tpu.memref_slice %arg10[%mul3A_173, %dma_wait3A_225] : memref<10240x128xf32, #tpu.memory_space<vmem_shared>> -> memref<128x128xf32, #tpu.memory_space<vmem_shared>>
      %dma_wait3A_227 = arith.constant 0 : i32
      %dma_wait3A_228 = arith.constant 0 : i32
      %dma_wait3A_229 = tpu.memref_slice %arg9[%run_scoped3A_174, %dma_wait3A_227, %dma_wait3A_228] : memref<2x128x128xf32, #tpu.memory_space<vmem>> -> memref<1x128x128xf32, #tpu.memory_space<vmem>>
      %dma_wait3A_230 = tpu.memref_squeeze %dma_wait3A_229 : memref<1x128x128xf32, #tpu.memory_space<vmem>> -> memref<128x128xf32, #tpu.memory_space<vmem>>
      %dma_wait3A_231 = arith.constant 0 : i32
      %dma_wait3A_232 = tpu.memref_slice %arg10[%mul3A_173, %dma_wait3A_231] : memref<10240x128xf32, #tpu.memory_space<vmem_shared>> -> memref<128x128xf32, #tpu.memory_space<vmem_shared>>
      tpu.wait_dma2 semaphore(%run_scoped3A_208 : memref<!tpu.dma_semaphore, #tpu.memory_space<semaphore_mem>>) src(%dma_wait3A_232 : memref<128x128xf32, #tpu.memory_space<vmem_shared>>) dst(%dma_wait3A_230 : memref<128x128xf32, #tpu.memory_space<vmem>>)
      tpu.yield
    }) : () -> ()
    %run_scoped3A_175 = arith.constant 0 : i32
    "tpu.region"() ({
      %run_scoped3A_208 = tpu.sem_alloc : memref<!tpu.dma_semaphore, #tpu.memory_space<semaphore_mem>>
      %dma_start3A_209 = arith.constant 0 : i32
      %dma_start3A_210 = arith.constant 0 : i32
      %dma_start3A_211 = tpu.memref_slice %arg9[%run_scoped3A_175, %dma_start3A_209, %dma_start3A_210] : memref<2x128x128xf32, #tpu.memory_space<vmem>> -> memref<1x128x128xf32, #tpu.memory_space<vmem>>
      %dma_start3A_212 = tpu.memref_squeeze %dma_start3A_211 : memref<1x128x128xf32, #tpu.memory_space<vmem>> -> memref<128x128xf32, #tpu.memory_space<vmem>>
      %dma_start3A_213 = arith.constant 0 : i32
      %dma_start3A_214 = tpu.memref_slice %arg6[%arg0, %mul3A_173, %dma_start3A_213] : memref<2x10240x128xf32, #tpu.memory_space<hbm>> -> memref<1x128x128xf32, #tpu.memory_space<hbm>>
      %dma_start3A_215 = tpu.memref_squeeze %dma_start3A_214 : memref<1x128x128xf32, #tpu.memory_space<hbm>> -> memref<128x128xf32, #tpu.memory_space<hbm>>
      %dma_start3A_216 = arith.constant 0 : i32
      %dma_start3A_217 = tpu.memref_slice %arg6[%arg0, %mul3A_173, %dma_start3A_216] : memref<2x10240x128xf32, #tpu.memory_space<hbm>> -> memref<1x128x128xf32, #tpu.memory_space<hbm>>
      %dma_start3A_218 = tpu.memref_squeeze %dma_start3A_217 : memref<1x128x128xf32, #tpu.memory_space<hbm>> -> memref<128x128xf32, #tpu.memory_space<hbm>>
      %dma_start3A_219 = arith.constant 0 : i32
      %dma_start3A_220 = arith.constant 0 : i32
      %dma_start3A_221 = tpu.memref_slice %arg9[%run_scoped3A_175, %dma_start3A_219, %dma_start3A_220] : memref<2x128x128xf32, #tpu.memory_space<vmem>> -> memref<1x128x128xf32, #tpu.memory_space<vmem>>
      %dma_start3A_222 = tpu.memref_squeeze %dma_start3A_221 : memref<1x128x128xf32, #tpu.memory_space<vmem>> -> memref<128x128xf32, #tpu.memory_space<vmem>>
      tpu.enqueue_dma source(%dma_start3A_222 : memref<128x128xf32, #tpu.memory_space<vmem>>) target(%dma_start3A_218 : memref<128x128xf32, #tpu.memory_space<hbm>>) target_semaphore(%run_scoped3A_208 : memref<!tpu.dma_semaphore, #tpu.memory_space<semaphore_mem>>)
      %dma_wait3A_223 = arith.constant 0 : i32
      %dma_wait3A_224 = arith.constant 0 : i32
      %dma_wait3A_225 = tpu.memref_slice %arg9[%run_scoped3A_175, %dma_wait3A_223, %dma_wait3A_224] : memref<2x128x128xf32, #tpu.memory_space<vmem>> -> memref<1x128x128xf32, #tpu.memory_space<vmem>>
      %dma_wait3A_226 = tpu.memref_squeeze %dma_wait3A_225 : memref<1x128x128xf32, #tpu.memory_space<vmem>> -> memref<128x128xf32, #tpu.memory_space<vmem>>
      %dma_wait3A_227 = arith.constant 0 : i32
      %dma_wait3A_228 = tpu.memref_slice %arg6[%arg0, %mul3A_173, %dma_wait3A_227] : memref<2x10240x128xf32, #tpu.memory_space<hbm>> -> memref<1x128x128xf32, #tpu.memory_space<hbm>>
      %dma_wait3A_229 = tpu.memref_squeeze %dma_wait3A_228 : memref<1x128x128xf32, #tpu.memory_space<hbm>> -> memref<128x128xf32, #tpu.memory_space<hbm>>
      %dma_wait3A_230 = arith.constant 0 : i32
      %dma_wait3A_231 = tpu.memref_slice %arg6[%arg0, %mul3A_173, %dma_wait3A_230] : memref<2x10240x128xf32, #tpu.memory_space<hbm>> -> memref<1x128x128xf32, #tpu.memory_space<hbm>>
      %dma_wait3A_232 = tpu.memref_squeeze %dma_wait3A_231 : memref<1x128x128xf32, #tpu.memory_space<hbm>> -> memref<128x128xf32, #tpu.memory_space<hbm>>
      %dma_wait3A_233 = arith.constant 0 : i32
      %dma_wait3A_234 = arith.constant 0 : i32
      %dma_wait3A_235 = tpu.memref_slice %arg9[%run_scoped3A_175, %dma_wait3A_233, %dma_wait3A_234] : memref<2x128x128xf32, #tpu.memory_space<vmem>> -> memref<1x128x128xf32, #tpu.memory_space<vmem>>
      %dma_wait3A_236 = tpu.memref_squeeze %dma_wait3A_235 : memref<1x128x128xf32, #tpu.memory_space<vmem>> -> memref<128x128xf32, #tpu.memory_space<vmem>>
      tpu.wait_dma2 semaphore(%run_scoped3A_208 : memref<!tpu.dma_semaphore, #tpu.memory_space<semaphore_mem>>) src(%dma_wait3A_236 : memref<128x128xf32, #tpu.memory_space<vmem>>) dst(%dma_wait3A_232 : memref<128x128xf32, #tpu.memory_space<hbm>>)
      tpu.yield
    }) : () -> ()
    %mul3A_176 = arith.constant 5 : i32
    %mul3A_177 = arith.muli %arg1, %mul3A_176 : i32
    %add3A_178 = arith.constant 1 : i32
    %add3A_179 = arith.addi %mul3A_177, %add3A_178 : i32
    %mul3A_180 = arith.constant 128 : i32
    %mul3A_181 = arith.muli %add3A_179, %mul3A_180 : i32
    %run_scoped3A_182 = arith.constant 0 : i32
    "tpu.region"() ({
      %run_scoped3A_208 = tpu.sem_alloc : memref<!tpu.dma_semaphore, #tpu.memory_space<semaphore_mem>>
      %dma_start3A_209 = arith.constant 0 : i32
      %dma_start3A_210 = arith.constant 0 : i32
      %dma_start3A_211 = tpu.memref_slice %arg9[%run_scoped3A_182, %dma_start3A_209, %dma_start3A_210] : memref<2x128x128xf32, #tpu.memory_space<vmem>> -> memref<1x128x128xf32, #tpu.memory_space<vmem>>
      %dma_start3A_212 = tpu.memref_squeeze %dma_start3A_211 : memref<1x128x128xf32, #tpu.memory_space<vmem>> -> memref<128x128xf32, #tpu.memory_space<vmem>>
      %dma_start3A_213 = arith.constant 0 : i32
      %dma_start3A_214 = tpu.memref_slice %arg10[%mul3A_181, %dma_start3A_213] : memref<10240x128xf32, #tpu.memory_space<vmem_shared>> -> memref<128x128xf32, #tpu.memory_space<vmem_shared>>
      %dma_start3A_215 = arith.constant 0 : i32
      %dma_start3A_216 = arith.constant 0 : i32
      %dma_start3A_217 = tpu.memref_slice %arg9[%run_scoped3A_182, %dma_start3A_215, %dma_start3A_216] : memref<2x128x128xf32, #tpu.memory_space<vmem>> -> memref<1x128x128xf32, #tpu.memory_space<vmem>>
      %dma_start3A_218 = tpu.memref_squeeze %dma_start3A_217 : memref<1x128x128xf32, #tpu.memory_space<vmem>> -> memref<128x128xf32, #tpu.memory_space<vmem>>
      %dma_start3A_219 = arith.constant 0 : i32
      %dma_start3A_220 = tpu.memref_slice %arg10[%mul3A_181, %dma_start3A_219] : memref<10240x128xf32, #tpu.memory_space<vmem_shared>> -> memref<128x128xf32, #tpu.memory_space<vmem_shared>>
      tpu.enqueue_dma source(%dma_start3A_220 : memref<128x128xf32, #tpu.memory_space<vmem_shared>>) target(%dma_start3A_218 : memref<128x128xf32, #tpu.memory_space<vmem>>) target_semaphore(%run_scoped3A_208 : memref<!tpu.dma_semaphore, #tpu.memory_space<semaphore_mem>>)
      %dma_wait3A_221 = arith.constant 0 : i32
      %dma_wait3A_222 = arith.constant 0 : i32
      %dma_wait3A_223 = tpu.memref_slice %arg9[%run_scoped3A_182, %dma_wait3A_221, %dma_wait3A_222] : memref<2x128x128xf32, #tpu.memory_space<vmem>> -> memref<1x128x128xf32, #tpu.memory_space<vmem>>
      %dma_wait3A_224 = tpu.memref_squeeze %dma_wait3A_223 : memref<1x128x128xf32, #tpu.memory_space<vmem>> -> memref<128x128xf32, #tpu.memory_space<vmem>>
      %dma_wait3A_225 = arith.constant 0 : i32
      %dma_wait3A_226 = tpu.memref_slice %arg10[%mul3A_181, %dma_wait3A_225] : memref<10240x128xf32, #tpu.memory_space<vmem_shared>> -> memref<128x128xf32, #tpu.memory_space<vmem_shared>>
      %dma_wait3A_227 = arith.constant 0 : i32
      %dma_wait3A_228 = arith.constant 0 : i32
      %dma_wait3A_229 = tpu.memref_slice %arg9[%run_scoped3A_182, %dma_wait3A_227, %dma_wait3A_228] : memref<2x128x128xf32, #tpu.memory_space<vmem>> -> memref<1x128x128xf32, #tpu.memory_space<vmem>>
      %dma_wait3A_230 = tpu.memref_squeeze %dma_wait3A_229 : memref<1x128x128xf32, #tpu.memory_space<vmem>> -> memref<128x128xf32, #tpu.memory_space<vmem>>
      %dma_wait3A_231 = arith.constant 0 : i32
      %dma_wait3A_232 = tpu.memref_slice %arg10[%mul3A_181, %dma_wait3A_231] : memref<10240x128xf32, #tpu.memory_space<vmem_shared>> -> memref<128x128xf32, #tpu.memory_space<vmem_shared>>
      tpu.wait_dma2 semaphore(%run_scoped3A_208 : memref<!tpu.dma_semaphore, #tpu.memory_space<semaphore_mem>>) src(%dma_wait3A_232 : memref<128x128xf32, #tpu.memory_space<vmem_shared>>) dst(%dma_wait3A_230 : memref<128x128xf32, #tpu.memory_space<vmem>>)
      tpu.yield
    }) : () -> ()
    %run_scoped3A_183 = arith.constant 0 : i32
    "tpu.region"() ({
      %run_scoped3A_208 = tpu.sem_alloc : memref<!tpu.dma_semaphore, #tpu.memory_space<semaphore_mem>>
      %dma_start3A_209 = arith.constant 0 : i32
      %dma_start3A_210 = arith.constant 0 : i32
      %dma_start3A_211 = tpu.memref_slice %arg9[%run_scoped3A_183, %dma_start3A_209, %dma_start3A_210] : memref<2x128x128xf32, #tpu.memory_space<vmem>> -> memref<1x128x128xf32, #tpu.memory_space<vmem>>
      %dma_start3A_212 = tpu.memref_squeeze %dma_start3A_211 : memref<1x128x128xf32, #tpu.memory_space<vmem>> -> memref<128x128xf32, #tpu.memory_space<vmem>>
      %dma_start3A_213 = arith.constant 0 : i32
      %dma_start3A_214 = tpu.memref_slice %arg6[%arg0, %mul3A_181, %dma_start3A_213] : memref<2x10240x128xf32, #tpu.memory_space<hbm>> -> memref<1x128x128xf32, #tpu.memory_space<hbm>>
      %dma_start3A_215 = tpu.memref_squeeze %dma_start3A_214 : memref<1x128x128xf32, #tpu.memory_space<hbm>> -> memref<128x128xf32, #tpu.memory_space<hbm>>
      %dma_start3A_216 = arith.constant 0 : i32
      %dma_start3A_217 = tpu.memref_slice %arg6[%arg0, %mul3A_181, %dma_start3A_216] : memref<2x10240x128xf32, #tpu.memory_space<hbm>> -> memref<1x128x128xf32, #tpu.memory_space<hbm>>
      %dma_start3A_218 = tpu.memref_squeeze %dma_start3A_217 : memref<1x128x128xf32, #tpu.memory_space<hbm>> -> memref<128x128xf32, #tpu.memory_space<hbm>>
      %dma_start3A_219 = arith.constant 0 : i32
      %dma_start3A_220 = arith.constant 0 : i32
      %dma_start3A_221 = tpu.memref_slice %arg9[%run_scoped3A_183, %dma_start3A_219, %dma_start3A_220] : memref<2x128x128xf32, #tpu.memory_space<vmem>> -> memref<1x128x128xf32, #tpu.memory_space<vmem>>
      %dma_start3A_222 = tpu.memref_squeeze %dma_start3A_221 : memref<1x128x128xf32, #tpu.memory_space<vmem>> -> memref<128x128xf32, #tpu.memory_space<vmem>>
      tpu.enqueue_dma source(%dma_start3A_222 : memref<128x128xf32, #tpu.memory_space<vmem>>) target(%dma_start3A_218 : memref<128x128xf32, #tpu.memory_space<hbm>>) target_semaphore(%run_scoped3A_208 : memref<!tpu.dma_semaphore, #tpu.memory_space<semaphore_mem>>)
      %dma_wait3A_223 = arith.constant 0 : i32
      %dma_wait3A_224 = arith.constant 0 : i32
      %dma_wait3A_225 = tpu.memref_slice %arg9[%run_scoped3A_183, %dma_wait3A_223, %dma_wait3A_224] : memref<2x128x128xf32, #tpu.memory_space<vmem>> -> memref<1x128x128xf32, #tpu.memory_space<vmem>>
      %dma_wait3A_226 = tpu.memref_squeeze %dma_wait3A_225 : memref<1x128x128xf32, #tpu.memory_space<vmem>> -> memref<128x128xf32, #tpu.memory_space<vmem>>
      %dma_wait3A_227 = arith.constant 0 : i32
      %dma_wait3A_228 = tpu.memref_slice %arg6[%arg0, %mul3A_181, %dma_wait3A_227] : memref<2x10240x128xf32, #tpu.memory_space<hbm>> -> memref<1x128x128xf32, #tpu.memory_space<hbm>>
      %dma_wait3A_229 = tpu.memref_squeeze %dma_wait3A_228 : memref<1x128x128xf32, #tpu.memory_space<hbm>> -> memref<128x128xf32, #tpu.memory_space<hbm>>
      %dma_wait3A_230 = arith.constant 0 : i32
      %dma_wait3A_231 = tpu.memref_slice %arg6[%arg0, %mul3A_181, %dma_wait3A_230] : memref<2x10240x128xf32, #tpu.memory_space<hbm>> -> memref<1x128x128xf32, #tpu.memory_space<hbm>>
      %dma_wait3A_232 = tpu.memref_squeeze %dma_wait3A_231 : memref<1x128x128xf32, #tpu.memory_space<hbm>> -> memref<128x128xf32, #tpu.memory_space<hbm>>
      %dma_wait3A_233 = arith.constant 0 : i32
      %dma_wait3A_234 = arith.constant 0 : i32
      %dma_wait3A_235 = tpu.memref_slice %arg9[%run_scoped3A_183, %dma_wait3A_233, %dma_wait3A_234] : memref<2x128x128xf32, #tpu.memory_space<vmem>> -> memref<1x128x128xf32, #tpu.memory_space<vmem>>
      %dma_wait3A_236 = tpu.memref_squeeze %dma_wait3A_235 : memref<1x128x128xf32, #tpu.memory_space<vmem>> -> memref<128x128xf32, #tpu.memory_space<vmem>>
      tpu.wait_dma2 semaphore(%run_scoped3A_208 : memref<!tpu.dma_semaphore, #tpu.memory_space<semaphore_mem>>) src(%dma_wait3A_236 : memref<128x128xf32, #tpu.memory_space<vmem>>) dst(%dma_wait3A_232 : memref<128x128xf32, #tpu.memory_space<hbm>>)
      tpu.yield
    }) : () -> ()
    %mul3A_184 = arith.constant 5 : i32
    %mul3A_185 = arith.muli %arg1, %mul3A_184 : i32
    %add3A_186 = arith.constant 2 : i32
    %add3A_187 = arith.addi %mul3A_185, %add3A_186 : i32
    %mul3A_188 = arith.constant 128 : i32
    %mul3A_189 = arith.muli %add3A_187, %mul3A_188 : i32
    %run_scoped3A_190 = arith.constant 0 : i32
    "tpu.region"() ({
      %run_scoped3A_208 = tpu.sem_alloc : memref<!tpu.dma_semaphore, #tpu.memory_space<semaphore_mem>>
      %dma_start3A_209 = arith.constant 0 : i32
      %dma_start3A_210 = arith.constant 0 : i32
      %dma_start3A_211 = tpu.memref_slice %arg9[%run_scoped3A_190, %dma_start3A_209, %dma_start3A_210] : memref<2x128x128xf32, #tpu.memory_space<vmem>> -> memref<1x128x128xf32, #tpu.memory_space<vmem>>
      %dma_start3A_212 = tpu.memref_squeeze %dma_start3A_211 : memref<1x128x128xf32, #tpu.memory_space<vmem>> -> memref<128x128xf32, #tpu.memory_space<vmem>>
      %dma_start3A_213 = arith.constant 0 : i32
      %dma_start3A_214 = tpu.memref_slice %arg10[%mul3A_189, %dma_start3A_213] : memref<10240x128xf32, #tpu.memory_space<vmem_shared>> -> memref<128x128xf32, #tpu.memory_space<vmem_shared>>
      %dma_start3A_215 = arith.constant 0 : i32
      %dma_start3A_216 = arith.constant 0 : i32
      %dma_start3A_217 = tpu.memref_slice %arg9[%run_scoped3A_190, %dma_start3A_215, %dma_start3A_216] : memref<2x128x128xf32, #tpu.memory_space<vmem>> -> memref<1x128x128xf32, #tpu.memory_space<vmem>>
      %dma_start3A_218 = tpu.memref_squeeze %dma_start3A_217 : memref<1x128x128xf32, #tpu.memory_space<vmem>> -> memref<128x128xf32, #tpu.memory_space<vmem>>
      %dma_start3A_219 = arith.constant 0 : i32
      %dma_start3A_220 = tpu.memref_slice %arg10[%mul3A_189, %dma_start3A_219] : memref<10240x128xf32, #tpu.memory_space<vmem_shared>> -> memref<128x128xf32, #tpu.memory_space<vmem_shared>>
      tpu.enqueue_dma source(%dma_start3A_220 : memref<128x128xf32, #tpu.memory_space<vmem_shared>>) target(%dma_start3A_218 : memref<128x128xf32, #tpu.memory_space<vmem>>) target_semaphore(%run_scoped3A_208 : memref<!tpu.dma_semaphore, #tpu.memory_space<semaphore_mem>>)
      %dma_wait3A_221 = arith.constant 0 : i32
      %dma_wait3A_222 = arith.constant 0 : i32
      %dma_wait3A_223 = tpu.memref_slice %arg9[%run_scoped3A_190, %dma_wait3A_221, %dma_wait3A_222] : memref<2x128x128xf32, #tpu.memory_space<vmem>> -> memref<1x128x128xf32, #tpu.memory_space<vmem>>
      %dma_wait3A_224 = tpu.memref_squeeze %dma_wait3A_223 : memref<1x128x128xf32, #tpu.memory_space<vmem>> -> memref<128x128xf32, #tpu.memory_space<vmem>>
      %dma_wait3A_225 = arith.constant 0 : i32
      %dma_wait3A_226 = tpu.memref_slice %arg10[%mul3A_189, %dma_wait3A_225] : memref<10240x128xf32, #tpu.memory_space<vmem_shared>> -> memref<128x128xf32, #tpu.memory_space<vmem_shared>>
      %dma_wait3A_227 = arith.constant 0 : i32
      %dma_wait3A_228 = arith.constant 0 : i32
      %dma_wait3A_229 = tpu.memref_slice %arg9[%run_scoped3A_190, %dma_wait3A_227, %dma_wait3A_228] : memref<2x128x128xf32, #tpu.memory_space<vmem>> -> memref<1x128x128xf32, #tpu.memory_space<vmem>>
      %dma_wait3A_230 = tpu.memref_squeeze %dma_wait3A_229 : memref<1x128x128xf32, #tpu.memory_space<vmem>> -> memref<128x128xf32, #tpu.memory_space<vmem>>
      %dma_wait3A_231 = arith.constant 0 : i32
      %dma_wait3A_232 = tpu.memref_slice %arg10[%mul3A_189, %dma_wait3A_231] : memref<10240x128xf32, #tpu.memory_space<vmem_shared>> -> memref<128x128xf32, #tpu.memory_space<vmem_shared>>
      tpu.wait_dma2 semaphore(%run_scoped3A_208 : memref<!tpu.dma_semaphore, #tpu.memory_space<semaphore_mem>>) src(%dma_wait3A_232 : memref<128x128xf32, #tpu.memory_space<vmem_shared>>) dst(%dma_wait3A_230 : memref<128x128xf32, #tpu.memory_space<vmem>>)
      tpu.yield
    }) : () -> ()
    %run_scoped3A_191 = arith.constant 0 : i32
    "tpu.region"() ({
      %run_scoped3A_208 = tpu.sem_alloc : memref<!tpu.dma_semaphore, #tpu.memory_space<semaphore_mem>>
      %dma_start3A_209 = arith.constant 0 : i32
      %dma_start3A_210 = arith.constant 0 : i32
      %dma_start3A_211 = tpu.memref_slice %arg9[%run_scoped3A_191, %dma_start3A_209, %dma_start3A_210] : memref<2x128x128xf32, #tpu.memory_space<vmem>> -> memref<1x128x128xf32, #tpu.memory_space<vmem>>
      %dma_start3A_212 = tpu.memref_squeeze %dma_start3A_211 : memref<1x128x128xf32, #tpu.memory_space<vmem>> -> memref<128x128xf32, #tpu.memory_space<vmem>>
      %dma_start3A_213 = arith.constant 0 : i32
      %dma_start3A_214 = tpu.memref_slice %arg6[%arg0, %mul3A_189, %dma_start3A_213] : memref<2x10240x128xf32, #tpu.memory_space<hbm>> -> memref<1x128x128xf32, #tpu.memory_space<hbm>>
      %dma_start3A_215 = tpu.memref_squeeze %dma_start3A_214 : memref<1x128x128xf32, #tpu.memory_space<hbm>> -> memref<128x128xf32, #tpu.memory_space<hbm>>
      %dma_start3A_216 = arith.constant 0 : i32
      %dma_start3A_217 = tpu.memref_slice %arg6[%arg0, %mul3A_189, %dma_start3A_216] : memref<2x10240x128xf32, #tpu.memory_space<hbm>> -> memref<1x128x128xf32, #tpu.memory_space<hbm>>
      %dma_start3A_218 = tpu.memref_squeeze %dma_start3A_217 : memref<1x128x128xf32, #tpu.memory_space<hbm>> -> memref<128x128xf32, #tpu.memory_space<hbm>>
      %dma_start3A_219 = arith.constant 0 : i32
      %dma_start3A_220 = arith.constant 0 : i32
      %dma_start3A_221 = tpu.memref_slice %arg9[%run_scoped3A_191, %dma_start3A_219, %dma_start3A_220] : memref<2x128x128xf32, #tpu.memory_space<vmem>> -> memref<1x128x128xf32, #tpu.memory_space<vmem>>
      %dma_start3A_222 = tpu.memref_squeeze %dma_start3A_221 : memref<1x128x128xf32, #tpu.memory_space<vmem>> -> memref<128x128xf32, #tpu.memory_space<vmem>>
      tpu.enqueue_dma source(%dma_start3A_222 : memref<128x128xf32, #tpu.memory_space<vmem>>) target(%dma_start3A_218 : memref<128x128xf32, #tpu.memory_space<hbm>>) target_semaphore(%run_scoped3A_208 : memref<!tpu.dma_semaphore, #tpu.memory_space<semaphore_mem>>)
      %dma_wait3A_223 = arith.constant 0 : i32
      %dma_wait3A_224 = arith.constant 0 : i32
      %dma_wait3A_225 = tpu.memref_slice %arg9[%run_scoped3A_191, %dma_wait3A_223, %dma_wait3A_224] : memref<2x128x128xf32, #tpu.memory_space<vmem>> -> memref<1x128x128xf32, #tpu.memory_space<vmem>>
      %dma_wait3A_226 = tpu.memref_squeeze %dma_wait3A_225 : memref<1x128x128xf32, #tpu.memory_space<vmem>> -> memref<128x128xf32, #tpu.memory_space<vmem>>
      %dma_wait3A_227 = arith.constant 0 : i32
      %dma_wait3A_228 = tpu.memref_slice %arg6[%arg0, %mul3A_189, %dma_wait3A_227] : memref<2x10240x128xf32, #tpu.memory_space<hbm>> -> memref<1x128x128xf32, #tpu.memory_space<hbm>>
      %dma_wait3A_229 = tpu.memref_squeeze %dma_wait3A_228 : memref<1x128x128xf32, #tpu.memory_space<hbm>> -> memref<128x128xf32, #tpu.memory_space<hbm>>
      %dma_wait3A_230 = arith.constant 0 : i32
      %dma_wait3A_231 = tpu.memref_slice %arg6[%arg0, %mul3A_189, %dma_wait3A_230] : memref<2x10240x128xf32, #tpu.memory_space<hbm>> -> memref<1x128x128xf32, #tpu.memory_space<hbm>>
      %dma_wait3A_232 = tpu.memref_squeeze %dma_wait3A_231 : memref<1x128x128xf32, #tpu.memory_space<hbm>> -> memref<128x128xf32, #tpu.memory_space<hbm>>
      %dma_wait3A_233 = arith.constant 0 : i32
      %dma_wait3A_234 = arith.constant 0 : i32
      %dma_wait3A_235 = tpu.memref_slice %arg9[%run_scoped3A_191, %dma_wait3A_233, %dma_wait3A_234] : memref<2x128x128xf32, #tpu.memory_space<vmem>> -> memref<1x128x128xf32, #tpu.memory_space<vmem>>
      %dma_wait3A_236 = tpu.memref_squeeze %dma_wait3A_235 : memref<1x128x128xf32, #tpu.memory_space<vmem>> -> memref<128x128xf32, #tpu.memory_space<vmem>>
      tpu.wait_dma2 semaphore(%run_scoped3A_208 : memref<!tpu.dma_semaphore, #tpu.memory_space<semaphore_mem>>) src(%dma_wait3A_236 : memref<128x128xf32, #tpu.memory_space<vmem>>) dst(%dma_wait3A_232 : memref<128x128xf32, #tpu.memory_space<hbm>>)
      tpu.yield
    }) : () -> ()
    %mul3A_192 = arith.constant 5 : i32
    %mul3A_193 = arith.muli %arg1, %mul3A_192 : i32
    %add3A_194 = arith.constant 3 : i32
    %add3A_195 = arith.addi %mul3A_193, %add3A_194 : i32
    %mul3A_196 = arith.constant 128 : i32
    %mul3A_197 = arith.muli %add3A_195, %mul3A_196 : i32
    %run_scoped3A_198 = arith.constant 0 : i32
    "tpu.region"() ({
      %run_scoped3A_208 = tpu.sem_alloc : memref<!tpu.dma_semaphore, #tpu.memory_space<semaphore_mem>>
      %dma_start3A_209 = arith.constant 0 : i32
      %dma_start3A_210 = arith.constant 0 : i32
      %dma_start3A_211 = tpu.memref_slice %arg9[%run_scoped3A_198, %dma_start3A_209, %dma_start3A_210] : memref<2x128x128xf32, #tpu.memory_space<vmem>> -> memref<1x128x128xf32, #tpu.memory_space<vmem>>
      %dma_start3A_212 = tpu.memref_squeeze %dma_start3A_211 : memref<1x128x128xf32, #tpu.memory_space<vmem>> -> memref<128x128xf32, #tpu.memory_space<vmem>>
      %dma_start3A_213 = arith.constant 0 : i32
      %dma_start3A_214 = tpu.memref_slice %arg10[%mul3A_197, %dma_start3A_213] : memref<10240x128xf32, #tpu.memory_space<vmem_shared>> -> memref<128x128xf32, #tpu.memory_space<vmem_shared>>
      %dma_start3A_215 = arith.constant 0 : i32
      %dma_start3A_216 = arith.constant 0 : i32
      %dma_start3A_217 = tpu.memref_slice %arg9[%run_scoped3A_198, %dma_start3A_215, %dma_start3A_216] : memref<2x128x128xf32, #tpu.memory_space<vmem>> -> memref<1x128x128xf32, #tpu.memory_space<vmem>>
      %dma_start3A_218 = tpu.memref_squeeze %dma_start3A_217 : memref<1x128x128xf32, #tpu.memory_space<vmem>> -> memref<128x128xf32, #tpu.memory_space<vmem>>
      %dma_start3A_219 = arith.constant 0 : i32
      %dma_start3A_220 = tpu.memref_slice %arg10[%mul3A_197, %dma_start3A_219] : memref<10240x128xf32, #tpu.memory_space<vmem_shared>> -> memref<128x128xf32, #tpu.memory_space<vmem_shared>>
      tpu.enqueue_dma source(%dma_start3A_220 : memref<128x128xf32, #tpu.memory_space<vmem_shared>>) target(%dma_start3A_218 : memref<128x128xf32, #tpu.memory_space<vmem>>) target_semaphore(%run_scoped3A_208 : memref<!tpu.dma_semaphore, #tpu.memory_space<semaphore_mem>>)
      %dma_wait3A_221 = arith.constant 0 : i32
      %dma_wait3A_222 = arith.constant 0 : i32
      %dma_wait3A_223 = tpu.memref_slice %arg9[%run_scoped3A_198, %dma_wait3A_221, %dma_wait3A_222] : memref<2x128x128xf32, #tpu.memory_space<vmem>> -> memref<1x128x128xf32, #tpu.memory_space<vmem>>
      %dma_wait3A_224 = tpu.memref_squeeze %dma_wait3A_223 : memref<1x128x128xf32, #tpu.memory_space<vmem>> -> memref<128x128xf32, #tpu.memory_space<vmem>>
      %dma_wait3A_225 = arith.constant 0 : i32
      %dma_wait3A_226 = tpu.memref_slice %arg10[%mul3A_197, %dma_wait3A_225] : memref<10240x128xf32, #tpu.memory_space<vmem_shared>> -> memref<128x128xf32, #tpu.memory_space<vmem_shared>>
      %dma_wait3A_227 = arith.constant 0 : i32
      %dma_wait3A_228 = arith.constant 0 : i32
      %dma_wait3A_229 = tpu.memref_slice %arg9[%run_scoped3A_198, %dma_wait3A_227, %dma_wait3A_228] : memref<2x128x128xf32, #tpu.memory_space<vmem>> -> memref<1x128x128xf32, #tpu.memory_space<vmem>>
      %dma_wait3A_230 = tpu.memref_squeeze %dma_wait3A_229 : memref<1x128x128xf32, #tpu.memory_space<vmem>> -> memref<128x128xf32, #tpu.memory_space<vmem>>
      %dma_wait3A_231 = arith.constant 0 : i32
      %dma_wait3A_232 = tpu.memref_slice %arg10[%mul3A_197, %dma_wait3A_231] : memref<10240x128xf32, #tpu.memory_space<vmem_shared>> -> memref<128x128xf32, #tpu.memory_space<vmem_shared>>
      tpu.wait_dma2 semaphore(%run_scoped3A_208 : memref<!tpu.dma_semaphore, #tpu.memory_space<semaphore_mem>>) src(%dma_wait3A_232 : memref<128x128xf32, #tpu.memory_space<vmem_shared>>) dst(%dma_wait3A_230 : memref<128x128xf32, #tpu.memory_space<vmem>>)
      tpu.yield
    }) : () -> ()
    %run_scoped3A_199 = arith.constant 0 : i32
    "tpu.region"() ({
      %run_scoped3A_208 = tpu.sem_alloc : memref<!tpu.dma_semaphore, #tpu.memory_space<semaphore_mem>>
      %dma_start3A_209 = arith.constant 0 : i32
      %dma_start3A_210 = arith.constant 0 : i32
      %dma_start3A_211 = tpu.memref_slice %arg9[%run_scoped3A_199, %dma_start3A_209, %dma_start3A_210] : memref<2x128x128xf32, #tpu.memory_space<vmem>> -> memref<1x128x128xf32, #tpu.memory_space<vmem>>
      %dma_start3A_212 = tpu.memref_squeeze %dma_start3A_211 : memref<1x128x128xf32, #tpu.memory_space<vmem>> -> memref<128x128xf32, #tpu.memory_space<vmem>>
      %dma_start3A_213 = arith.constant 0 : i32
      %dma_start3A_214 = tpu.memref_slice %arg6[%arg0, %mul3A_197, %dma_start3A_213] : memref<2x10240x128xf32, #tpu.memory_space<hbm>> -> memref<1x128x128xf32, #tpu.memory_space<hbm>>
      %dma_start3A_215 = tpu.memref_squeeze %dma_start3A_214 : memref<1x128x128xf32, #tpu.memory_space<hbm>> -> memref<128x128xf32, #tpu.memory_space<hbm>>
      %dma_start3A_216 = arith.constant 0 : i32
      %dma_start3A_217 = tpu.memref_slice %arg6[%arg0, %mul3A_197, %dma_start3A_216] : memref<2x10240x128xf32, #tpu.memory_space<hbm>> -> memref<1x128x128xf32, #tpu.memory_space<hbm>>
      %dma_start3A_218 = tpu.memref_squeeze %dma_start3A_217 : memref<1x128x128xf32, #tpu.memory_space<hbm>> -> memref<128x128xf32, #tpu.memory_space<hbm>>
      %dma_start3A_219 = arith.constant 0 : i32
      %dma_start3A_220 = arith.constant 0 : i32
      %dma_start3A_221 = tpu.memref_slice %arg9[%run_scoped3A_199, %dma_start3A_219, %dma_start3A_220] : memref<2x128x128xf32, #tpu.memory_space<vmem>> -> memref<1x128x128xf32, #tpu.memory_space<vmem>>
      %dma_start3A_222 = tpu.memref_squeeze %dma_start3A_221 : memref<1x128x128xf32, #tpu.memory_space<vmem>> -> memref<128x128xf32, #tpu.memory_space<vmem>>
      tpu.enqueue_dma source(%dma_start3A_222 : memref<128x128xf32, #tpu.memory_space<vmem>>) target(%dma_start3A_218 : memref<128x128xf32, #tpu.memory_space<hbm>>) target_semaphore(%run_scoped3A_208 : memref<!tpu.dma_semaphore, #tpu.memory_space<semaphore_mem>>)
      %dma_wait3A_223 = arith.constant 0 : i32
      %dma_wait3A_224 = arith.constant 0 : i32
      %dma_wait3A_225 = tpu.memref_slice %arg9[%run_scoped3A_199, %dma_wait3A_223, %dma_wait3A_224] : memref<2x128x128xf32, #tpu.memory_space<vmem>> -> memref<1x128x128xf32, #tpu.memory_space<vmem>>
      %dma_wait3A_226 = tpu.memref_squeeze %dma_wait3A_225 : memref<1x128x128xf32, #tpu.memory_space<vmem>> -> memref<128x128xf32, #tpu.memory_space<vmem>>
      %dma_wait3A_227 = arith.constant 0 : i32
      %dma_wait3A_228 = tpu.memref_slice %arg6[%arg0, %mul3A_197, %dma_wait3A_227] : memref<2x10240x128xf32, #tpu.memory_space<hbm>> -> memref<1x128x128xf32, #tpu.memory_space<hbm>>
      %dma_wait3A_229 = tpu.memref_squeeze %dma_wait3A_228 : memref<1x128x128xf32, #tpu.memory_space<hbm>> -> memref<128x128xf32, #tpu.memory_space<hbm>>
      %dma_wait3A_230 = arith.constant 0 : i32
      %dma_wait3A_231 = tpu.memref_slice %arg6[%arg0, %mul3A_197, %dma_wait3A_230] : memref<2x10240x128xf32, #tpu.memory_space<hbm>> -> memref<1x128x128xf32, #tpu.memory_space<hbm>>
      %dma_wait3A_232 = tpu.memref_squeeze %dma_wait3A_231 : memref<1x128x128xf32, #tpu.memory_space<hbm>> -> memref<128x128xf32, #tpu.memory_space<hbm>>
      %dma_wait3A_233 = arith.constant 0 : i32
      %dma_wait3A_234 = arith.constant 0 : i32
      %dma_wait3A_235 = tpu.memref_slice %arg9[%run_scoped3A_199, %dma_wait3A_233, %dma_wait3A_234] : memref<2x128x128xf32, #tpu.memory_space<vmem>> -> memref<1x128x128xf32, #tpu.memory_space<vmem>>
      %dma_wait3A_236 = tpu.memref_squeeze %dma_wait3A_235 : memref<1x128x128xf32, #tpu.memory_space<vmem>> -> memref<128x128xf32, #tpu.memory_space<vmem>>
      tpu.wait_dma2 semaphore(%run_scoped3A_208 : memref<!tpu.dma_semaphore, #tpu.memory_space<semaphore_mem>>) src(%dma_wait3A_236 : memref<128x128xf32, #tpu.memory_space<vmem>>) dst(%dma_wait3A_232 : memref<128x128xf32, #tpu.memory_space<hbm>>)
      tpu.yield
    }) : () -> ()
    %mul3A_200 = arith.constant 5 : i32
    %mul3A_201 = arith.muli %arg1, %mul3A_200 : i32
    %add3A_202 = arith.constant 4 : i32
    %add3A_203 = arith.addi %mul3A_201, %add3A_202 : i32
    %mul3A_204 = arith.constant 128 : i32
    %mul3A_205 = arith.muli %add3A_203, %mul3A_204 : i32
    %run_scoped3A_206 = arith.constant 0 : i32
    "tpu.region"() ({
      %run_scoped3A_208 = tpu.sem_alloc : memref<!tpu.dma_semaphore, #tpu.memory_space<semaphore_mem>>
      %dma_start3A_209 = arith.constant 0 : i32
      %dma_start3A_210 = arith.constant 0 : i32
      %dma_start3A_211 = tpu.memref_slice %arg9[%run_scoped3A_206, %dma_start3A_209, %dma_start3A_210] : memref<2x128x128xf32, #tpu.memory_space<vmem>> -> memref<1x128x128xf32, #tpu.memory_space<vmem>>
      %dma_start3A_212 = tpu.memref_squeeze %dma_start3A_211 : memref<1x128x128xf32, #tpu.memory_space<vmem>> -> memref<128x128xf32, #tpu.memory_space<vmem>>
      %dma_start3A_213 = arith.constant 0 : i32
      %dma_start3A_214 = tpu.memref_slice %arg10[%mul3A_205, %dma_start3A_213] : memref<10240x128xf32, #tpu.memory_space<vmem_shared>> -> memref<128x128xf32, #tpu.memory_space<vmem_shared>>
      %dma_start3A_215 = arith.constant 0 : i32
      %dma_start3A_216 = arith.constant 0 : i32
      %dma_start3A_217 = tpu.memref_slice %arg9[%run_scoped3A_206, %dma_start3A_215, %dma_start3A_216] : memref<2x128x128xf32, #tpu.memory_space<vmem>> -> memref<1x128x128xf32, #tpu.memory_space<vmem>>
      %dma_start3A_218 = tpu.memref_squeeze %dma_start3A_217 : memref<1x128x128xf32, #tpu.memory_space<vmem>> -> memref<128x128xf32, #tpu.memory_space<vmem>>
      %dma_start3A_219 = arith.constant 0 : i32
      %dma_start3A_220 = tpu.memref_slice %arg10[%mul3A_205, %dma_start3A_219] : memref<10240x128xf32, #tpu.memory_space<vmem_shared>> -> memref<128x128xf32, #tpu.memory_space<vmem_shared>>
      tpu.enqueue_dma source(%dma_start3A_220 : memref<128x128xf32, #tpu.memory_space<vmem_shared>>) target(%dma_start3A_218 : memref<128x128xf32, #tpu.memory_space<vmem>>) target_semaphore(%run_scoped3A_208 : memref<!tpu.dma_semaphore, #tpu.memory_space<semaphore_mem>>)
      %dma_wait3A_221 = arith.constant 0 : i32
      %dma_wait3A_222 = arith.constant 0 : i32
      %dma_wait3A_223 = tpu.memref_slice %arg9[%run_scoped3A_206, %dma_wait3A_221, %dma_wait3A_222] : memref<2x128x128xf32, #tpu.memory_space<vmem>> -> memref<1x128x128xf32, #tpu.memory_space<vmem>>
      %dma_wait3A_224 = tpu.memref_squeeze %dma_wait3A_223 : memref<1x128x128xf32, #tpu.memory_space<vmem>> -> memref<128x128xf32, #tpu.memory_space<vmem>>
      %dma_wait3A_225 = arith.constant 0 : i32
      %dma_wait3A_226 = tpu.memref_slice %arg10[%mul3A_205, %dma_wait3A_225] : memref<10240x128xf32, #tpu.memory_space<vmem_shared>> -> memref<128x128xf32, #tpu.memory_space<vmem_shared>>
      %dma_wait3A_227 = arith.constant 0 : i32
      %dma_wait3A_228 = arith.constant 0 : i32
      %dma_wait3A_229 = tpu.memref_slice %arg9[%run_scoped3A_206, %dma_wait3A_227, %dma_wait3A_228] : memref<2x128x128xf32, #tpu.memory_space<vmem>> -> memref<1x128x128xf32, #tpu.memory_space<vmem>>
      %dma_wait3A_230 = tpu.memref_squeeze %dma_wait3A_229 : memref<1x128x128xf32, #tpu.memory_space<vmem>> -> memref<128x128xf32, #tpu.memory_space<vmem>>
      %dma_wait3A_231 = arith.constant 0 : i32
      %dma_wait3A_232 = tpu.memref_slice %arg10[%mul3A_205, %dma_wait3A_231] : memref<10240x128xf32, #tpu.memory_space<vmem_shared>> -> memref<128x128xf32, #tpu.memory_space<vmem_shared>>
      tpu.wait_dma2 semaphore(%run_scoped3A_208 : memref<!tpu.dma_semaphore, #tpu.memory_space<semaphore_mem>>) src(%dma_wait3A_232 : memref<128x128xf32, #tpu.memory_space<vmem_shared>>) dst(%dma_wait3A_230 : memref<128x128xf32, #tpu.memory_space<vmem>>)
      tpu.yield
    }) : () -> ()
    %run_scoped3A_207 = arith.constant 0 : i32
    "tpu.region"() ({
      %run_scoped3A_208 = tpu.sem_alloc : memref<!tpu.dma_semaphore, #tpu.memory_space<semaphore_mem>>
      %dma_start3A_209 = arith.constant 0 : i32
      %dma_start3A_210 = arith.constant 0 : i32
      %dma_start3A_211 = tpu.memref_slice %arg9[%run_scoped3A_207, %dma_start3A_209, %dma_start3A_210] : memref<2x128x128xf32, #tpu.memory_space<vmem>> -> memref<1x128x128xf32, #tpu.memory_space<vmem>>
      %dma_start3A_212 = tpu.memref_squeeze %dma_start3A_211 : memref<1x128x128xf32, #tpu.memory_space<vmem>> -> memref<128x128xf32, #tpu.memory_space<vmem>>
      %dma_start3A_213 = arith.constant 0 : i32
      %dma_start3A_214 = tpu.memref_slice %arg6[%arg0, %mul3A_205, %dma_start3A_213] : memref<2x10240x128xf32, #tpu.memory_space<hbm>> -> memref<1x128x128xf32, #tpu.memory_space<hbm>>
      %dma_start3A_215 = tpu.memref_squeeze %dma_start3A_214 : memref<1x128x128xf32, #tpu.memory_space<hbm>> -> memref<128x128xf32, #tpu.memory_space<hbm>>
      %dma_start3A_216 = arith.constant 0 : i32
      %dma_start3A_217 = tpu.memref_slice %arg6[%arg0, %mul3A_205, %dma_start3A_216] : memref<2x10240x128xf32, #tpu.memory_space<hbm>> -> memref<1x128x128xf32, #tpu.memory_space<hbm>>
      %dma_start3A_218 = tpu.memref_squeeze %dma_start3A_217 : memref<1x128x128xf32, #tpu.memory_space<hbm>> -> memref<128x128xf32, #tpu.memory_space<hbm>>
      %dma_start3A_219 = arith.constant 0 : i32
      %dma_start3A_220 = arith.constant 0 : i32
      %dma_start3A_221 = tpu.memref_slice %arg9[%run_scoped3A_207, %dma_start3A_219, %dma_start3A_220] : memref<2x128x128xf32, #tpu.memory_space<vmem>> -> memref<1x128x128xf32, #tpu.memory_space<vmem>>
      %dma_start3A_222 = tpu.memref_squeeze %dma_start3A_221 : memref<1x128x128xf32, #tpu.memory_space<vmem>> -> memref<128x128xf32, #tpu.memory_space<vmem>>
      tpu.enqueue_dma source(%dma_start3A_222 : memref<128x128xf32, #tpu.memory_space<vmem>>) target(%dma_start3A_218 : memref<128x128xf32, #tpu.memory_space<hbm>>) target_semaphore(%run_scoped3A_208 : memref<!tpu.dma_semaphore, #tpu.memory_space<semaphore_mem>>)
      %dma_wait3A_223 = arith.constant 0 : i32
      %dma_wait3A_224 = arith.constant 0 : i32
      %dma_wait3A_225 = tpu.memref_slice %arg9[%run_scoped3A_207, %dma_wait3A_223, %dma_wait3A_224] : memref<2x128x128xf32, #tpu.memory_space<vmem>> -> memref<1x128x128xf32, #tpu.memory_space<vmem>>
      %dma_wait3A_226 = tpu.memref_squeeze %dma_wait3A_225 : memref<1x128x128xf32, #tpu.memory_space<vmem>> -> memref<128x128xf32, #tpu.memory_space<vmem>>
      %dma_wait3A_227 = arith.constant 0 : i32
      %dma_wait3A_228 = tpu.memref_slice %arg6[%arg0, %mul3A_205, %dma_wait3A_227] : memref<2x10240x128xf32, #tpu.memory_space<hbm>> -> memref<1x128x128xf32, #tpu.memory_space<hbm>>
      %dma_wait3A_229 = tpu.memref_squeeze %dma_wait3A_228 : memref<1x128x128xf32, #tpu.memory_space<hbm>> -> memref<128x128xf32, #tpu.memory_space<hbm>>
      %dma_wait3A_230 = arith.constant 0 : i32
      %dma_wait3A_231 = tpu.memref_slice %arg6[%arg0, %mul3A_205, %dma_wait3A_230] : memref<2x10240x128xf32, #tpu.memory_space<hbm>> -> memref<1x128x128xf32, #tpu.memory_space<hbm>>
      %dma_wait3A_232 = tpu.memref_squeeze %dma_wait3A_231 : memref<1x128x128xf32, #tpu.memory_space<hbm>> -> memref<128x128xf32, #tpu.memory_space<hbm>>
      %dma_wait3A_233 = arith.constant 0 : i32
      %dma_wait3A_234 = arith.constant 0 : i32
      %dma_wait3A_235 = tpu.memref_slice %arg9[%run_scoped3A_207, %dma_wait3A_233, %dma_wait3A_234] : memref<2x128x128xf32, #tpu.memory_space<vmem>> -> memref<1x128x128xf32, #tpu.memory_space<vmem>>
      %dma_wait3A_236 = tpu.memref_squeeze %dma_wait3A_235 : memref<1x128x128xf32, #tpu.memory_space<vmem>> -> memref<128x128xf32, #tpu.memory_space<vmem>>
      tpu.wait_dma2 semaphore(%run_scoped3A_208 : memref<!tpu.dma_semaphore, #tpu.memory_space<semaphore_mem>>) src(%dma_wait3A_236 : memref<128x128xf32, #tpu.memory_space<vmem>>) dst(%dma_wait3A_232 : memref<128x128xf32, #tpu.memory_space<hbm>>)
      tpu.yield
    }) : () -> ()
    return
  }
}

#map = affine_map<(d0, d1) -> (0, 0, 0)>
#map1 = affine_map<(d0, d1) -> (0)>
#map2 = affine_map<(d0, d1) -> (0, 0)>
module attributes {stable_mosaic.version = 14 : i64} {
  func.func @_deg_kernel(%arg0: i32, %arg1: i32, %arg2: memref<32x80x128xi32, #tpu.memory_space<hbm>>, %arg3: memref<128xf32, #tpu.memory_space<hbm>>, %arg4: memref<640xf32, #tpu.memory_space<hbm>>, %arg5: memref<2x10240xf32, #tpu.memory_space<hbm>>, %arg6: memref<128xi32, #tpu.memory_space<vmem>>, %arg7: memref<128xf32, #tpu.memory_space<vmem>>, %arg8: memref<640xf32, #tpu.memory_space<vmem>>, %arg9: memref<10240xf32, #tpu.memory_space<vmem_shared>>) attributes {dimension_semantics = [#tpu.dimension_semantics<core_parallel>, #tpu.dimension_semantics<subcore_parallel>], iteration_bounds = array<i64: 2, 16>, scalar_prefetch = 0 : i64, scratch_operands = 4 : i64, tpu.core_type = #tpu.core_type<sc_vector_subcore>, window_params = [{transform_indices = #map}, {transform_indices = #map1}, {transform_indices = #map1}, {transform_indices = #map2}]} {
    %mul3A = arith.constant 16 : i32
    %mul3A_0 = arith.muli %arg0, %mul3A : i32
    %add3A = arith.addi %mul3A_0, %arg1 : i32
    "tpu.region"() ({
      %run_scoped3A = tpu.sem_alloc : memref<!tpu.dma_semaphore, #tpu.memory_space<semaphore_mem>>
      tpu.enqueue_dma source(%arg4 : memref<640xf32, #tpu.memory_space<hbm>>) target(%arg8 : memref<640xf32, #tpu.memory_space<vmem>>) target_semaphore(%run_scoped3A : memref<!tpu.dma_semaphore, #tpu.memory_space<semaphore_mem>>)
      tpu.wait_dma2 semaphore(%run_scoped3A : memref<!tpu.dma_semaphore, #tpu.memory_space<semaphore_mem>>) src(%arg4 : memref<640xf32, #tpu.memory_space<hbm>>) dst(%arg8 : memref<640xf32, #tpu.memory_space<vmem>>)
      tpu.yield
    }) : () -> ()
    %mul3A_1 = arith.constant 640 : i32
    %mul3A_2 = arith.muli %arg1, %mul3A_1 : i32
    "tpu.region"() ({
      %run_scoped3A = tpu.sem_alloc : memref<!tpu.dma_semaphore, #tpu.memory_space<semaphore_mem>>
      %dma_start3A = tpu.memref_slice %arg9[%mul3A_2] : memref<10240xf32, #tpu.memory_space<vmem_shared>> -> memref<640xf32, #tpu.memory_space<vmem_shared>>
      %dma_start3A_13 = tpu.memref_slice %arg9[%mul3A_2] : memref<10240xf32, #tpu.memory_space<vmem_shared>> -> memref<640xf32, #tpu.memory_space<vmem_shared>>
      tpu.enqueue_dma source(%arg8 : memref<640xf32, #tpu.memory_space<vmem>>) target(%dma_start3A_13 : memref<640xf32, #tpu.memory_space<vmem_shared>>) target_semaphore(%run_scoped3A : memref<!tpu.dma_semaphore, #tpu.memory_space<semaphore_mem>>)
      %dma_wait3A = tpu.memref_slice %arg9[%mul3A_2] : memref<10240xf32, #tpu.memory_space<vmem_shared>> -> memref<640xf32, #tpu.memory_space<vmem_shared>>
      %dma_wait3A_14 = tpu.memref_slice %arg9[%mul3A_2] : memref<10240xf32, #tpu.memory_space<vmem_shared>> -> memref<640xf32, #tpu.memory_space<vmem_shared>>
      tpu.wait_dma2 semaphore(%run_scoped3A : memref<!tpu.dma_semaphore, #tpu.memory_space<semaphore_mem>>) src(%arg8 : memref<640xf32, #tpu.memory_space<vmem>>) dst(%dma_wait3A_14 : memref<640xf32, #tpu.memory_space<vmem_shared>>)
      tpu.yield
    }) : () -> ()
    "tpu.region"() ({
      %run_scoped3A = tpu.sem_alloc : memref<!tpu.dma_semaphore, #tpu.memory_space<semaphore_mem>>
      tpu.enqueue_dma source(%arg3 : memref<128xf32, #tpu.memory_space<hbm>>) target(%arg7 : memref<128xf32, #tpu.memory_space<vmem>>) target_semaphore(%run_scoped3A : memref<!tpu.dma_semaphore, #tpu.memory_space<semaphore_mem>>)
      tpu.wait_dma2 semaphore(%run_scoped3A : memref<!tpu.dma_semaphore, #tpu.memory_space<semaphore_mem>>) src(%arg3 : memref<128xf32, #tpu.memory_space<hbm>>) dst(%arg7 : memref<128xf32, #tpu.memory_space<vmem>>)
      tpu.yield
    }) : () -> ()
    %barrier3A = arith.constant 0 : index
    tpu.barrier barrier_id(%barrier3A)
    %scan3A = arith.constant 0 : i32
    %scan3A_3 = arith.constant 0 : i32
    %scan3A_4 = arith.constant 80 : i32
    %scan3A_5 = arith.addi %scan3A_3, %scan3A_4 : i32
    %scan3A_6 = arith.constant 1 : i32
    scf.for %scan3A_13 = %scan3A_3 to %scan3A_5 step %scan3A_6  : i32 {
      "tpu.region"() ({
        %run_scoped3A = tpu.sem_alloc : memref<!tpu.dma_semaphore, #tpu.memory_space<semaphore_mem>>
        %dma_start3A = arith.constant 0 : i32
        %dma_start3A_14 = tpu.memref_slice %arg2[%add3A, %scan3A_13, %dma_start3A] : memref<32x80x128xi32, #tpu.memory_space<hbm>> -> memref<1x1x128xi32, #tpu.memory_space<hbm>>
        %dma_start3A_15 = tpu.memref_squeeze %dma_start3A_14 : memref<1x1x128xi32, #tpu.memory_space<hbm>> -> memref<128xi32, #tpu.memory_space<hbm>>
        %dma_start3A_16 = arith.constant 0 : i32
        %dma_start3A_17 = tpu.memref_slice %arg2[%add3A, %scan3A_13, %dma_start3A_16] : memref<32x80x128xi32, #tpu.memory_space<hbm>> -> memref<1x1x128xi32, #tpu.memory_space<hbm>>
        %dma_start3A_18 = tpu.memref_squeeze %dma_start3A_17 : memref<1x1x128xi32, #tpu.memory_space<hbm>> -> memref<128xi32, #tpu.memory_space<hbm>>
        tpu.enqueue_dma source(%dma_start3A_18 : memref<128xi32, #tpu.memory_space<hbm>>) target(%arg6 : memref<128xi32, #tpu.memory_space<vmem>>) target_semaphore(%run_scoped3A : memref<!tpu.dma_semaphore, #tpu.memory_space<semaphore_mem>>)
        %dma_wait3A = arith.constant 0 : i32
        %dma_wait3A_19 = tpu.memref_slice %arg2[%add3A, %scan3A_13, %dma_wait3A] : memref<32x80x128xi32, #tpu.memory_space<hbm>> -> memref<1x1x128xi32, #tpu.memory_space<hbm>>
        %dma_wait3A_20 = tpu.memref_squeeze %dma_wait3A_19 : memref<1x1x128xi32, #tpu.memory_space<hbm>> -> memref<128xi32, #tpu.memory_space<hbm>>
        %dma_wait3A_21 = arith.constant 0 : i32
        %dma_wait3A_22 = tpu.memref_slice %arg2[%add3A, %scan3A_13, %dma_wait3A_21] : memref<32x80x128xi32, #tpu.memory_space<hbm>> -> memref<1x1x128xi32, #tpu.memory_space<hbm>>
        %dma_wait3A_23 = tpu.memref_squeeze %dma_wait3A_22 : memref<1x1x128xi32, #tpu.memory_space<hbm>> -> memref<128xi32, #tpu.memory_space<hbm>>
        tpu.wait_dma2 semaphore(%run_scoped3A : memref<!tpu.dma_semaphore, #tpu.memory_space<semaphore_mem>>) src(%dma_wait3A_23 : memref<128xi32, #tpu.memory_space<hbm>>) dst(%arg6 : memref<128xi32, #tpu.memory_space<vmem>>)
        tpu.yield
      }) : () -> ()
      "tpu.region"() ({
        %run_scoped3A = tpu.sem_alloc : memref<!tpu.dma_semaphore, #tpu.memory_space<semaphore_mem>>
        %dma_start3A = arith.constant 0 : i32
        %dma_start3A_14 = tpu.memref_slice %arg9[%dma_start3A] : memref<10240xf32, #tpu.memory_space<vmem_shared>> -> memref<10240xf32, #tpu.memory_space<vmem_shared>>
        tpu.enqueue_indirect_dma source(%arg7 : memref<128xf32, #tpu.memory_space<vmem>>) target(%dma_start3A_14 : memref<10240xf32, #tpu.memory_space<vmem_shared>>) offsets(%arg6 : memref<128xi32, #tpu.memory_space<vmem>>) semaphore(%run_scoped3A : memref<!tpu.dma_semaphore, #tpu.memory_space<semaphore_mem>>) {add = true}
        %dma_wait3A = arith.constant 0 : i32
        %dma_wait3A_15 = tpu.memref_slice %arg9[%dma_wait3A] : memref<10240xf32, #tpu.memory_space<vmem_shared>> -> memref<10240xf32, #tpu.memory_space<vmem_shared>>
        tpu.wait_indirect_dma semaphore(%run_scoped3A : memref<!tpu.dma_semaphore, #tpu.memory_space<semaphore_mem>>) src(%arg7 : memref<128xf32, #tpu.memory_space<vmem>>) dst(%dma_wait3A_15 : memref<10240xf32, #tpu.memory_space<vmem_shared>>)
        tpu.yield
      }) : () -> ()
    }
    %scan3A_7 = arith.constant 80 : i32
    %barrier3A_8 = arith.constant 0 : index
    tpu.barrier barrier_id(%barrier3A_8)
    %mul3A_9 = arith.constant 640 : i32
    %mul3A_10 = arith.muli %arg1, %mul3A_9 : i32
    "tpu.region"() ({
      %run_scoped3A = tpu.sem_alloc : memref<!tpu.dma_semaphore, #tpu.memory_space<semaphore_mem>>
      %dma_start3A = tpu.memref_slice %arg9[%mul3A_10] : memref<10240xf32, #tpu.memory_space<vmem_shared>> -> memref<640xf32, #tpu.memory_space<vmem_shared>>
      %dma_start3A_13 = tpu.memref_slice %arg9[%mul3A_10] : memref<10240xf32, #tpu.memory_space<vmem_shared>> -> memref<640xf32, #tpu.memory_space<vmem_shared>>
      tpu.enqueue_dma source(%dma_start3A_13 : memref<640xf32, #tpu.memory_space<vmem_shared>>) target(%arg8 : memref<640xf32, #tpu.memory_space<vmem>>) target_semaphore(%run_scoped3A : memref<!tpu.dma_semaphore, #tpu.memory_space<semaphore_mem>>)
      %dma_wait3A = tpu.memref_slice %arg9[%mul3A_10] : memref<10240xf32, #tpu.memory_space<vmem_shared>> -> memref<640xf32, #tpu.memory_space<vmem_shared>>
      %dma_wait3A_14 = tpu.memref_slice %arg9[%mul3A_10] : memref<10240xf32, #tpu.memory_space<vmem_shared>> -> memref<640xf32, #tpu.memory_space<vmem_shared>>
      tpu.wait_dma2 semaphore(%run_scoped3A : memref<!tpu.dma_semaphore, #tpu.memory_space<semaphore_mem>>) src(%dma_wait3A_14 : memref<640xf32, #tpu.memory_space<vmem_shared>>) dst(%arg8 : memref<640xf32, #tpu.memory_space<vmem>>)
      tpu.yield
    }) : () -> ()
    %mul3A_11 = arith.constant 640 : i32
    %mul3A_12 = arith.muli %arg1, %mul3A_11 : i32
    "tpu.region"() ({
      %run_scoped3A = tpu.sem_alloc : memref<!tpu.dma_semaphore, #tpu.memory_space<semaphore_mem>>
      %dma_start3A = tpu.memref_slice %arg5[%arg0, %mul3A_12] : memref<2x10240xf32, #tpu.memory_space<hbm>> -> memref<1x640xf32, #tpu.memory_space<hbm>>
      %dma_start3A_13 = tpu.memref_squeeze %dma_start3A : memref<1x640xf32, #tpu.memory_space<hbm>> -> memref<640xf32, #tpu.memory_space<hbm>>
      %dma_start3A_14 = tpu.memref_slice %arg5[%arg0, %mul3A_12] : memref<2x10240xf32, #tpu.memory_space<hbm>> -> memref<1x640xf32, #tpu.memory_space<hbm>>
      %dma_start3A_15 = tpu.memref_squeeze %dma_start3A_14 : memref<1x640xf32, #tpu.memory_space<hbm>> -> memref<640xf32, #tpu.memory_space<hbm>>
      tpu.enqueue_dma source(%arg8 : memref<640xf32, #tpu.memory_space<vmem>>) target(%dma_start3A_15 : memref<640xf32, #tpu.memory_space<hbm>>) target_semaphore(%run_scoped3A : memref<!tpu.dma_semaphore, #tpu.memory_space<semaphore_mem>>)
      %dma_wait3A = tpu.memref_slice %arg5[%arg0, %mul3A_12] : memref<2x10240xf32, #tpu.memory_space<hbm>> -> memref<1x640xf32, #tpu.memory_space<hbm>>
      %dma_wait3A_16 = tpu.memref_squeeze %dma_wait3A : memref<1x640xf32, #tpu.memory_space<hbm>> -> memref<640xf32, #tpu.memory_space<hbm>>
      %dma_wait3A_17 = tpu.memref_slice %arg5[%arg0, %mul3A_12] : memref<2x10240xf32, #tpu.memory_space<hbm>> -> memref<1x640xf32, #tpu.memory_space<hbm>>
      %dma_wait3A_18 = tpu.memref_squeeze %dma_wait3A_17 : memref<1x640xf32, #tpu.memory_space<hbm>> -> memref<640xf32, #tpu.memory_space<hbm>>
      tpu.wait_dma2 semaphore(%run_scoped3A : memref<!tpu.dma_semaphore, #tpu.memory_space<semaphore_mem>>) src(%arg8 : memref<640xf32, #tpu.memory_space<vmem>>) dst(%dma_wait3A_18 : memref<640xf32, #tpu.memory_space<hbm>>)
      tpu.yield
    }) : () -> ()
    return
  }
}

#map = affine_map<(d0, d1) -> (0, 0)>
#map1 = affine_map<(d0, d1) -> (0, 0, 0)>
module attributes {stable_mosaic.version = 14 : i64} {
  func.func @_prop_kernel(%arg0: i32, %arg1: i32, %arg2: memref<10000x128xf32, #tpu.memory_space<hbm>>, %arg3: memref<32x80x128xi32, #tpu.memory_space<hbm>>, %arg4: memref<32x80x128xi32, #tpu.memory_space<hbm>>, %arg5: memref<128x128xf32, #tpu.memory_space<hbm>>, %arg6: memref<2x10240x128xf32, #tpu.memory_space<hbm>>, %arg7: memref<80x128xi32, #tpu.memory_space<vmem>>, %arg8: memref<2x128xi32, #tpu.memory_space<vmem>>, %arg9: memref<2x128x128xf32, #tpu.memory_space<vmem>>, %arg10: memref<10240x128xf32, #tpu.memory_space<vmem_shared>>, %arg11: memref<2x!tpu.dma_semaphore, #tpu.memory_space<semaphore_mem>>, %arg12: memref<2x!tpu.dma_semaphore, #tpu.memory_space<semaphore_mem>>) attributes {dimension_semantics = [#tpu.dimension_semantics<core_parallel>, #tpu.dimension_semantics<subcore_parallel>], iteration_bounds = array<i64: 2, 16>, scalar_prefetch = 0 : i64, scratch_operands = 6 : i64, tpu.core_type = #tpu.core_type<sc_vector_subcore>, window_params = [{transform_indices = #map}, {transform_indices = #map1}, {transform_indices = #map1}, {transform_indices = #map}, {transform_indices = #map1}]} {
    %mul3A = arith.constant 16 : i32
    %mul3A_0 = arith.muli %arg0, %mul3A : i32
    %add3A = arith.addi %mul3A_0, %arg1 : i32
    %run_scoped3A = arith.constant 0 : i32
    "tpu.region"() ({
      %run_scoped3A_208 = tpu.sem_alloc : memref<!tpu.dma_semaphore, #tpu.memory_space<semaphore_mem>>
      %dma_start3A_209 = arith.constant 0 : i32
      %dma_start3A_210 = arith.constant 0 : i32
      %dma_start3A_211 = tpu.memref_slice %arg9[%run_scoped3A, %dma_start3A_209, %dma_start3A_210] : memref<2x128x128xf32, #tpu.memory_space<vmem>> -> memref<1x128x128xf32, #tpu.memory_space<vmem>>
      %dma_start3A_212 = tpu.memref_squeeze %dma_start3A_211 : memref<1x128x128xf32, #tpu.memory_space<vmem>> -> memref<128x128xf32, #tpu.memory_space<vmem>>
      %dma_start3A_213 = arith.constant 0 : i32
      %dma_start3A_214 = arith.constant 0 : i32
      %dma_start3A_215 = tpu.memref_slice %arg9[%run_scoped3A, %dma_start3A_213, %dma_start3A_214] : memref<2x128x128xf32, #tpu.memory_space<vmem>> -> memref<1x128x128xf32, #tpu.memory_space<vmem>>
      %dma_start3A_216 = tpu.memref_squeeze %dma_start3A_215 : memref<1x128x128xf32, #tpu.memory_space<vmem>> -> memref<128x128xf32, #tpu.memory_space<vmem>>
      tpu.enqueue_dma source(%arg5 : memref<128x128xf32, #tpu.memory_space<hbm>>) target(%dma_start3A_216 : memref<128x128xf32, #tpu.memory_space<vmem>>) target_semaphore(%run_scoped3A_208 : memref<!tpu.dma_semaphore, #tpu.memory_space<semaphore_mem>>)
      %dma_wait3A_217 = arith.constant 0 : i32
      %dma_wait3A_218 = arith.constant 0 : i32
      %dma_wait3A_219 = tpu.memref_slice %arg9[%run_scoped3A, %dma_wait3A_217, %dma_wait3A_218] : memref<2x128x128xf32, #tpu.memory_space<vmem>> -> memref<1x128x128xf32, #tpu.memory_space<vmem>>
      %dma_wait3A_220 = tpu.memref_squeeze %dma_wait3A_219 : memref<1x128x128xf32, #tpu.memory_space<vmem>> -> memref<128x128xf32, #tpu.memory_space<vmem>>
      %dma_wait3A_221 = arith.constant 0 : i32
      %dma_wait3A_222 = arith.constant 0 : i32
      %dma_wait3A_223 = tpu.memref_slice %arg9[%run_scoped3A, %dma_wait3A_221, %dma_wait3A_222] : memref<2x128x128xf32, #tpu.memory_space<vmem>> -> memref<1x128x128xf32, #tpu.memory_space<vmem>>
      %dma_wait3A_224 = tpu.memref_squeeze %dma_wait3A_223 : memref<1x128x128xf32, #tpu.memory_space<vmem>> -> memref<128x128xf32, #tpu.memory_space<vmem>>
      tpu.wait_dma2 semaphore(%run_scoped3A_208 : memref<!tpu.dma_semaphore, #tpu.memory_space<semaphore_mem>>) src(%arg5 : memref<128x128xf32, #tpu.memory_space<hbm>>) dst(%dma_wait3A_224 : memref<128x128xf32, #tpu.memory_space<vmem>>)
      tpu.yield
    }) : () -> ()
    %mul3A_1 = arith.constant 5 : i32
    %mul3A_2 = arith.muli %arg1, %mul3A_1 : i32
    %add3A_3 = arith.constant 0 : i32
    %add3A_4 = arith.addi %mul3A_2, %add3A_3 : i32
    %mul3A_5 = arith.constant 128 : i32
    %mul3A_6 = arith.muli %add3A_4, %mul3A_5 : i32
    %run_scoped3A_7 = arith.constant 0 : i32
    "tpu.region"() ({
      %run_scoped3A_208 = tpu.sem_alloc : memref<!tpu.dma_semaphore, #tpu.memory_space<semaphore_mem>>
      %dma_start3A_209 = arith.constant 0 : i32
      %dma_start3A_210 = arith.constant 0 : i32
      %dma_start3A_211 = tpu.memref_slice %arg9[%run_scoped3A_7, %dma_start3A_209, %dma_start3A_210] : memref<2x128x128xf32, #tpu.memory_space<vmem>> -> memref<1x128x128xf32, #tpu.memory_space<vmem>>
      %dma_start3A_212 = tpu.memref_squeeze %dma_start3A_211 : memref<1x128x128xf32, #tpu.memory_space<vmem>> -> memref<128x128xf32, #tpu.memory_space<vmem>>
      %dma_start3A_213 = arith.constant 0 : i32
      %dma_start3A_214 = tpu.memref_slice %arg10[%mul3A_6, %dma_start3A_213] : memref<10240x128xf32, #tpu.memory_space<vmem_shared>> -> memref<128x128xf32, #tpu.memory_space<vmem_shared>>
      %dma_start3A_215 = arith.constant 0 : i32
      %dma_start3A_216 = tpu.memref_slice %arg10[%mul3A_6, %dma_start3A_215] : memref<10240x128xf32, #tpu.memory_space<vmem_shared>> -> memref<128x128xf32, #tpu.memory_space<vmem_shared>>
      %dma_start3A_217 = arith.constant 0 : i32
      %dma_start3A_218 = arith.constant 0 : i32
      %dma_start3A_219 = tpu.memref_slice %arg9[%run_scoped3A_7, %dma_start3A_217, %dma_start3A_218] : memref<2x128x128xf32, #tpu.memory_space<vmem>> -> memref<1x128x128xf32, #tpu.memory_space<vmem>>
      %dma_start3A_220 = tpu.memref_squeeze %dma_start3A_219 : memref<1x128x128xf32, #tpu.memory_space<vmem>> -> memref<128x128xf32, #tpu.memory_space<vmem>>
      tpu.enqueue_dma source(%dma_start3A_220 : memref<128x128xf32, #tpu.memory_space<vmem>>) target(%dma_start3A_216 : memref<128x128xf32, #tpu.memory_space<vmem_shared>>) target_semaphore(%run_scoped3A_208 : memref<!tpu.dma_semaphore, #tpu.memory_space<semaphore_mem>>)
      %dma_wait3A_221 = arith.constant 0 : i32
      %dma_wait3A_222 = arith.constant 0 : i32
      %dma_wait3A_223 = tpu.memref_slice %arg9[%run_scoped3A_7, %dma_wait3A_221, %dma_wait3A_222] : memref<2x128x128xf32, #tpu.memory_space<vmem>> -> memref<1x128x128xf32, #tpu.memory_space<vmem>>
      %dma_wait3A_224 = tpu.memref_squeeze %dma_wait3A_223 : memref<1x128x128xf32, #tpu.memory_space<vmem>> -> memref<128x128xf32, #tpu.memory_space<vmem>>
      %dma_wait3A_225 = arith.constant 0 : i32
      %dma_wait3A_226 = tpu.memref_slice %arg10[%mul3A_6, %dma_wait3A_225] : memref<10240x128xf32, #tpu.memory_space<vmem_shared>> -> memref<128x128xf32, #tpu.memory_space<vmem_shared>>
      %dma_wait3A_227 = arith.constant 0 : i32
      %dma_wait3A_228 = tpu.memref_slice %arg10[%mul3A_6, %dma_wait3A_227] : memref<10240x128xf32, #tpu.memory_space<vmem_shared>> -> memref<128x128xf32, #tpu.memory_space<vmem_shared>>
      %dma_wait3A_229 = arith.constant 0 : i32
      %dma_wait3A_230 = arith.constant 0 : i32
      %dma_wait3A_231 = tpu.memref_slice %arg9[%run_scoped3A_7, %dma_wait3A_229, %dma_wait3A_230] : memref<2x128x128xf32, #tpu.memory_space<vmem>> -> memref<1x128x128xf32, #tpu.memory_space<vmem>>
      %dma_wait3A_232 = tpu.memref_squeeze %dma_wait3A_231 : memref<1x128x128xf32, #tpu.memory_space<vmem>> -> memref<128x128xf32, #tpu.memory_space<vmem>>
      tpu.wait_dma2 semaphore(%run_scoped3A_208 : memref<!tpu.dma_semaphore, #tpu.memory_space<semaphore_mem>>) src(%dma_wait3A_232 : memref<128x128xf32, #tpu.memory_space<vmem>>) dst(%dma_wait3A_228 : memref<128x128xf32, #tpu.memory_space<vmem_shared>>)
      tpu.yield
    }) : () -> ()
    %mul3A_8 = arith.constant 5 : i32
    %mul3A_9 = arith.muli %arg1, %mul3A_8 : i32
    %add3A_10 = arith.constant 1 : i32
    %add3A_11 = arith.addi %mul3A_9, %add3A_10 : i32
    %mul3A_12 = arith.constant 128 : i32
    %mul3A_13 = arith.muli %add3A_11, %mul3A_12 : i32
    %run_scoped3A_14 = arith.constant 0 : i32
    "tpu.region"() ({
      %run_scoped3A_208 = tpu.sem_alloc : memref<!tpu.dma_semaphore, #tpu.memory_space<semaphore_mem>>
      %dma_start3A_209 = arith.constant 0 : i32
      %dma_start3A_210 = arith.constant 0 : i32
      %dma_start3A_211 = tpu.memref_slice %arg9[%run_scoped3A_14, %dma_start3A_209, %dma_start3A_210] : memref<2x128x128xf32, #tpu.memory_space<vmem>> -> memref<1x128x128xf32, #tpu.memory_space<vmem>>
      %dma_start3A_212 = tpu.memref_squeeze %dma_start3A_211 : memref<1x128x128xf32, #tpu.memory_space<vmem>> -> memref<128x128xf32, #tpu.memory_space<vmem>>
      %dma_start3A_213 = arith.constant 0 : i32
      %dma_start3A_214 = tpu.memref_slice %arg10[%mul3A_13, %dma_start3A_213] : memref<10240x128xf32, #tpu.memory_space<vmem_shared>> -> memref<128x128xf32, #tpu.memory_space<vmem_shared>>
      %dma_start3A_215 = arith.constant 0 : i32
      %dma_start3A_216 = tpu.memref_slice %arg10[%mul3A_13, %dma_start3A_215] : memref<10240x128xf32, #tpu.memory_space<vmem_shared>> -> memref<128x128xf32, #tpu.memory_space<vmem_shared>>
      %dma_start3A_217 = arith.constant 0 : i32
      %dma_start3A_218 = arith.constant 0 : i32
      %dma_start3A_219 = tpu.memref_slice %arg9[%run_scoped3A_14, %dma_start3A_217, %dma_start3A_218] : memref<2x128x128xf32, #tpu.memory_space<vmem>> -> memref<1x128x128xf32, #tpu.memory_space<vmem>>
      %dma_start3A_220 = tpu.memref_squeeze %dma_start3A_219 : memref<1x128x128xf32, #tpu.memory_space<vmem>> -> memref<128x128xf32, #tpu.memory_space<vmem>>
      tpu.enqueue_dma source(%dma_start3A_220 : memref<128x128xf32, #tpu.memory_space<vmem>>) target(%dma_start3A_216 : memref<128x128xf32, #tpu.memory_space<vmem_shared>>) target_semaphore(%run_scoped3A_208 : memref<!tpu.dma_semaphore, #tpu.memory_space<semaphore_mem>>)
      %dma_wait3A_221 = arith.constant 0 : i32
      %dma_wait3A_222 = arith.constant 0 : i32
      %dma_wait3A_223 = tpu.memref_slice %arg9[%run_scoped3A_14, %dma_wait3A_221, %dma_wait3A_222] : memref<2x128x128xf32, #tpu.memory_space<vmem>> -> memref<1x128x128xf32, #tpu.memory_space<vmem>>
      %dma_wait3A_224 = tpu.memref_squeeze %dma_wait3A_223 : memref<1x128x128xf32, #tpu.memory_space<vmem>> -> memref<128x128xf32, #tpu.memory_space<vmem>>
      %dma_wait3A_225 = arith.constant 0 : i32
      %dma_wait3A_226 = tpu.memref_slice %arg10[%mul3A_13, %dma_wait3A_225] : memref<10240x128xf32, #tpu.memory_space<vmem_shared>> -> memref<128x128xf32, #tpu.memory_space<vmem_shared>>
      %dma_wait3A_227 = arith.constant 0 : i32
      %dma_wait3A_228 = tpu.memref_slice %arg10[%mul3A_13, %dma_wait3A_227] : memref<10240x128xf32, #tpu.memory_space<vmem_shared>> -> memref<128x128xf32, #tpu.memory_space<vmem_shared>>
      %dma_wait3A_229 = arith.constant 0 : i32
      %dma_wait3A_230 = arith.constant 0 : i32
      %dma_wait3A_231 = tpu.memref_slice %arg9[%run_scoped3A_14, %dma_wait3A_229, %dma_wait3A_230] : memref<2x128x128xf32, #tpu.memory_space<vmem>> -> memref<1x128x128xf32, #tpu.memory_space<vmem>>
      %dma_wait3A_232 = tpu.memref_squeeze %dma_wait3A_231 : memref<1x128x128xf32, #tpu.memory_space<vmem>> -> memref<128x128xf32, #tpu.memory_space<vmem>>
      tpu.wait_dma2 semaphore(%run_scoped3A_208 : memref<!tpu.dma_semaphore, #tpu.memory_space<semaphore_mem>>) src(%dma_wait3A_232 : memref<128x128xf32, #tpu.memory_space<vmem>>) dst(%dma_wait3A_228 : memref<128x128xf32, #tpu.memory_space<vmem_shared>>)
      tpu.yield
    }) : () -> ()
    %mul3A_15 = arith.constant 5 : i32
    %mul3A_16 = arith.muli %arg1, %mul3A_15 : i32
    %add3A_17 = arith.constant 2 : i32
    %add3A_18 = arith.addi %mul3A_16, %add3A_17 : i32
    %mul3A_19 = arith.constant 128 : i32
    %mul3A_20 = arith.muli %add3A_18, %mul3A_19 : i32
    %run_scoped3A_21 = arith.constant 0 : i32
    "tpu.region"() ({
      %run_scoped3A_208 = tpu.sem_alloc : memref<!tpu.dma_semaphore, #tpu.memory_space<semaphore_mem>>
      %dma_start3A_209 = arith.constant 0 : i32
      %dma_start3A_210 = arith.constant 0 : i32
      %dma_start3A_211 = tpu.memref_slice %arg9[%run_scoped3A_21, %dma_start3A_209, %dma_start3A_210] : memref<2x128x128xf32, #tpu.memory_space<vmem>> -> memref<1x128x128xf32, #tpu.memory_space<vmem>>
      %dma_start3A_212 = tpu.memref_squeeze %dma_start3A_211 : memref<1x128x128xf32, #tpu.memory_space<vmem>> -> memref<128x128xf32, #tpu.memory_space<vmem>>
      %dma_start3A_213 = arith.constant 0 : i32
      %dma_start3A_214 = tpu.memref_slice %arg10[%mul3A_20, %dma_start3A_213] : memref<10240x128xf32, #tpu.memory_space<vmem_shared>> -> memref<128x128xf32, #tpu.memory_space<vmem_shared>>
      %dma_start3A_215 = arith.constant 0 : i32
      %dma_start3A_216 = tpu.memref_slice %arg10[%mul3A_20, %dma_start3A_215] : memref<10240x128xf32, #tpu.memory_space<vmem_shared>> -> memref<128x128xf32, #tpu.memory_space<vmem_shared>>
      %dma_start3A_217 = arith.constant 0 : i32
      %dma_start3A_218 = arith.constant 0 : i32
      %dma_start3A_219 = tpu.memref_slice %arg9[%run_scoped3A_21, %dma_start3A_217, %dma_start3A_218] : memref<2x128x128xf32, #tpu.memory_space<vmem>> -> memref<1x128x128xf32, #tpu.memory_space<vmem>>
      %dma_start3A_220 = tpu.memref_squeeze %dma_start3A_219 : memref<1x128x128xf32, #tpu.memory_space<vmem>> -> memref<128x128xf32, #tpu.memory_space<vmem>>
      tpu.enqueue_dma source(%dma_start3A_220 : memref<128x128xf32, #tpu.memory_space<vmem>>) target(%dma_start3A_216 : memref<128x128xf32, #tpu.memory_space<vmem_shared>>) target_semaphore(%run_scoped3A_208 : memref<!tpu.dma_semaphore, #tpu.memory_space<semaphore_mem>>)
      %dma_wait3A_221 = arith.constant 0 : i32
      %dma_wait3A_222 = arith.constant 0 : i32
      %dma_wait3A_223 = tpu.memref_slice %arg9[%run_scoped3A_21, %dma_wait3A_221, %dma_wait3A_222] : memref<2x128x128xf32, #tpu.memory_space<vmem>> -> memref<1x128x128xf32, #tpu.memory_space<vmem>>
      %dma_wait3A_224 = tpu.memref_squeeze %dma_wait3A_223 : memref<1x128x128xf32, #tpu.memory_space<vmem>> -> memref<128x128xf32, #tpu.memory_space<vmem>>
      %dma_wait3A_225 = arith.constant 0 : i32
      %dma_wait3A_226 = tpu.memref_slice %arg10[%mul3A_20, %dma_wait3A_225] : memref<10240x128xf32, #tpu.memory_space<vmem_shared>> -> memref<128x128xf32, #tpu.memory_space<vmem_shared>>
      %dma_wait3A_227 = arith.constant 0 : i32
      %dma_wait3A_228 = tpu.memref_slice %arg10[%mul3A_20, %dma_wait3A_227] : memref<10240x128xf32, #tpu.memory_space<vmem_shared>> -> memref<128x128xf32, #tpu.memory_space<vmem_shared>>
      %dma_wait3A_229 = arith.constant 0 : i32
      %dma_wait3A_230 = arith.constant 0 : i32
      %dma_wait3A_231 = tpu.memref_slice %arg9[%run_scoped3A_21, %dma_wait3A_229, %dma_wait3A_230] : memref<2x128x128xf32, #tpu.memory_space<vmem>> -> memref<1x128x128xf32, #tpu.memory_space<vmem>>
      %dma_wait3A_232 = tpu.memref_squeeze %dma_wait3A_231 : memref<1x128x128xf32, #tpu.memory_space<vmem>> -> memref<128x128xf32, #tpu.memory_space<vmem>>
      tpu.wait_dma2 semaphore(%run_scoped3A_208 : memref<!tpu.dma_semaphore, #tpu.memory_space<semaphore_mem>>) src(%dma_wait3A_232 : memref<128x128xf32, #tpu.memory_space<vmem>>) dst(%dma_wait3A_228 : memref<128x128xf32, #tpu.memory_space<vmem_shared>>)
      tpu.yield
    }) : () -> ()
    %mul3A_22 = arith.constant 5 : i32
    %mul3A_23 = arith.muli %arg1, %mul3A_22 : i32
    %add3A_24 = arith.constant 3 : i32
    %add3A_25 = arith.addi %mul3A_23, %add3A_24 : i32
    %mul3A_26 = arith.constant 128 : i32
    %mul3A_27 = arith.muli %add3A_25, %mul3A_26 : i32
    %run_scoped3A_28 = arith.constant 0 : i32
    "tpu.region"() ({
      %run_scoped3A_208 = tpu.sem_alloc : memref<!tpu.dma_semaphore, #tpu.memory_space<semaphore_mem>>
      %dma_start3A_209 = arith.constant 0 : i32
      %dma_start3A_210 = arith.constant 0 : i32
      %dma_start3A_211 = tpu.memref_slice %arg9[%run_scoped3A_28, %dma_start3A_209, %dma_start3A_210] : memref<2x128x128xf32, #tpu.memory_space<vmem>> -> memref<1x128x128xf32, #tpu.memory_space<vmem>>
      %dma_start3A_212 = tpu.memref_squeeze %dma_start3A_211 : memref<1x128x128xf32, #tpu.memory_space<vmem>> -> memref<128x128xf32, #tpu.memory_space<vmem>>
      %dma_start3A_213 = arith.constant 0 : i32
      %dma_start3A_214 = tpu.memref_slice %arg10[%mul3A_27, %dma_start3A_213] : memref<10240x128xf32, #tpu.memory_space<vmem_shared>> -> memref<128x128xf32, #tpu.memory_space<vmem_shared>>
      %dma_start3A_215 = arith.constant 0 : i32
      %dma_start3A_216 = tpu.memref_slice %arg10[%mul3A_27, %dma_start3A_215] : memref<10240x128xf32, #tpu.memory_space<vmem_shared>> -> memref<128x128xf32, #tpu.memory_space<vmem_shared>>
      %dma_start3A_217 = arith.constant 0 : i32
      %dma_start3A_218 = arith.constant 0 : i32
      %dma_start3A_219 = tpu.memref_slice %arg9[%run_scoped3A_28, %dma_start3A_217, %dma_start3A_218] : memref<2x128x128xf32, #tpu.memory_space<vmem>> -> memref<1x128x128xf32, #tpu.memory_space<vmem>>
      %dma_start3A_220 = tpu.memref_squeeze %dma_start3A_219 : memref<1x128x128xf32, #tpu.memory_space<vmem>> -> memref<128x128xf32, #tpu.memory_space<vmem>>
      tpu.enqueue_dma source(%dma_start3A_220 : memref<128x128xf32, #tpu.memory_space<vmem>>) target(%dma_start3A_216 : memref<128x128xf32, #tpu.memory_space<vmem_shared>>) target_semaphore(%run_scoped3A_208 : memref<!tpu.dma_semaphore, #tpu.memory_space<semaphore_mem>>)
      %dma_wait3A_221 = arith.constant 0 : i32
      %dma_wait3A_222 = arith.constant 0 : i32
      %dma_wait3A_223 = tpu.memref_slice %arg9[%run_scoped3A_28, %dma_wait3A_221, %dma_wait3A_222] : memref<2x128x128xf32, #tpu.memory_space<vmem>> -> memref<1x128x128xf32, #tpu.memory_space<vmem>>
      %dma_wait3A_224 = tpu.memref_squeeze %dma_wait3A_223 : memref<1x128x128xf32, #tpu.memory_space<vmem>> -> memref<128x128xf32, #tpu.memory_space<vmem>>
      %dma_wait3A_225 = arith.constant 0 : i32
      %dma_wait3A_226 = tpu.memref_slice %arg10[%mul3A_27, %dma_wait3A_225] : memref<10240x128xf32, #tpu.memory_space<vmem_shared>> -> memref<128x128xf32, #tpu.memory_space<vmem_shared>>
      %dma_wait3A_227 = arith.constant 0 : i32
      %dma_wait3A_228 = tpu.memref_slice %arg10[%mul3A_27, %dma_wait3A_227] : memref<10240x128xf32, #tpu.memory_space<vmem_shared>> -> memref<128x128xf32, #tpu.memory_space<vmem_shared>>
      %dma_wait3A_229 = arith.constant 0 : i32
      %dma_wait3A_230 = arith.constant 0 : i32
      %dma_wait3A_231 = tpu.memref_slice %arg9[%run_scoped3A_28, %dma_wait3A_229, %dma_wait3A_230] : memref<2x128x128xf32, #tpu.memory_space<vmem>> -> memref<1x128x128xf32, #tpu.memory_space<vmem>>
      %dma_wait3A_232 = tpu.memref_squeeze %dma_wait3A_231 : memref<1x128x128xf32, #tpu.memory_space<vmem>> -> memref<128x128xf32, #tpu.memory_space<vmem>>
      tpu.wait_dma2 semaphore(%run_scoped3A_208 : memref<!tpu.dma_semaphore, #tpu.memory_space<semaphore_mem>>) src(%dma_wait3A_232 : memref<128x128xf32, #tpu.memory_space<vmem>>) dst(%dma_wait3A_228 : memref<128x128xf32, #tpu.memory_space<vmem_shared>>)
      tpu.yield
    }) : () -> ()
    %mul3A_29 = arith.constant 5 : i32
    %mul3A_30 = arith.muli %arg1, %mul3A_29 : i32
    %add3A_31 = arith.constant 4 : i32
    %add3A_32 = arith.addi %mul3A_30, %add3A_31 : i32
    %mul3A_33 = arith.constant 128 : i32
    %mul3A_34 = arith.muli %add3A_32, %mul3A_33 : i32
    %run_scoped3A_35 = arith.constant 0 : i32
    "tpu.region"() ({
      %run_scoped3A_208 = tpu.sem_alloc : memref<!tpu.dma_semaphore, #tpu.memory_space<semaphore_mem>>
      %dma_start3A_209 = arith.constant 0 : i32
      %dma_start3A_210 = arith.constant 0 : i32
      %dma_start3A_211 = tpu.memref_slice %arg9[%run_scoped3A_35, %dma_start3A_209, %dma_start3A_210] : memref<2x128x128xf32, #tpu.memory_space<vmem>> -> memref<1x128x128xf32, #tpu.memory_space<vmem>>
      %dma_start3A_212 = tpu.memref_squeeze %dma_start3A_211 : memref<1x128x128xf32, #tpu.memory_space<vmem>> -> memref<128x128xf32, #tpu.memory_space<vmem>>
      %dma_start3A_213 = arith.constant 0 : i32
      %dma_start3A_214 = tpu.memref_slice %arg10[%mul3A_34, %dma_start3A_213] : memref<10240x128xf32, #tpu.memory_space<vmem_shared>> -> memref<128x128xf32, #tpu.memory_space<vmem_shared>>
      %dma_start3A_215 = arith.constant 0 : i32
      %dma_start3A_216 = tpu.memref_slice %arg10[%mul3A_34, %dma_start3A_215] : memref<10240x128xf32, #tpu.memory_space<vmem_shared>> -> memref<128x128xf32, #tpu.memory_space<vmem_shared>>
      %dma_start3A_217 = arith.constant 0 : i32
      %dma_start3A_218 = arith.constant 0 : i32
      %dma_start3A_219 = tpu.memref_slice %arg9[%run_scoped3A_35, %dma_start3A_217, %dma_start3A_218] : memref<2x128x128xf32, #tpu.memory_space<vmem>> -> memref<1x128x128xf32, #tpu.memory_space<vmem>>
      %dma_start3A_220 = tpu.memref_squeeze %dma_start3A_219 : memref<1x128x128xf32, #tpu.memory_space<vmem>> -> memref<128x128xf32, #tpu.memory_space<vmem>>
      tpu.enqueue_dma source(%dma_start3A_220 : memref<128x128xf32, #tpu.memory_space<vmem>>) target(%dma_start3A_216 : memref<128x128xf32, #tpu.memory_space<vmem_shared>>) target_semaphore(%run_scoped3A_208 : memref<!tpu.dma_semaphore, #tpu.memory_space<semaphore_mem>>)
      %dma_wait3A_221 = arith.constant 0 : i32
      %dma_wait3A_222 = arith.constant 0 : i32
      %dma_wait3A_223 = tpu.memref_slice %arg9[%run_scoped3A_35, %dma_wait3A_221, %dma_wait3A_222] : memref<2x128x128xf32, #tpu.memory_space<vmem>> -> memref<1x128x128xf32, #tpu.memory_space<vmem>>
      %dma_wait3A_224 = tpu.memref_squeeze %dma_wait3A_223 : memref<1x128x128xf32, #tpu.memory_space<vmem>> -> memref<128x128xf32, #tpu.memory_space<vmem>>
      %dma_wait3A_225 = arith.constant 0 : i32
      %dma_wait3A_226 = tpu.memref_slice %arg10[%mul3A_34, %dma_wait3A_225] : memref<10240x128xf32, #tpu.memory_space<vmem_shared>> -> memref<128x128xf32, #tpu.memory_space<vmem_shared>>
      %dma_wait3A_227 = arith.constant 0 : i32
      %dma_wait3A_228 = tpu.memref_slice %arg10[%mul3A_34, %dma_wait3A_227] : memref<10240x128xf32, #tpu.memory_space<vmem_shared>> -> memref<128x128xf32, #tpu.memory_space<vmem_shared>>
      %dma_wait3A_229 = arith.constant 0 : i32
      %dma_wait3A_230 = arith.constant 0 : i32
      %dma_wait3A_231 = tpu.memref_slice %arg9[%run_scoped3A_35, %dma_wait3A_229, %dma_wait3A_230] : memref<2x128x128xf32, #tpu.memory_space<vmem>> -> memref<1x128x128xf32, #tpu.memory_space<vmem>>
      %dma_wait3A_232 = tpu.memref_squeeze %dma_wait3A_231 : memref<1x128x128xf32, #tpu.memory_space<vmem>> -> memref<128x128xf32, #tpu.memory_space<vmem>>
      tpu.wait_dma2 semaphore(%run_scoped3A_208 : memref<!tpu.dma_semaphore, #tpu.memory_space<semaphore_mem>>) src(%dma_wait3A_232 : memref<128x128xf32, #tpu.memory_space<vmem>>) dst(%dma_wait3A_228 : memref<128x128xf32, #tpu.memory_space<vmem_shared>>)
      tpu.yield
    }) : () -> ()
    "tpu.region"() ({
      %run_scoped3A_208 = tpu.sem_alloc : memref<!tpu.dma_semaphore, #tpu.memory_space<semaphore_mem>>
      %dma_start3A_209 = arith.constant 0 : i32
      %dma_start3A_210 = arith.constant 0 : i32
      %dma_start3A_211 = tpu.memref_slice %arg3[%add3A, %dma_start3A_209, %dma_start3A_210] : memref<32x80x128xi32, #tpu.memory_space<hbm>> -> memref<1x80x128xi32, #tpu.memory_space<hbm>>
      %dma_start3A_212 = tpu.memref_squeeze %dma_start3A_211 : memref<1x80x128xi32, #tpu.memory_space<hbm>> -> memref<80x128xi32, #tpu.memory_space<hbm>>
      %dma_start3A_213 = arith.constant 0 : i32
      %dma_start3A_214 = arith.constant 0 : i32
      %dma_start3A_215 = tpu.memref_slice %arg3[%add3A, %dma_start3A_213, %dma_start3A_214] : memref<32x80x128xi32, #tpu.memory_space<hbm>> -> memref<1x80x128xi32, #tpu.memory_space<hbm>>
      %dma_start3A_216 = tpu.memref_squeeze %dma_start3A_215 : memref<1x80x128xi32, #tpu.memory_space<hbm>> -> memref<80x128xi32, #tpu.memory_space<hbm>>
      tpu.enqueue_dma source(%dma_start3A_216 : memref<80x128xi32, #tpu.memory_space<hbm>>) target(%arg7 : memref<80x128xi32, #tpu.memory_space<vmem>>) target_semaphore(%run_scoped3A_208 : memref<!tpu.dma_semaphore, #tpu.memory_space<semaphore_mem>>)
      %dma_wait3A_217 = arith.constant 0 : i32
      %dma_wait3A_218 = arith.constant 0 : i32
      %dma_wait3A_219 = tpu.memref_slice %arg3[%add3A, %dma_wait3A_217, %dma_wait3A_218] : memref<32x80x128xi32, #tpu.memory_space<hbm>> -> memref<1x80x128xi32, #tpu.memory_space<hbm>>
      %dma_wait3A_220 = tpu.memref_squeeze %dma_wait3A_219 : memref<1x80x128xi32, #tpu.memory_space<hbm>> -> memref<80x128xi32, #tpu.memory_space<hbm>>
      %dma_wait3A_221 = arith.constant 0 : i32
      %dma_wait3A_222 = arith.constant 0 : i32
      %dma_wait3A_223 = tpu.memref_slice %arg3[%add3A, %dma_wait3A_221, %dma_wait3A_222] : memref<32x80x128xi32, #tpu.memory_space<hbm>> -> memref<1x80x128xi32, #tpu.memory_space<hbm>>
      %dma_wait3A_224 = tpu.memref_squeeze %dma_wait3A_223 : memref<1x80x128xi32, #tpu.memory_space<hbm>> -> memref<80x128xi32, #tpu.memory_space<hbm>>
      tpu.wait_dma2 semaphore(%run_scoped3A_208 : memref<!tpu.dma_semaphore, #tpu.memory_space<semaphore_mem>>) src(%dma_wait3A_224 : memref<80x128xi32, #tpu.memory_space<hbm>>) dst(%arg7 : memref<80x128xi32, #tpu.memory_space<vmem>>)
      tpu.yield
    }) : () -> ()
    %barrier3A = arith.constant 0 : index
    tpu.barrier barrier_id(%barrier3A)
    %dma_start3A = arith.constant 0 : i32
    %dma_start3A_36 = arith.constant 0 : i32
    %dma_start3A_37 = arith.constant 0 : i32
    %dma_start3A_38 = arith.constant 0 : i32
    %dma_start3A_39 = arith.constant 0 : i32
    %dma_start3A_40 = tpu.memref_slice %arg9[%dma_start3A_36, %dma_start3A_38, %dma_start3A_39] : memref<2x128x128xf32, #tpu.memory_space<vmem>> -> memref<1x128x128xf32, #tpu.memory_space<vmem>>
    %dma_start3A_41 = tpu.memref_squeeze %dma_start3A_40 : memref<1x128x128xf32, #tpu.memory_space<vmem>> -> memref<128x128xf32, #tpu.memory_space<vmem>>
    %dma_start3A_42 = arith.constant 0 : i32
    %dma_start3A_43 = tpu.memref_slice %arg7[%dma_start3A, %dma_start3A_42] : memref<80x128xi32, #tpu.memory_space<vmem>> -> memref<1x128xi32, #tpu.memory_space<vmem>>
    %dma_start3A_44 = tpu.memref_squeeze %dma_start3A_43 : memref<1x128xi32, #tpu.memory_space<vmem>> -> memref<128xi32, #tpu.memory_space<vmem>>
    %dma_start3A_45 = arith.constant 0 : i32
    %dma_start3A_46 = arith.constant 0 : i32
    %dma_start3A_47 = tpu.memref_slice %arg2[%dma_start3A_45, %dma_start3A_46] : memref<10000x128xf32, #tpu.memory_space<hbm>> -> memref<10000x128xf32, #tpu.memory_space<hbm>>
    %dma_start3A_48 = tpu.memref_slice %arg11[%dma_start3A_37] : memref<2x!tpu.dma_semaphore, #tpu.memory_space<semaphore_mem>> -> memref<1x!tpu.dma_semaphore, #tpu.memory_space<semaphore_mem>>
    %dma_start3A_49 = tpu.memref_squeeze %dma_start3A_48 : memref<1x!tpu.dma_semaphore, #tpu.memory_space<semaphore_mem>> -> memref<!tpu.dma_semaphore, #tpu.memory_space<semaphore_mem>>
    tpu.enqueue_indirect_dma source(%dma_start3A_47 : memref<10000x128xf32, #tpu.memory_space<hbm>>) target(%dma_start3A_41 : memref<128x128xf32, #tpu.memory_space<vmem>>) offsets(%dma_start3A_44 : memref<128xi32, #tpu.memory_space<vmem>>) semaphore(%dma_start3A_49 : memref<!tpu.dma_semaphore, #tpu.memory_space<semaphore_mem>>)
    %dma_start3A_50 = arith.constant 0 : i32
    %dma_start3A_51 = arith.constant 0 : i32
    %dma_start3A_52 = arith.constant 0 : i32
    %dma_start3A_53 = arith.constant 0 : i32
    %dma_start3A_54 = tpu.memref_slice %arg8[%dma_start3A_51, %dma_start3A_53] : memref<2x128xi32, #tpu.memory_space<vmem>> -> memref<1x128xi32, #tpu.memory_space<vmem>>
    %dma_start3A_55 = tpu.memref_squeeze %dma_start3A_54 : memref<1x128xi32, #tpu.memory_space<vmem>> -> memref<128xi32, #tpu.memory_space<vmem>>
    %dma_start3A_56 = arith.constant 0 : i32
    %dma_start3A_57 = tpu.memref_slice %arg4[%add3A, %dma_start3A_50, %dma_start3A_56] : memref<32x80x128xi32, #tpu.memory_space<hbm>> -> memref<1x1x128xi32, #tpu.memory_space<hbm>>
    %dma_start3A_58 = tpu.memref_squeeze %dma_start3A_57 : memref<1x1x128xi32, #tpu.memory_space<hbm>> -> memref<128xi32, #tpu.memory_space<hbm>>
    %dma_start3A_59 = tpu.memref_slice %arg12[%dma_start3A_52] : memref<2x!tpu.dma_semaphore, #tpu.memory_space<semaphore_mem>> -> memref<1x!tpu.dma_semaphore, #tpu.memory_space<semaphore_mem>>
    %dma_start3A_60 = tpu.memref_squeeze %dma_start3A_59 : memref<1x!tpu.dma_semaphore, #tpu.memory_space<semaphore_mem>> -> memref<!tpu.dma_semaphore, #tpu.memory_space<semaphore_mem>>
    %dma_start3A_61 = arith.constant 0 : i32
    %dma_start3A_62 = tpu.memref_slice %arg8[%dma_start3A_51, %dma_start3A_61] : memref<2x128xi32, #tpu.memory_space<vmem>> -> memref<1x128xi32, #tpu.memory_space<vmem>>
    %dma_start3A_63 = tpu.memref_squeeze %dma_start3A_62 : memref<1x128xi32, #tpu.memory_space<vmem>> -> memref<128xi32, #tpu.memory_space<vmem>>
    %dma_start3A_64 = arith.constant 0 : i32
    %dma_start3A_65 = tpu.memref_slice %arg4[%add3A, %dma_start3A_50, %dma_start3A_64] : memref<32x80x128xi32, #tpu.memory_space<hbm>> -> memref<1x1x128xi32, #tpu.memory_space<hbm>>
    %dma_start3A_66 = tpu.memref_squeeze %dma_start3A_65 : memref<1x1x128xi32, #tpu.memory_space<hbm>> -> memref<128xi32, #tpu.memory_space<hbm>>
    tpu.enqueue_dma source(%dma_start3A_66 : memref<128xi32, #tpu.memory_space<hbm>>) target(%dma_start3A_63 : memref<128xi32, #tpu.memory_space<vmem>>) target_semaphore(%dma_start3A_60 : memref<!tpu.dma_semaphore, #tpu.memory_space<semaphore_mem>>)
    %dma_start3A_67 = arith.constant 1 : i32
    %dma_start3A_68 = arith.constant 1 : i32
    %dma_start3A_69 = arith.constant 1 : i32
    %dma_start3A_70 = arith.constant 0 : i32
    %dma_start3A_71 = arith.constant 0 : i32
    %dma_start3A_72 = tpu.memref_slice %arg9[%dma_start3A_68, %dma_start3A_70, %dma_start3A_71] : memref<2x128x128xf32, #tpu.memory_space<vmem>> -> memref<1x128x128xf32, #tpu.memory_space<vmem>>
    %dma_start3A_73 = tpu.memref_squeeze %dma_start3A_72 : memref<1x128x128xf32, #tpu.memory_space<vmem>> -> memref<128x128xf32, #tpu.memory_space<vmem>>
    %dma_start3A_74 = arith.constant 0 : i32
    %dma_start3A_75 = tpu.memref_slice %arg7[%dma_start3A_67, %dma_start3A_74] : memref<80x128xi32, #tpu.memory_space<vmem>> -> memref<1x128xi32, #tpu.memory_space<vmem>>
    %dma_start3A_76 = tpu.memref_squeeze %dma_start3A_75 : memref<1x128xi32, #tpu.memory_space<vmem>> -> memref<128xi32, #tpu.memory_space<vmem>>
    %dma_start3A_77 = arith.constant 0 : i32
    %dma_start3A_78 = arith.constant 0 : i32
    %dma_start3A_79 = tpu.memref_slice %arg2[%dma_start3A_77, %dma_start3A_78] : memref<10000x128xf32, #tpu.memory_space<hbm>> -> memref<10000x128xf32, #tpu.memory_space<hbm>>
    %dma_start3A_80 = tpu.memref_slice %arg11[%dma_start3A_69] : memref<2x!tpu.dma_semaphore, #tpu.memory_space<semaphore_mem>> -> memref<1x!tpu.dma_semaphore, #tpu.memory_space<semaphore_mem>>
    %dma_start3A_81 = tpu.memref_squeeze %dma_start3A_80 : memref<1x!tpu.dma_semaphore, #tpu.memory_space<semaphore_mem>> -> memref<!tpu.dma_semaphore, #tpu.memory_space<semaphore_mem>>
    tpu.enqueue_indirect_dma source(%dma_start3A_79 : memref<10000x128xf32, #tpu.memory_space<hbm>>) target(%dma_start3A_73 : memref<128x128xf32, #tpu.memory_space<vmem>>) offsets(%dma_start3A_76 : memref<128xi32, #tpu.memory_space<vmem>>) semaphore(%dma_start3A_81 : memref<!tpu.dma_semaphore, #tpu.memory_space<semaphore_mem>>)
    %dma_start3A_82 = arith.constant 1 : i32
    %dma_start3A_83 = arith.constant 1 : i32
    %dma_start3A_84 = arith.constant 1 : i32
    %dma_start3A_85 = arith.constant 0 : i32
    %dma_start3A_86 = tpu.memref_slice %arg8[%dma_start3A_83, %dma_start3A_85] : memref<2x128xi32, #tpu.memory_space<vmem>> -> memref<1x128xi32, #tpu.memory_space<vmem>>
    %dma_start3A_87 = tpu.memref_squeeze %dma_start3A_86 : memref<1x128xi32, #tpu.memory_space<vmem>> -> memref<128xi32, #tpu.memory_space<vmem>>
    %dma_start3A_88 = arith.constant 0 : i32
    %dma_start3A_89 = tpu.memref_slice %arg4[%add3A, %dma_start3A_82, %dma_start3A_88] : memref<32x80x128xi32, #tpu.memory_space<hbm>> -> memref<1x1x128xi32, #tpu.memory_space<hbm>>
    %dma_start3A_90 = tpu.memref_squeeze %dma_start3A_89 : memref<1x1x128xi32, #tpu.memory_space<hbm>> -> memref<128xi32, #tpu.memory_space<hbm>>
    %dma_start3A_91 = tpu.memref_slice %arg12[%dma_start3A_84] : memref<2x!tpu.dma_semaphore, #tpu.memory_space<semaphore_mem>> -> memref<1x!tpu.dma_semaphore, #tpu.memory_space<semaphore_mem>>
    %dma_start3A_92 = tpu.memref_squeeze %dma_start3A_91 : memref<1x!tpu.dma_semaphore, #tpu.memory_space<semaphore_mem>> -> memref<!tpu.dma_semaphore, #tpu.memory_space<semaphore_mem>>
    %dma_start3A_93 = arith.constant 0 : i32
    %dma_start3A_94 = tpu.memref_slice %arg8[%dma_start3A_83, %dma_start3A_93] : memref<2x128xi32, #tpu.memory_space<vmem>> -> memref<1x128xi32, #tpu.memory_space<vmem>>
    %dma_start3A_95 = tpu.memref_squeeze %dma_start3A_94 : memref<1x128xi32, #tpu.memory_space<vmem>> -> memref<128xi32, #tpu.memory_space<vmem>>
    %dma_start3A_96 = arith.constant 0 : i32
    %dma_start3A_97 = tpu.memref_slice %arg4[%add3A, %dma_start3A_82, %dma_start3A_96] : memref<32x80x128xi32, #tpu.memory_space<hbm>> -> memref<1x1x128xi32, #tpu.memory_space<hbm>>
    %dma_start3A_98 = tpu.memref_squeeze %dma_start3A_97 : memref<1x1x128xi32, #tpu.memory_space<hbm>> -> memref<128xi32, #tpu.memory_space<hbm>>
    tpu.enqueue_dma source(%dma_start3A_98 : memref<128xi32, #tpu.memory_space<hbm>>) target(%dma_start3A_95 : memref<128xi32, #tpu.memory_space<vmem>>) target_semaphore(%dma_start3A_92 : memref<!tpu.dma_semaphore, #tpu.memory_space<semaphore_mem>>)
    %scan3A = arith.constant 0 : i32
    %scan3A_99 = arith.constant 0 : i32
    %scan3A_100 = arith.constant 40 : i32
    %scan3A_101 = arith.addi %scan3A_99, %scan3A_100 : i32
    %scan3A_102 = arith.constant 1 : i32
    scf.for %scan3A_208 = %scan3A_99 to %scan3A_101 step %scan3A_102  : i32 {
      %mul3A_209 = arith.constant 2 : i32
      %mul3A_210 = arith.muli %scan3A_208, %mul3A_209 : i32
      %add3A_211 = arith.constant 0 : i32
      %add3A_212 = arith.addi %mul3A_210, %add3A_211 : i32
      %dma_wait3A_213 = arith.constant 0 : i32
      %dma_wait3A_214 = arith.constant 0 : i32
      %dma_wait3A_215 = arith.constant 0 : i32
      %dma_wait3A_216 = tpu.memref_slice %arg8[%dma_wait3A_213, %dma_wait3A_215] : memref<2x128xi32, #tpu.memory_space<vmem>> -> memref<1x128xi32, #tpu.memory_space<vmem>>
      %dma_wait3A_217 = tpu.memref_squeeze %dma_wait3A_216 : memref<1x128xi32, #tpu.memory_space<vmem>> -> memref<128xi32, #tpu.memory_space<vmem>>
      %dma_wait3A_218 = arith.constant 0 : i32
      %dma_wait3A_219 = tpu.memref_slice %arg4[%add3A, %add3A_212, %dma_wait3A_218] : memref<32x80x128xi32, #tpu.memory_space<hbm>> -> memref<1x1x128xi32, #tpu.memory_space<hbm>>
      %dma_wait3A_220 = tpu.memref_squeeze %dma_wait3A_219 : memref<1x1x128xi32, #tpu.memory_space<hbm>> -> memref<128xi32, #tpu.memory_space<hbm>>
      %dma_wait3A_221 = tpu.memref_slice %arg12[%dma_wait3A_214] : memref<2x!tpu.dma_semaphore, #tpu.memory_space<semaphore_mem>> -> memref<1x!tpu.dma_semaphore, #tpu.memory_space<semaphore_mem>>
      %dma_wait3A_222 = tpu.memref_squeeze %dma_wait3A_221 : memref<1x!tpu.dma_semaphore, #tpu.memory_space<semaphore_mem>> -> memref<!tpu.dma_semaphore, #tpu.memory_space<semaphore_mem>>
      %dma_wait3A_223 = arith.constant 0 : i32
      %dma_wait3A_224 = tpu.memref_slice %arg8[%dma_wait3A_213, %dma_wait3A_223] : memref<2x128xi32, #tpu.memory_space<vmem>> -> memref<1x128xi32, #tpu.memory_space<vmem>>
      %dma_wait3A_225 = tpu.memref_squeeze %dma_wait3A_224 : memref<1x128xi32, #tpu.memory_space<vmem>> -> memref<128xi32, #tpu.memory_space<vmem>>
      %dma_wait3A_226 = arith.constant 0 : i32
      %dma_wait3A_227 = tpu.memref_slice %arg4[%add3A, %add3A_212, %dma_wait3A_226] : memref<32x80x128xi32, #tpu.memory_space<hbm>> -> memref<1x1x128xi32, #tpu.memory_space<hbm>>
      %dma_wait3A_228 = tpu.memref_squeeze %dma_wait3A_227 : memref<1x1x128xi32, #tpu.memory_space<hbm>> -> memref<128xi32, #tpu.memory_space<hbm>>
      tpu.wait_dma2 semaphore(%dma_wait3A_222 : memref<!tpu.dma_semaphore, #tpu.memory_space<semaphore_mem>>) src(%dma_wait3A_228 : memref<128xi32, #tpu.memory_space<hbm>>) dst(%dma_wait3A_225 : memref<128xi32, #tpu.memory_space<vmem>>)
      %dma_wait3A_229 = arith.constant 0 : i32
      %dma_wait3A_230 = arith.constant 0 : i32
      %dma_wait3A_231 = arith.constant 0 : i32
      %dma_wait3A_232 = arith.constant 0 : i32
      %dma_wait3A_233 = arith.constant 0 : i32
      %dma_wait3A_234 = tpu.memref_slice %arg9[%dma_wait3A_230, %dma_wait3A_232, %dma_wait3A_233] : memref<2x128x128xf32, #tpu.memory_space<vmem>> -> memref<1x128x128xf32, #tpu.memory_space<vmem>>
      %dma_wait3A_235 = tpu.memref_squeeze %dma_wait3A_234 : memref<1x128x128xf32, #tpu.memory_space<vmem>> -> memref<128x128xf32, #tpu.memory_space<vmem>>
      %dma_wait3A_236 = arith.constant 0 : i32
      %dma_wait3A_237 = tpu.memref_slice %arg7[%dma_wait3A_229, %dma_wait3A_236] : memref<80x128xi32, #tpu.memory_space<vmem>> -> memref<1x128xi32, #tpu.memory_space<vmem>>
      %dma_wait3A_238 = tpu.memref_squeeze %dma_wait3A_237 : memref<1x128xi32, #tpu.memory_space<vmem>> -> memref<128xi32, #tpu.memory_space<vmem>>
      %dma_wait3A_239 = arith.constant 0 : i32
      %dma_wait3A_240 = arith.constant 0 : i32
      %dma_wait3A_241 = tpu.memref_slice %arg2[%dma_wait3A_239, %dma_wait3A_240] : memref<10000x128xf32, #tpu.memory_space<hbm>> -> memref<10000x128xf32, #tpu.memory_space<hbm>>
      %dma_wait3A_242 = tpu.memref_slice %arg11[%dma_wait3A_231] : memref<2x!tpu.dma_semaphore, #tpu.memory_space<semaphore_mem>> -> memref<1x!tpu.dma_semaphore, #tpu.memory_space<semaphore_mem>>
      %dma_wait3A_243 = tpu.memref_squeeze %dma_wait3A_242 : memref<1x!tpu.dma_semaphore, #tpu.memory_space<semaphore_mem>> -> memref<!tpu.dma_semaphore, #tpu.memory_space<semaphore_mem>>
      tpu.wait_indirect_dma semaphore(%dma_wait3A_243 : memref<!tpu.dma_semaphore, #tpu.memory_space<semaphore_mem>>) src(%dma_wait3A_241 : memref<10000x128xf32, #tpu.memory_space<hbm>>) dst(%dma_wait3A_235 : memref<128x128xf32, #tpu.memory_space<vmem>>)
      %run_scoped3A_244 = arith.constant 0 : i32
      %run_scoped3A_245 = arith.constant 0 : i32
      "tpu.region"() ({
        %run_scoped3A_350 = tpu.sem_alloc : memref<!tpu.dma_semaphore, #tpu.memory_space<semaphore_mem>>
        %dma_start3A_351 = arith.constant 0 : i32
        %dma_start3A_352 = arith.constant 0 : i32
        %dma_start3A_353 = tpu.memref_slice %arg9[%run_scoped3A_244, %dma_start3A_351, %dma_start3A_352] : memref<2x128x128xf32, #tpu.memory_space<vmem>> -> memref<1x128x128xf32, #tpu.memory_space<vmem>>
        %dma_start3A_354 = tpu.memref_squeeze %dma_start3A_353 : memref<1x128x128xf32, #tpu.memory_space<vmem>> -> memref<128x128xf32, #tpu.memory_space<vmem>>
        %dma_start3A_355 = arith.constant 0 : i32
        %dma_start3A_356 = tpu.memref_slice %arg8[%run_scoped3A_245, %dma_start3A_355] : memref<2x128xi32, #tpu.memory_space<vmem>> -> memref<1x128xi32, #tpu.memory_space<vmem>>
        %dma_start3A_357 = tpu.memref_squeeze %dma_start3A_356 : memref<1x128xi32, #tpu.memory_space<vmem>> -> memref<128xi32, #tpu.memory_space<vmem>>
        %dma_start3A_358 = arith.constant 0 : i32
        %dma_start3A_359 = arith.constant 0 : i32
        %dma_start3A_360 = tpu.memref_slice %arg10[%dma_start3A_358, %dma_start3A_359] : memref<10240x128xf32, #tpu.memory_space<vmem_shared>> -> memref<10240x128xf32, #tpu.memory_space<vmem_shared>>
        tpu.enqueue_indirect_dma source(%dma_start3A_354 : memref<128x128xf32, #tpu.memory_space<vmem>>) target(%dma_start3A_360 : memref<10240x128xf32, #tpu.memory_space<vmem_shared>>) offsets(%dma_start3A_357 : memref<128xi32, #tpu.memory_space<vmem>>) semaphore(%run_scoped3A_350 : memref<!tpu.dma_semaphore, #tpu.memory_space<semaphore_mem>>) {add = true}
        %dma_wait3A_361 = arith.constant 0 : i32
        %dma_wait3A_362 = arith.constant 0 : i32
        %dma_wait3A_363 = tpu.memref_slice %arg9[%run_scoped3A_244, %dma_wait3A_361, %dma_wait3A_362] : memref<2x128x128xf32, #tpu.memory_space<vmem>> -> memref<1x128x128xf32, #tpu.memory_space<vmem>>
        %dma_wait3A_364 = tpu.memref_squeeze %dma_wait3A_363 : memref<1x128x128xf32, #tpu.memory_space<vmem>> -> memref<128x128xf32, #tpu.memory_space<vmem>>
        %dma_wait3A_365 = arith.constant 0 : i32
        %dma_wait3A_366 = tpu.memref_slice %arg8[%run_scoped3A_245, %dma_wait3A_365] : memref<2x128xi32, #tpu.memory_space<vmem>> -> memref<1x128xi32, #tpu.memory_space<vmem>>
        %dma_wait3A_367 = tpu.memref_squeeze %dma_wait3A_366 : memref<1x128xi32, #tpu.memory_space<vmem>> -> memref<128xi32, #tpu.memory_space<vmem>>
        %dma_wait3A_368 = arith.constant 0 : i32
        %dma_wait3A_369 = arith.constant 0 : i32
        %dma_wait3A_370 = tpu.memref_slice %arg10[%dma_wait3A_368, %dma_wait3A_369] : memref<10240x128xf32, #tpu.memory_space<vmem_shared>> -> memref<10240x128xf32, #tpu.memory_space<vmem_shared>>
        tpu.wait_indirect_dma semaphore(%run_scoped3A_350 : memref<!tpu.dma_semaphore, #tpu.memory_space<semaphore_mem>>) src(%dma_wait3A_364 : memref<128x128xf32, #tpu.memory_space<vmem>>) dst(%dma_wait3A_370 : memref<10240x128xf32, #tpu.memory_space<vmem_shared>>)
        tpu.yield
      }) : () -> ()
      %add3A_246 = arith.constant 2 : i32
      %add3A_247 = arith.addi %add3A_212, %add3A_246 : i32
      %rem3A = arith.constant 80 : i32
      %rem3A_248 = arith.remsi %add3A_247, %rem3A : i32
      %dma_start3A_249 = arith.constant 0 : i32
      %dma_start3A_250 = arith.constant 0 : i32
      %dma_start3A_251 = arith.constant 0 : i32
      %dma_start3A_252 = arith.constant 0 : i32
      %dma_start3A_253 = tpu.memref_slice %arg9[%dma_start3A_249, %dma_start3A_251, %dma_start3A_252] : memref<2x128x128xf32, #tpu.memory_space<vmem>> -> memref<1x128x128xf32, #tpu.memory_space<vmem>>
      %dma_start3A_254 = tpu.memref_squeeze %dma_start3A_253 : memref<1x128x128xf32, #tpu.memory_space<vmem>> -> memref<128x128xf32, #tpu.memory_space<vmem>>
      %dma_start3A_255 = arith.constant 0 : i32
      %dma_start3A_256 = tpu.memref_slice %arg7[%rem3A_248, %dma_start3A_255] : memref<80x128xi32, #tpu.memory_space<vmem>> -> memref<1x128xi32, #tpu.memory_space<vmem>>
      %dma_start3A_257 = tpu.memref_squeeze %dma_start3A_256 : memref<1x128xi32, #tpu.memory_space<vmem>> -> memref<128xi32, #tpu.memory_space<vmem>>
      %dma_start3A_258 = arith.constant 0 : i32
      %dma_start3A_259 = arith.constant 0 : i32
      %dma_start3A_260 = tpu.memref_slice %arg2[%dma_start3A_258, %dma_start3A_259] : memref<10000x128xf32, #tpu.memory_space<hbm>> -> memref<10000x128xf32, #tpu.memory_space<hbm>>
      %dma_start3A_261 = tpu.memref_slice %arg11[%dma_start3A_250] : memref<2x!tpu.dma_semaphore, #tpu.memory_space<semaphore_mem>> -> memref<1x!tpu.dma_semaphore, #tpu.memory_space<semaphore_mem>>
      %dma_start3A_262 = tpu.memref_squeeze %dma_start3A_261 : memref<1x!tpu.dma_semaphore, #tpu.memory_space<semaphore_mem>> -> memref<!tpu.dma_semaphore, #tpu.memory_space<semaphore_mem>>
      tpu.enqueue_indirect_dma source(%dma_start3A_260 : memref<10000x128xf32, #tpu.memory_space<hbm>>) target(%dma_start3A_254 : memref<128x128xf32, #tpu.memory_space<vmem>>) offsets(%dma_start3A_257 : memref<128xi32, #tpu.memory_space<vmem>>) semaphore(%dma_start3A_262 : memref<!tpu.dma_semaphore, #tpu.memory_space<semaphore_mem>>)
      %dma_start3A_263 = arith.constant 0 : i32
      %dma_start3A_264 = arith.constant 0 : i32
      %dma_start3A_265 = arith.constant 0 : i32
      %dma_start3A_266 = tpu.memref_slice %arg8[%dma_start3A_263, %dma_start3A_265] : memref<2x128xi32, #tpu.memory_space<vmem>> -> memref<1x128xi32, #tpu.memory_space<vmem>>
      %dma_start3A_267 = tpu.memref_squeeze %dma_start3A_266 : memref<1x128xi32, #tpu.memory_space<vmem>> -> memref<128xi32, #tpu.memory_space<vmem>>
      %dma_start3A_268 = arith.constant 0 : i32
      %dma_start3A_269 = tpu.memref_slice %arg4[%add3A, %rem3A_248, %dma_start3A_268] : memref<32x80x128xi32, #tpu.memory_space<hbm>> -> memref<1x1x128xi32, #tpu.memory_space<hbm>>
      %dma_start3A_270 = tpu.memref_squeeze %dma_start3A_269 : memref<1x1x128xi32, #tpu.memory_space<hbm>> -> memref<128xi32, #tpu.memory_space<hbm>>
      %dma_start3A_271 = tpu.memref_slice %arg12[%dma_start3A_264] : memref<2x!tpu.dma_semaphore, #tpu.memory_space<semaphore_mem>> -> memref<1x!tpu.dma_semaphore, #tpu.memory_space<semaphore_mem>>
      %dma_start3A_272 = tpu.memref_squeeze %dma_start3A_271 : memref<1x!tpu.dma_semaphore, #tpu.memory_space<semaphore_mem>> -> memref<!tpu.dma_semaphore, #tpu.memory_space<semaphore_mem>>
      %dma_start3A_273 = arith.constant 0 : i32
      %dma_start3A_274 = tpu.memref_slice %arg8[%dma_start3A_263, %dma_start3A_273] : memref<2x128xi32, #tpu.memory_space<vmem>> -> memref<1x128xi32, #tpu.memory_space<vmem>>
      %dma_start3A_275 = tpu.memref_squeeze %dma_start3A_274 : memref<1x128xi32, #tpu.memory_space<vmem>> -> memref<128xi32, #tpu.memory_space<vmem>>
      %dma_start3A_276 = arith.constant 0 : i32
      %dma_start3A_277 = tpu.memref_slice %arg4[%add3A, %rem3A_248, %dma_start3A_276] : memref<32x80x128xi32, #tpu.memory_space<hbm>> -> memref<1x1x128xi32, #tpu.memory_space<hbm>>
      %dma_start3A_278 = tpu.memref_squeeze %dma_start3A_277 : memref<1x1x128xi32, #tpu.memory_space<hbm>> -> memref<128xi32, #tpu.memory_space<hbm>>
      tpu.enqueue_dma source(%dma_start3A_278 : memref<128xi32, #tpu.memory_space<hbm>>) target(%dma_start3A_275 : memref<128xi32, #tpu.memory_space<vmem>>) target_semaphore(%dma_start3A_272 : memref<!tpu.dma_semaphore, #tpu.memory_space<semaphore_mem>>)
      %mul3A_279 = arith.constant 2 : i32
      %mul3A_280 = arith.muli %scan3A_208, %mul3A_279 : i32
      %add3A_281 = arith.constant 1 : i32
      %add3A_282 = arith.addi %mul3A_280, %add3A_281 : i32
      %dma_wait3A_283 = arith.constant 1 : i32
      %dma_wait3A_284 = arith.constant 1 : i32
      %dma_wait3A_285 = arith.constant 0 : i32
      %dma_wait3A_286 = tpu.memref_slice %arg8[%dma_wait3A_283, %dma_wait3A_285] : memref<2x128xi32, #tpu.memory_space<vmem>> -> memref<1x128xi32, #tpu.memory_space<vmem>>
      %dma_wait3A_287 = tpu.memref_squeeze %dma_wait3A_286 : memref<1x128xi32, #tpu.memory_space<vmem>> -> memref<128xi32, #tpu.memory_space<vmem>>
      %dma_wait3A_288 = arith.constant 0 : i32
      %dma_wait3A_289 = tpu.memref_slice %arg4[%add3A, %add3A_282, %dma_wait3A_288] : memref<32x80x128xi32, #tpu.memory_space<hbm>> -> memref<1x1x128xi32, #tpu.memory_space<hbm>>
      %dma_wait3A_290 = tpu.memref_squeeze %dma_wait3A_289 : memref<1x1x128xi32, #tpu.memory_space<hbm>> -> memref<128xi32, #tpu.memory_space<hbm>>
      %dma_wait3A_291 = tpu.memref_slice %arg12[%dma_wait3A_284] : memref<2x!tpu.dma_semaphore, #tpu.memory_space<semaphore_mem>> -> memref<1x!tpu.dma_semaphore, #tpu.memory_space<semaphore_mem>>
      %dma_wait3A_292 = tpu.memref_squeeze %dma_wait3A_291 : memref<1x!tpu.dma_semaphore, #tpu.memory_space<semaphore_mem>> -> memref<!tpu.dma_semaphore, #tpu.memory_space<semaphore_mem>>
      %dma_wait3A_293 = arith.constant 0 : i32
      %dma_wait3A_294 = tpu.memref_slice %arg8[%dma_wait3A_283, %dma_wait3A_293] : memref<2x128xi32, #tpu.memory_space<vmem>> -> memref<1x128xi32, #tpu.memory_space<vmem>>
      %dma_wait3A_295 = tpu.memref_squeeze %dma_wait3A_294 : memref<1x128xi32, #tpu.memory_space<vmem>> -> memref<128xi32, #tpu.memory_space<vmem>>
      %dma_wait3A_296 = arith.constant 0 : i32
      %dma_wait3A_297 = tpu.memref_slice %arg4[%add3A, %add3A_282, %dma_wait3A_296] : memref<32x80x128xi32, #tpu.memory_space<hbm>> -> memref<1x1x128xi32, #tpu.memory_space<hbm>>
      %dma_wait3A_298 = tpu.memref_squeeze %dma_wait3A_297 : memref<1x1x128xi32, #tpu.memory_space<hbm>> -> memref<128xi32, #tpu.memory_space<hbm>>
      tpu.wait_dma2 semaphore(%dma_wait3A_292 : memref<!tpu.dma_semaphore, #tpu.memory_space<semaphore_mem>>) src(%dma_wait3A_298 : memref<128xi32, #tpu.memory_space<hbm>>) dst(%dma_wait3A_295 : memref<128xi32, #tpu.memory_space<vmem>>)
      %dma_wait3A_299 = arith.constant 1 : i32
      %dma_wait3A_300 = arith.constant 1 : i32
      %dma_wait3A_301 = arith.constant 1 : i32
      %dma_wait3A_302 = arith.constant 0 : i32
      %dma_wait3A_303 = arith.constant 0 : i32
      %dma_wait3A_304 = tpu.memref_slice %arg9[%dma_wait3A_300, %dma_wait3A_302, %dma_wait3A_303] : memref<2x128x128xf32, #tpu.memory_space<vmem>> -> memref<1x128x128xf32, #tpu.memory_space<vmem>>
      %dma_wait3A_305 = tpu.memref_squeeze %dma_wait3A_304 : memref<1x128x128xf32, #tpu.memory_space<vmem>> -> memref<128x128xf32, #tpu.memory_space<vmem>>
      %dma_wait3A_306 = arith.constant 0 : i32
      %dma_wait3A_307 = tpu.memref_slice %arg7[%dma_wait3A_299, %dma_wait3A_306] : memref<80x128xi32, #tpu.memory_space<vmem>> -> memref<1x128xi32, #tpu.memory_space<vmem>>
      %dma_wait3A_308 = tpu.memref_squeeze %dma_wait3A_307 : memref<1x128xi32, #tpu.memory_space<vmem>> -> memref<128xi32, #tpu.memory_space<vmem>>
      %dma_wait3A_309 = arith.constant 0 : i32
      %dma_wait3A_310 = arith.constant 0 : i32
      %dma_wait3A_311 = tpu.memref_slice %arg2[%dma_wait3A_309, %dma_wait3A_310] : memref<10000x128xf32, #tpu.memory_space<hbm>> -> memref<10000x128xf32, #tpu.memory_space<hbm>>
      %dma_wait3A_312 = tpu.memref_slice %arg11[%dma_wait3A_301] : memref<2x!tpu.dma_semaphore, #tpu.memory_space<semaphore_mem>> -> memref<1x!tpu.dma_semaphore, #tpu.memory_space<semaphore_mem>>
      %dma_wait3A_313 = tpu.memref_squeeze %dma_wait3A_312 : memref<1x!tpu.dma_semaphore, #tpu.memory_space<semaphore_mem>> -> memref<!tpu.dma_semaphore, #tpu.memory_space<semaphore_mem>>
      tpu.wait_indirect_dma semaphore(%dma_wait3A_313 : memref<!tpu.dma_semaphore, #tpu.memory_space<semaphore_mem>>) src(%dma_wait3A_311 : memref<10000x128xf32, #tpu.memory_space<hbm>>) dst(%dma_wait3A_305 : memref<128x128xf32, #tpu.memory_space<vmem>>)
      %run_scoped3A_314 = arith.constant 1 : i32
      %run_scoped3A_315 = arith.constant 1 : i32
      "tpu.region"() ({
        %run_scoped3A_350 = tpu.sem_alloc : memref<!tpu.dma_semaphore, #tpu.memory_space<semaphore_mem>>
        %dma_start3A_351 = arith.constant 0 : i32
        %dma_start3A_352 = arith.constant 0 : i32
        %dma_start3A_353 = tpu.memref_slice %arg9[%run_scoped3A_314, %dma_start3A_351, %dma_start3A_352] : memref<2x128x128xf32, #tpu.memory_space<vmem>> -> memref<1x128x128xf32, #tpu.memory_space<vmem>>
        %dma_start3A_354 = tpu.memref_squeeze %dma_start3A_353 : memref<1x128x128xf32, #tpu.memory_space<vmem>> -> memref<128x128xf32, #tpu.memory_space<vmem>>
        %dma_start3A_355 = arith.constant 0 : i32
        %dma_start3A_356 = tpu.memref_slice %arg8[%run_scoped3A_315, %dma_start3A_355] : memref<2x128xi32, #tpu.memory_space<vmem>> -> memref<1x128xi32, #tpu.memory_space<vmem>>
        %dma_start3A_357 = tpu.memref_squeeze %dma_start3A_356 : memref<1x128xi32, #tpu.memory_space<vmem>> -> memref<128xi32, #tpu.memory_space<vmem>>
        %dma_start3A_358 = arith.constant 0 : i32
        %dma_start3A_359 = arith.constant 0 : i32
        %dma_start3A_360 = tpu.memref_slice %arg10[%dma_start3A_358, %dma_start3A_359] : memref<10240x128xf32, #tpu.memory_space<vmem_shared>> -> memref<10240x128xf32, #tpu.memory_space<vmem_shared>>
        tpu.enqueue_indirect_dma source(%dma_start3A_354 : memref<128x128xf32, #tpu.memory_space<vmem>>) target(%dma_start3A_360 : memref<10240x128xf32, #tpu.memory_space<vmem_shared>>) offsets(%dma_start3A_357 : memref<128xi32, #tpu.memory_space<vmem>>) semaphore(%run_scoped3A_350 : memref<!tpu.dma_semaphore, #tpu.memory_space<semaphore_mem>>) {add = true}
        %dma_wait3A_361 = arith.constant 0 : i32
        %dma_wait3A_362 = arith.constant 0 : i32
        %dma_wait3A_363 = tpu.memref_slice %arg9[%run_scoped3A_314, %dma_wait3A_361, %dma_wait3A_362] : memref<2x128x128xf32, #tpu.memory_space<vmem>> -> memref<1x128x128xf32, #tpu.memory_space<vmem>>
        %dma_wait3A_364 = tpu.memref_squeeze %dma_wait3A_363 : memref<1x128x128xf32, #tpu.memory_space<vmem>> -> memref<128x128xf32, #tpu.memory_space<vmem>>
        %dma_wait3A_365 = arith.constant 0 : i32
        %dma_wait3A_366 = tpu.memref_slice %arg8[%run_scoped3A_315, %dma_wait3A_365] : memref<2x128xi32, #tpu.memory_space<vmem>> -> memref<1x128xi32, #tpu.memory_space<vmem>>
        %dma_wait3A_367 = tpu.memref_squeeze %dma_wait3A_366 : memref<1x128xi32, #tpu.memory_space<vmem>> -> memref<128xi32, #tpu.memory_space<vmem>>
        %dma_wait3A_368 = arith.constant 0 : i32
        %dma_wait3A_369 = arith.constant 0 : i32
        %dma_wait3A_370 = tpu.memref_slice %arg10[%dma_wait3A_368, %dma_wait3A_369] : memref<10240x128xf32, #tpu.memory_space<vmem_shared>> -> memref<10240x128xf32, #tpu.memory_space<vmem_shared>>
        tpu.wait_indirect_dma semaphore(%run_scoped3A_350 : memref<!tpu.dma_semaphore, #tpu.memory_space<semaphore_mem>>) src(%dma_wait3A_364 : memref<128x128xf32, #tpu.memory_space<vmem>>) dst(%dma_wait3A_370 : memref<10240x128xf32, #tpu.memory_space<vmem_shared>>)
        tpu.yield
      }) : () -> ()
      %add3A_316 = arith.constant 2 : i32
      %add3A_317 = arith.addi %add3A_282, %add3A_316 : i32
      %rem3A_318 = arith.constant 80 : i32
      %rem3A_319 = arith.remsi %add3A_317, %rem3A_318 : i32
      %dma_start3A_320 = arith.constant 1 : i32
      %dma_start3A_321 = arith.constant 1 : i32
      %dma_start3A_322 = arith.constant 0 : i32
      %dma_start3A_323 = arith.constant 0 : i32
      %dma_start3A_324 = tpu.memref_slice %arg9[%dma_start3A_320, %dma_start3A_322, %dma_start3A_323] : memref<2x128x128xf32, #tpu.memory_space<vmem>> -> memref<1x128x128xf32, #tpu.memory_space<vmem>>
      %dma_start3A_325 = tpu.memref_squeeze %dma_start3A_324 : memref<1x128x128xf32, #tpu.memory_space<vmem>> -> memref<128x128xf32, #tpu.memory_space<vmem>>
      %dma_start3A_326 = arith.constant 0 : i32
      %dma_start3A_327 = tpu.memref_slice %arg7[%rem3A_319, %dma_start3A_326] : memref<80x128xi32, #tpu.memory_space<vmem>> -> memref<1x128xi32, #tpu.memory_space<vmem>>
      %dma_start3A_328 = tpu.memref_squeeze %dma_start3A_327 : memref<1x128xi32, #tpu.memory_space<vmem>> -> memref<128xi32, #tpu.memory_space<vmem>>
      %dma_start3A_329 = arith.constant 0 : i32
      %dma_start3A_330 = arith.constant 0 : i32
      %dma_start3A_331 = tpu.memref_slice %arg2[%dma_start3A_329, %dma_start3A_330] : memref<10000x128xf32, #tpu.memory_space<hbm>> -> memref<10000x128xf32, #tpu.memory_space<hbm>>
      %dma_start3A_332 = tpu.memref_slice %arg11[%dma_start3A_321] : memref<2x!tpu.dma_semaphore, #tpu.memory_space<semaphore_mem>> -> memref<1x!tpu.dma_semaphore, #tpu.memory_space<semaphore_mem>>
      %dma_start3A_333 = tpu.memref_squeeze %dma_start3A_332 : memref<1x!tpu.dma_semaphore, #tpu.memory_space<semaphore_mem>> -> memref<!tpu.dma_semaphore, #tpu.memory_space<semaphore_mem>>
      tpu.enqueue_indirect_dma source(%dma_start3A_331 : memref<10000x128xf32, #tpu.memory_space<hbm>>) target(%dma_start3A_325 : memref<128x128xf32, #tpu.memory_space<vmem>>) offsets(%dma_start3A_328 : memref<128xi32, #tpu.memory_space<vmem>>) semaphore(%dma_start3A_333 : memref<!tpu.dma_semaphore, #tpu.memory_space<semaphore_mem>>)
      %dma_start3A_334 = arith.constant 1 : i32
      %dma_start3A_335 = arith.constant 1 : i32
      %dma_start3A_336 = arith.constant 0 : i32
      %dma_start3A_337 = tpu.memref_slice %arg8[%dma_start3A_334, %dma_start3A_336] : memref<2x128xi32, #tpu.memory_space<vmem>> -> memref<1x128xi32, #tpu.memory_space<vmem>>
      %dma_start3A_338 = tpu.memref_squeeze %dma_start3A_337 : memref<1x128xi32, #tpu.memory_space<vmem>> -> memref<128xi32, #tpu.memory_space<vmem>>
      %dma_start3A_339 = arith.constant 0 : i32
      %dma_start3A_340 = tpu.memref_slice %arg4[%add3A, %rem3A_319, %dma_start3A_339] : memref<32x80x128xi32, #tpu.memory_space<hbm>> -> memref<1x1x128xi32, #tpu.memory_space<hbm>>
      %dma_start3A_341 = tpu.memref_squeeze %dma_start3A_340 : memref<1x1x128xi32, #tpu.memory_space<hbm>> -> memref<128xi32, #tpu.memory_space<hbm>>
      %dma_start3A_342 = tpu.memref_slice %arg12[%dma_start3A_335] : memref<2x!tpu.dma_semaphore, #tpu.memory_space<semaphore_mem>> -> memref<1x!tpu.dma_semaphore, #tpu.memory_space<semaphore_mem>>
      %dma_start3A_343 = tpu.memref_squeeze %dma_start3A_342 : memref<1x!tpu.dma_semaphore, #tpu.memory_space<semaphore_mem>> -> memref<!tpu.dma_semaphore, #tpu.memory_space<semaphore_mem>>
      %dma_start3A_344 = arith.constant 0 : i32
      %dma_start3A_345 = tpu.memref_slice %arg8[%dma_start3A_334, %dma_start3A_344] : memref<2x128xi32, #tpu.memory_space<vmem>> -> memref<1x128xi32, #tpu.memory_space<vmem>>
      %dma_start3A_346 = tpu.memref_squeeze %dma_start3A_345 : memref<1x128xi32, #tpu.memory_space<vmem>> -> memref<128xi32, #tpu.memory_space<vmem>>
      %dma_start3A_347 = arith.constant 0 : i32
      %dma_start3A_348 = tpu.memref_slice %arg4[%add3A, %rem3A_319, %dma_start3A_347] : memref<32x80x128xi32, #tpu.memory_space<hbm>> -> memref<1x1x128xi32, #tpu.memory_space<hbm>>
      %dma_start3A_349 = tpu.memref_squeeze %dma_start3A_348 : memref<1x1x128xi32, #tpu.memory_space<hbm>> -> memref<128xi32, #tpu.memory_space<hbm>>
      tpu.enqueue_dma source(%dma_start3A_349 : memref<128xi32, #tpu.memory_space<hbm>>) target(%dma_start3A_346 : memref<128xi32, #tpu.memory_space<vmem>>) target_semaphore(%dma_start3A_343 : memref<!tpu.dma_semaphore, #tpu.memory_space<semaphore_mem>>)
    }
    %scan3A_103 = arith.constant 40 : i32
    %dma_wait3A = arith.constant 0 : i32
    %dma_wait3A_104 = arith.constant 0 : i32
    %dma_wait3A_105 = arith.constant 0 : i32
    %dma_wait3A_106 = arith.constant 0 : i32
    %dma_wait3A_107 = arith.constant 0 : i32
    %dma_wait3A_108 = tpu.memref_slice %arg9[%dma_wait3A_104, %dma_wait3A_106, %dma_wait3A_107] : memref<2x128x128xf32, #tpu.memory_space<vmem>> -> memref<1x128x128xf32, #tpu.memory_space<vmem>>
    %dma_wait3A_109 = tpu.memref_squeeze %dma_wait3A_108 : memref<1x128x128xf32, #tpu.memory_space<vmem>> -> memref<128x128xf32, #tpu.memory_space<vmem>>
    %dma_wait3A_110 = arith.constant 0 : i32
    %dma_wait3A_111 = tpu.memref_slice %arg7[%dma_wait3A, %dma_wait3A_110] : memref<80x128xi32, #tpu.memory_space<vmem>> -> memref<1x128xi32, #tpu.memory_space<vmem>>
    %dma_wait3A_112 = tpu.memref_squeeze %dma_wait3A_111 : memref<1x128xi32, #tpu.memory_space<vmem>> -> memref<128xi32, #tpu.memory_space<vmem>>
    %dma_wait3A_113 = arith.constant 0 : i32
    %dma_wait3A_114 = arith.constant 0 : i32
    %dma_wait3A_115 = tpu.memref_slice %arg2[%dma_wait3A_113, %dma_wait3A_114] : memref<10000x128xf32, #tpu.memory_space<hbm>> -> memref<10000x128xf32, #tpu.memory_space<hbm>>
    %dma_wait3A_116 = tpu.memref_slice %arg11[%dma_wait3A_105] : memref<2x!tpu.dma_semaphore, #tpu.memory_space<semaphore_mem>> -> memref<1x!tpu.dma_semaphore, #tpu.memory_space<semaphore_mem>>
    %dma_wait3A_117 = tpu.memref_squeeze %dma_wait3A_116 : memref<1x!tpu.dma_semaphore, #tpu.memory_space<semaphore_mem>> -> memref<!tpu.dma_semaphore, #tpu.memory_space<semaphore_mem>>
    tpu.wait_indirect_dma semaphore(%dma_wait3A_117 : memref<!tpu.dma_semaphore, #tpu.memory_space<semaphore_mem>>) src(%dma_wait3A_115 : memref<10000x128xf32, #tpu.memory_space<hbm>>) dst(%dma_wait3A_109 : memref<128x128xf32, #tpu.memory_space<vmem>>)
    %dma_wait3A_118 = arith.constant 0 : i32
    %dma_wait3A_119 = arith.constant 0 : i32
    %dma_wait3A_120 = arith.constant 0 : i32
    %dma_wait3A_121 = arith.constant 0 : i32
    %dma_wait3A_122 = tpu.memref_slice %arg8[%dma_wait3A_119, %dma_wait3A_121] : memref<2x128xi32, #tpu.memory_space<vmem>> -> memref<1x128xi32, #tpu.memory_space<vmem>>
    %dma_wait3A_123 = tpu.memref_squeeze %dma_wait3A_122 : memref<1x128xi32, #tpu.memory_space<vmem>> -> memref<128xi32, #tpu.memory_space<vmem>>
    %dma_wait3A_124 = arith.constant 0 : i32
    %dma_wait3A_125 = tpu.memref_slice %arg4[%add3A, %dma_wait3A_118, %dma_wait3A_124] : memref<32x80x128xi32, #tpu.memory_space<hbm>> -> memref<1x1x128xi32, #tpu.memory_space<hbm>>
    %dma_wait3A_126 = tpu.memref_squeeze %dma_wait3A_125 : memref<1x1x128xi32, #tpu.memory_space<hbm>> -> memref<128xi32, #tpu.memory_space<hbm>>
    %dma_wait3A_127 = tpu.memref_slice %arg12[%dma_wait3A_120] : memref<2x!tpu.dma_semaphore, #tpu.memory_space<semaphore_mem>> -> memref<1x!tpu.dma_semaphore, #tpu.memory_space<semaphore_mem>>
    %dma_wait3A_128 = tpu.memref_squeeze %dma_wait3A_127 : memref<1x!tpu.dma_semaphore, #tpu.memory_space<semaphore_mem>> -> memref<!tpu.dma_semaphore, #tpu.memory_space<semaphore_mem>>
    %dma_wait3A_129 = arith.constant 0 : i32
    %dma_wait3A_130 = tpu.memref_slice %arg8[%dma_wait3A_119, %dma_wait3A_129] : memref<2x128xi32, #tpu.memory_space<vmem>> -> memref<1x128xi32, #tpu.memory_space<vmem>>
    %dma_wait3A_131 = tpu.memref_squeeze %dma_wait3A_130 : memref<1x128xi32, #tpu.memory_space<vmem>> -> memref<128xi32, #tpu.memory_space<vmem>>
    %dma_wait3A_132 = arith.constant 0 : i32
    %dma_wait3A_133 = tpu.memref_slice %arg4[%add3A, %dma_wait3A_118, %dma_wait3A_132] : memref<32x80x128xi32, #tpu.memory_space<hbm>> -> memref<1x1x128xi32, #tpu.memory_space<hbm>>
    %dma_wait3A_134 = tpu.memref_squeeze %dma_wait3A_133 : memref<1x1x128xi32, #tpu.memory_space<hbm>> -> memref<128xi32, #tpu.memory_space<hbm>>
    tpu.wait_dma2 semaphore(%dma_wait3A_128 : memref<!tpu.dma_semaphore, #tpu.memory_space<semaphore_mem>>) src(%dma_wait3A_134 : memref<128xi32, #tpu.memory_space<hbm>>) dst(%dma_wait3A_131 : memref<128xi32, #tpu.memory_space<vmem>>)
    %dma_wait3A_135 = arith.constant 1 : i32
    %dma_wait3A_136 = arith.constant 1 : i32
    %dma_wait3A_137 = arith.constant 1 : i32
    %dma_wait3A_138 = arith.constant 0 : i32
    %dma_wait3A_139 = arith.constant 0 : i32
    %dma_wait3A_140 = tpu.memref_slice %arg9[%dma_wait3A_136, %dma_wait3A_138, %dma_wait3A_139] : memref<2x128x128xf32, #tpu.memory_space<vmem>> -> memref<1x128x128xf32, #tpu.memory_space<vmem>>
    %dma_wait3A_141 = tpu.memref_squeeze %dma_wait3A_140 : memref<1x128x128xf32, #tpu.memory_space<vmem>> -> memref<128x128xf32, #tpu.memory_space<vmem>>
    %dma_wait3A_142 = arith.constant 0 : i32
    %dma_wait3A_143 = tpu.memref_slice %arg7[%dma_wait3A_135, %dma_wait3A_142] : memref<80x128xi32, #tpu.memory_space<vmem>> -> memref<1x128xi32, #tpu.memory_space<vmem>>
    %dma_wait3A_144 = tpu.memref_squeeze %dma_wait3A_143 : memref<1x128xi32, #tpu.memory_space<vmem>> -> memref<128xi32, #tpu.memory_space<vmem>>
    %dma_wait3A_145 = arith.constant 0 : i32
    %dma_wait3A_146 = arith.constant 0 : i32
    %dma_wait3A_147 = tpu.memref_slice %arg2[%dma_wait3A_145, %dma_wait3A_146] : memref<10000x128xf32, #tpu.memory_space<hbm>> -> memref<10000x128xf32, #tpu.memory_space<hbm>>
    %dma_wait3A_148 = tpu.memref_slice %arg11[%dma_wait3A_137] : memref<2x!tpu.dma_semaphore, #tpu.memory_space<semaphore_mem>> -> memref<1x!tpu.dma_semaphore, #tpu.memory_space<semaphore_mem>>
    %dma_wait3A_149 = tpu.memref_squeeze %dma_wait3A_148 : memref<1x!tpu.dma_semaphore, #tpu.memory_space<semaphore_mem>> -> memref<!tpu.dma_semaphore, #tpu.memory_space<semaphore_mem>>
    tpu.wait_indirect_dma semaphore(%dma_wait3A_149 : memref<!tpu.dma_semaphore, #tpu.memory_space<semaphore_mem>>) src(%dma_wait3A_147 : memref<10000x128xf32, #tpu.memory_space<hbm>>) dst(%dma_wait3A_141 : memref<128x128xf32, #tpu.memory_space<vmem>>)
    %dma_wait3A_150 = arith.constant 1 : i32
    %dma_wait3A_151 = arith.constant 1 : i32
    %dma_wait3A_152 = arith.constant 1 : i32
    %dma_wait3A_153 = arith.constant 0 : i32
    %dma_wait3A_154 = tpu.memref_slice %arg8[%dma_wait3A_151, %dma_wait3A_153] : memref<2x128xi32, #tpu.memory_space<vmem>> -> memref<1x128xi32, #tpu.memory_space<vmem>>
    %dma_wait3A_155 = tpu.memref_squeeze %dma_wait3A_154 : memref<1x128xi32, #tpu.memory_space<vmem>> -> memref<128xi32, #tpu.memory_space<vmem>>
    %dma_wait3A_156 = arith.constant 0 : i32
    %dma_wait3A_157 = tpu.memref_slice %arg4[%add3A, %dma_wait3A_150, %dma_wait3A_156] : memref<32x80x128xi32, #tpu.memory_space<hbm>> -> memref<1x1x128xi32, #tpu.memory_space<hbm>>
    %dma_wait3A_158 = tpu.memref_squeeze %dma_wait3A_157 : memref<1x1x128xi32, #tpu.memory_space<hbm>> -> memref<128xi32, #tpu.memory_space<hbm>>
    %dma_wait3A_159 = tpu.memref_slice %arg12[%dma_wait3A_152] : memref<2x!tpu.dma_semaphore, #tpu.memory_space<semaphore_mem>> -> memref<1x!tpu.dma_semaphore, #tpu.memory_space<semaphore_mem>>
    %dma_wait3A_160 = tpu.memref_squeeze %dma_wait3A_159 : memref<1x!tpu.dma_semaphore, #tpu.memory_space<semaphore_mem>> -> memref<!tpu.dma_semaphore, #tpu.memory_space<semaphore_mem>>
    %dma_wait3A_161 = arith.constant 0 : i32
    %dma_wait3A_162 = tpu.memref_slice %arg8[%dma_wait3A_151, %dma_wait3A_161] : memref<2x128xi32, #tpu.memory_space<vmem>> -> memref<1x128xi32, #tpu.memory_space<vmem>>
    %dma_wait3A_163 = tpu.memref_squeeze %dma_wait3A_162 : memref<1x128xi32, #tpu.memory_space<vmem>> -> memref<128xi32, #tpu.memory_space<vmem>>
    %dma_wait3A_164 = arith.constant 0 : i32
    %dma_wait3A_165 = tpu.memref_slice %arg4[%add3A, %dma_wait3A_150, %dma_wait3A_164] : memref<32x80x128xi32, #tpu.memory_space<hbm>> -> memref<1x1x128xi32, #tpu.memory_space<hbm>>
    %dma_wait3A_166 = tpu.memref_squeeze %dma_wait3A_165 : memref<1x1x128xi32, #tpu.memory_space<hbm>> -> memref<128xi32, #tpu.memory_space<hbm>>
    tpu.wait_dma2 semaphore(%dma_wait3A_160 : memref<!tpu.dma_semaphore, #tpu.memory_space<semaphore_mem>>) src(%dma_wait3A_166 : memref<128xi32, #tpu.memory_space<hbm>>) dst(%dma_wait3A_163 : memref<128xi32, #tpu.memory_space<vmem>>)
    %barrier3A_167 = arith.constant 0 : index
    tpu.barrier barrier_id(%barrier3A_167)
    %mul3A_168 = arith.constant 5 : i32
    %mul3A_169 = arith.muli %arg1, %mul3A_168 : i32
    %add3A_170 = arith.constant 0 : i32
    %add3A_171 = arith.addi %mul3A_169, %add3A_170 : i32
    %mul3A_172 = arith.constant 128 : i32
    %mul3A_173 = arith.muli %add3A_171, %mul3A_172 : i32
    %run_scoped3A_174 = arith.constant 0 : i32
    "tpu.region"() ({
      %run_scoped3A_208 = tpu.sem_alloc : memref<!tpu.dma_semaphore, #tpu.memory_space<semaphore_mem>>
      %dma_start3A_209 = arith.constant 0 : i32
      %dma_start3A_210 = arith.constant 0 : i32
      %dma_start3A_211 = tpu.memref_slice %arg9[%run_scoped3A_174, %dma_start3A_209, %dma_start3A_210] : memref<2x128x128xf32, #tpu.memory_space<vmem>> -> memref<1x128x128xf32, #tpu.memory_space<vmem>>
      %dma_start3A_212 = tpu.memref_squeeze %dma_start3A_211 : memref<1x128x128xf32, #tpu.memory_space<vmem>> -> memref<128x128xf32, #tpu.memory_space<vmem>>
      %dma_start3A_213 = arith.constant 0 : i32
      %dma_start3A_214 = tpu.memref_slice %arg10[%mul3A_173, %dma_start3A_213] : memref<10240x128xf32, #tpu.memory_space<vmem_shared>> -> memref<128x128xf32, #tpu.memory_space<vmem_shared>>
      %dma_start3A_215 = arith.constant 0 : i32
      %dma_start3A_216 = arith.constant 0 : i32
      %dma_start3A_217 = tpu.memref_slice %arg9[%run_scoped3A_174, %dma_start3A_215, %dma_start3A_216] : memref<2x128x128xf32, #tpu.memory_space<vmem>> -> memref<1x128x128xf32, #tpu.memory_space<vmem>>
      %dma_start3A_218 = tpu.memref_squeeze %dma_start3A_217 : memref<1x128x128xf32, #tpu.memory_space<vmem>> -> memref<128x128xf32, #tpu.memory_space<vmem>>
      %dma_start3A_219 = arith.constant 0 : i32
      %dma_start3A_220 = tpu.memref_slice %arg10[%mul3A_173, %dma_start3A_219] : memref<10240x128xf32, #tpu.memory_space<vmem_shared>> -> memref<128x128xf32, #tpu.memory_space<vmem_shared>>
      tpu.enqueue_dma source(%dma_start3A_220 : memref<128x128xf32, #tpu.memory_space<vmem_shared>>) target(%dma_start3A_218 : memref<128x128xf32, #tpu.memory_space<vmem>>) target_semaphore(%run_scoped3A_208 : memref<!tpu.dma_semaphore, #tpu.memory_space<semaphore_mem>>)
      %dma_wait3A_221 = arith.constant 0 : i32
      %dma_wait3A_222 = arith.constant 0 : i32
      %dma_wait3A_223 = tpu.memref_slice %arg9[%run_scoped3A_174, %dma_wait3A_221, %dma_wait3A_222] : memref<2x128x128xf32, #tpu.memory_space<vmem>> -> memref<1x128x128xf32, #tpu.memory_space<vmem>>
      %dma_wait3A_224 = tpu.memref_squeeze %dma_wait3A_223 : memref<1x128x128xf32, #tpu.memory_space<vmem>> -> memref<128x128xf32, #tpu.memory_space<vmem>>
      %dma_wait3A_225 = arith.constant 0 : i32
      %dma_wait3A_226 = tpu.memref_slice %arg10[%mul3A_173, %dma_wait3A_225] : memref<10240x128xf32, #tpu.memory_space<vmem_shared>> -> memref<128x128xf32, #tpu.memory_space<vmem_shared>>
      %dma_wait3A_227 = arith.constant 0 : i32
      %dma_wait3A_228 = arith.constant 0 : i32
      %dma_wait3A_229 = tpu.memref_slice %arg9[%run_scoped3A_174, %dma_wait3A_227, %dma_wait3A_228] : memref<2x128x128xf32, #tpu.memory_space<vmem>> -> memref<1x128x128xf32, #tpu.memory_space<vmem>>
      %dma_wait3A_230 = tpu.memref_squeeze %dma_wait3A_229 : memref<1x128x128xf32, #tpu.memory_space<vmem>> -> memref<128x128xf32, #tpu.memory_space<vmem>>
      %dma_wait3A_231 = arith.constant 0 : i32
      %dma_wait3A_232 = tpu.memref_slice %arg10[%mul3A_173, %dma_wait3A_231] : memref<10240x128xf32, #tpu.memory_space<vmem_shared>> -> memref<128x128xf32, #tpu.memory_space<vmem_shared>>
      tpu.wait_dma2 semaphore(%run_scoped3A_208 : memref<!tpu.dma_semaphore, #tpu.memory_space<semaphore_mem>>) src(%dma_wait3A_232 : memref<128x128xf32, #tpu.memory_space<vmem_shared>>) dst(%dma_wait3A_230 : memref<128x128xf32, #tpu.memory_space<vmem>>)
      tpu.yield
    }) : () -> ()
    %run_scoped3A_175 = arith.constant 0 : i32
    "tpu.region"() ({
      %run_scoped3A_208 = tpu.sem_alloc : memref<!tpu.dma_semaphore, #tpu.memory_space<semaphore_mem>>
      %dma_start3A_209 = arith.constant 0 : i32
      %dma_start3A_210 = arith.constant 0 : i32
      %dma_start3A_211 = tpu.memref_slice %arg9[%run_scoped3A_175, %dma_start3A_209, %dma_start3A_210] : memref<2x128x128xf32, #tpu.memory_space<vmem>> -> memref<1x128x128xf32, #tpu.memory_space<vmem>>
      %dma_start3A_212 = tpu.memref_squeeze %dma_start3A_211 : memref<1x128x128xf32, #tpu.memory_space<vmem>> -> memref<128x128xf32, #tpu.memory_space<vmem>>
      %dma_start3A_213 = arith.constant 0 : i32
      %dma_start3A_214 = tpu.memref_slice %arg6[%arg0, %mul3A_173, %dma_start3A_213] : memref<2x10240x128xf32, #tpu.memory_space<hbm>> -> memref<1x128x128xf32, #tpu.memory_space<hbm>>
      %dma_start3A_215 = tpu.memref_squeeze %dma_start3A_214 : memref<1x128x128xf32, #tpu.memory_space<hbm>> -> memref<128x128xf32, #tpu.memory_space<hbm>>
      %dma_start3A_216 = arith.constant 0 : i32
      %dma_start3A_217 = tpu.memref_slice %arg6[%arg0, %mul3A_173, %dma_start3A_216] : memref<2x10240x128xf32, #tpu.memory_space<hbm>> -> memref<1x128x128xf32, #tpu.memory_space<hbm>>
      %dma_start3A_218 = tpu.memref_squeeze %dma_start3A_217 : memref<1x128x128xf32, #tpu.memory_space<hbm>> -> memref<128x128xf32, #tpu.memory_space<hbm>>
      %dma_start3A_219 = arith.constant 0 : i32
      %dma_start3A_220 = arith.constant 0 : i32
      %dma_start3A_221 = tpu.memref_slice %arg9[%run_scoped3A_175, %dma_start3A_219, %dma_start3A_220] : memref<2x128x128xf32, #tpu.memory_space<vmem>> -> memref<1x128x128xf32, #tpu.memory_space<vmem>>
      %dma_start3A_222 = tpu.memref_squeeze %dma_start3A_221 : memref<1x128x128xf32, #tpu.memory_space<vmem>> -> memref<128x128xf32, #tpu.memory_space<vmem>>
      tpu.enqueue_dma source(%dma_start3A_222 : memref<128x128xf32, #tpu.memory_space<vmem>>) target(%dma_start3A_218 : memref<128x128xf32, #tpu.memory_space<hbm>>) target_semaphore(%run_scoped3A_208 : memref<!tpu.dma_semaphore, #tpu.memory_space<semaphore_mem>>)
      %dma_wait3A_223 = arith.constant 0 : i32
      %dma_wait3A_224 = arith.constant 0 : i32
      %dma_wait3A_225 = tpu.memref_slice %arg9[%run_scoped3A_175, %dma_wait3A_223, %dma_wait3A_224] : memref<2x128x128xf32, #tpu.memory_space<vmem>> -> memref<1x128x128xf32, #tpu.memory_space<vmem>>
      %dma_wait3A_226 = tpu.memref_squeeze %dma_wait3A_225 : memref<1x128x128xf32, #tpu.memory_space<vmem>> -> memref<128x128xf32, #tpu.memory_space<vmem>>
      %dma_wait3A_227 = arith.constant 0 : i32
      %dma_wait3A_228 = tpu.memref_slice %arg6[%arg0, %mul3A_173, %dma_wait3A_227] : memref<2x10240x128xf32, #tpu.memory_space<hbm>> -> memref<1x128x128xf32, #tpu.memory_space<hbm>>
      %dma_wait3A_229 = tpu.memref_squeeze %dma_wait3A_228 : memref<1x128x128xf32, #tpu.memory_space<hbm>> -> memref<128x128xf32, #tpu.memory_space<hbm>>
      %dma_wait3A_230 = arith.constant 0 : i32
      %dma_wait3A_231 = tpu.memref_slice %arg6[%arg0, %mul3A_173, %dma_wait3A_230] : memref<2x10240x128xf32, #tpu.memory_space<hbm>> -> memref<1x128x128xf32, #tpu.memory_space<hbm>>
      %dma_wait3A_232 = tpu.memref_squeeze %dma_wait3A_231 : memref<1x128x128xf32, #tpu.memory_space<hbm>> -> memref<128x128xf32, #tpu.memory_space<hbm>>
      %dma_wait3A_233 = arith.constant 0 : i32
      %dma_wait3A_234 = arith.constant 0 : i32
      %dma_wait3A_235 = tpu.memref_slice %arg9[%run_scoped3A_175, %dma_wait3A_233, %dma_wait3A_234] : memref<2x128x128xf32, #tpu.memory_space<vmem>> -> memref<1x128x128xf32, #tpu.memory_space<vmem>>
      %dma_wait3A_236 = tpu.memref_squeeze %dma_wait3A_235 : memref<1x128x128xf32, #tpu.memory_space<vmem>> -> memref<128x128xf32, #tpu.memory_space<vmem>>
      tpu.wait_dma2 semaphore(%run_scoped3A_208 : memref<!tpu.dma_semaphore, #tpu.memory_space<semaphore_mem>>) src(%dma_wait3A_236 : memref<128x128xf32, #tpu.memory_space<vmem>>) dst(%dma_wait3A_232 : memref<128x128xf32, #tpu.memory_space<hbm>>)
      tpu.yield
    }) : () -> ()
    %mul3A_176 = arith.constant 5 : i32
    %mul3A_177 = arith.muli %arg1, %mul3A_176 : i32
    %add3A_178 = arith.constant 1 : i32
    %add3A_179 = arith.addi %mul3A_177, %add3A_178 : i32
    %mul3A_180 = arith.constant 128 : i32
    %mul3A_181 = arith.muli %add3A_179, %mul3A_180 : i32
    %run_scoped3A_182 = arith.constant 0 : i32
    "tpu.region"() ({
      %run_scoped3A_208 = tpu.sem_alloc : memref<!tpu.dma_semaphore, #tpu.memory_space<semaphore_mem>>
      %dma_start3A_209 = arith.constant 0 : i32
      %dma_start3A_210 = arith.constant 0 : i32
      %dma_start3A_211 = tpu.memref_slice %arg9[%run_scoped3A_182, %dma_start3A_209, %dma_start3A_210] : memref<2x128x128xf32, #tpu.memory_space<vmem>> -> memref<1x128x128xf32, #tpu.memory_space<vmem>>
      %dma_start3A_212 = tpu.memref_squeeze %dma_start3A_211 : memref<1x128x128xf32, #tpu.memory_space<vmem>> -> memref<128x128xf32, #tpu.memory_space<vmem>>
      %dma_start3A_213 = arith.constant 0 : i32
      %dma_start3A_214 = tpu.memref_slice %arg10[%mul3A_181, %dma_start3A_213] : memref<10240x128xf32, #tpu.memory_space<vmem_shared>> -> memref<128x128xf32, #tpu.memory_space<vmem_shared>>
      %dma_start3A_215 = arith.constant 0 : i32
      %dma_start3A_216 = arith.constant 0 : i32
      %dma_start3A_217 = tpu.memref_slice %arg9[%run_scoped3A_182, %dma_start3A_215, %dma_start3A_216] : memref<2x128x128xf32, #tpu.memory_space<vmem>> -> memref<1x128x128xf32, #tpu.memory_space<vmem>>
      %dma_start3A_218 = tpu.memref_squeeze %dma_start3A_217 : memref<1x128x128xf32, #tpu.memory_space<vmem>> -> memref<128x128xf32, #tpu.memory_space<vmem>>
      %dma_start3A_219 = arith.constant 0 : i32
      %dma_start3A_220 = tpu.memref_slice %arg10[%mul3A_181, %dma_start3A_219] : memref<10240x128xf32, #tpu.memory_space<vmem_shared>> -> memref<128x128xf32, #tpu.memory_space<vmem_shared>>
      tpu.enqueue_dma source(%dma_start3A_220 : memref<128x128xf32, #tpu.memory_space<vmem_shared>>) target(%dma_start3A_218 : memref<128x128xf32, #tpu.memory_space<vmem>>) target_semaphore(%run_scoped3A_208 : memref<!tpu.dma_semaphore, #tpu.memory_space<semaphore_mem>>)
      %dma_wait3A_221 = arith.constant 0 : i32
      %dma_wait3A_222 = arith.constant 0 : i32
      %dma_wait3A_223 = tpu.memref_slice %arg9[%run_scoped3A_182, %dma_wait3A_221, %dma_wait3A_222] : memref<2x128x128xf32, #tpu.memory_space<vmem>> -> memref<1x128x128xf32, #tpu.memory_space<vmem>>
      %dma_wait3A_224 = tpu.memref_squeeze %dma_wait3A_223 : memref<1x128x128xf32, #tpu.memory_space<vmem>> -> memref<128x128xf32, #tpu.memory_space<vmem>>
      %dma_wait3A_225 = arith.constant 0 : i32
      %dma_wait3A_226 = tpu.memref_slice %arg10[%mul3A_181, %dma_wait3A_225] : memref<10240x128xf32, #tpu.memory_space<vmem_shared>> -> memref<128x128xf32, #tpu.memory_space<vmem_shared>>
      %dma_wait3A_227 = arith.constant 0 : i32
      %dma_wait3A_228 = arith.constant 0 : i32
      %dma_wait3A_229 = tpu.memref_slice %arg9[%run_scoped3A_182, %dma_wait3A_227, %dma_wait3A_228] : memref<2x128x128xf32, #tpu.memory_space<vmem>> -> memref<1x128x128xf32, #tpu.memory_space<vmem>>
      %dma_wait3A_230 = tpu.memref_squeeze %dma_wait3A_229 : memref<1x128x128xf32, #tpu.memory_space<vmem>> -> memref<128x128xf32, #tpu.memory_space<vmem>>
      %dma_wait3A_231 = arith.constant 0 : i32
      %dma_wait3A_232 = tpu.memref_slice %arg10[%mul3A_181, %dma_wait3A_231] : memref<10240x128xf32, #tpu.memory_space<vmem_shared>> -> memref<128x128xf32, #tpu.memory_space<vmem_shared>>
      tpu.wait_dma2 semaphore(%run_scoped3A_208 : memref<!tpu.dma_semaphore, #tpu.memory_space<semaphore_mem>>) src(%dma_wait3A_232 : memref<128x128xf32, #tpu.memory_space<vmem_shared>>) dst(%dma_wait3A_230 : memref<128x128xf32, #tpu.memory_space<vmem>>)
      tpu.yield
    }) : () -> ()
    %run_scoped3A_183 = arith.constant 0 : i32
    "tpu.region"() ({
      %run_scoped3A_208 = tpu.sem_alloc : memref<!tpu.dma_semaphore, #tpu.memory_space<semaphore_mem>>
      %dma_start3A_209 = arith.constant 0 : i32
      %dma_start3A_210 = arith.constant 0 : i32
      %dma_start3A_211 = tpu.memref_slice %arg9[%run_scoped3A_183, %dma_start3A_209, %dma_start3A_210] : memref<2x128x128xf32, #tpu.memory_space<vmem>> -> memref<1x128x128xf32, #tpu.memory_space<vmem>>
      %dma_start3A_212 = tpu.memref_squeeze %dma_start3A_211 : memref<1x128x128xf32, #tpu.memory_space<vmem>> -> memref<128x128xf32, #tpu.memory_space<vmem>>
      %dma_start3A_213 = arith.constant 0 : i32
      %dma_start3A_214 = tpu.memref_slice %arg6[%arg0, %mul3A_181, %dma_start3A_213] : memref<2x10240x128xf32, #tpu.memory_space<hbm>> -> memref<1x128x128xf32, #tpu.memory_space<hbm>>
      %dma_start3A_215 = tpu.memref_squeeze %dma_start3A_214 : memref<1x128x128xf32, #tpu.memory_space<hbm>> -> memref<128x128xf32, #tpu.memory_space<hbm>>
      %dma_start3A_216 = arith.constant 0 : i32
      %dma_start3A_217 = tpu.memref_slice %arg6[%arg0, %mul3A_181, %dma_start3A_216] : memref<2x10240x128xf32, #tpu.memory_space<hbm>> -> memref<1x128x128xf32, #tpu.memory_space<hbm>>
      %dma_start3A_218 = tpu.memref_squeeze %dma_start3A_217 : memref<1x128x128xf32, #tpu.memory_space<hbm>> -> memref<128x128xf32, #tpu.memory_space<hbm>>
      %dma_start3A_219 = arith.constant 0 : i32
      %dma_start3A_220 = arith.constant 0 : i32
      %dma_start3A_221 = tpu.memref_slice %arg9[%run_scoped3A_183, %dma_start3A_219, %dma_start3A_220] : memref<2x128x128xf32, #tpu.memory_space<vmem>> -> memref<1x128x128xf32, #tpu.memory_space<vmem>>
      %dma_start3A_222 = tpu.memref_squeeze %dma_start3A_221 : memref<1x128x128xf32, #tpu.memory_space<vmem>> -> memref<128x128xf32, #tpu.memory_space<vmem>>
      tpu.enqueue_dma source(%dma_start3A_222 : memref<128x128xf32, #tpu.memory_space<vmem>>) target(%dma_start3A_218 : memref<128x128xf32, #tpu.memory_space<hbm>>) target_semaphore(%run_scoped3A_208 : memref<!tpu.dma_semaphore, #tpu.memory_space<semaphore_mem>>)
      %dma_wait3A_223 = arith.constant 0 : i32
      %dma_wait3A_224 = arith.constant 0 : i32
      %dma_wait3A_225 = tpu.memref_slice %arg9[%run_scoped3A_183, %dma_wait3A_223, %dma_wait3A_224] : memref<2x128x128xf32, #tpu.memory_space<vmem>> -> memref<1x128x128xf32, #tpu.memory_space<vmem>>
      %dma_wait3A_226 = tpu.memref_squeeze %dma_wait3A_225 : memref<1x128x128xf32, #tpu.memory_space<vmem>> -> memref<128x128xf32, #tpu.memory_space<vmem>>
      %dma_wait3A_227 = arith.constant 0 : i32
      %dma_wait3A_228 = tpu.memref_slice %arg6[%arg0, %mul3A_181, %dma_wait3A_227] : memref<2x10240x128xf32, #tpu.memory_space<hbm>> -> memref<1x128x128xf32, #tpu.memory_space<hbm>>
      %dma_wait3A_229 = tpu.memref_squeeze %dma_wait3A_228 : memref<1x128x128xf32, #tpu.memory_space<hbm>> -> memref<128x128xf32, #tpu.memory_space<hbm>>
      %dma_wait3A_230 = arith.constant 0 : i32
      %dma_wait3A_231 = tpu.memref_slice %arg6[%arg0, %mul3A_181, %dma_wait3A_230] : memref<2x10240x128xf32, #tpu.memory_space<hbm>> -> memref<1x128x128xf32, #tpu.memory_space<hbm>>
      %dma_wait3A_232 = tpu.memref_squeeze %dma_wait3A_231 : memref<1x128x128xf32, #tpu.memory_space<hbm>> -> memref<128x128xf32, #tpu.memory_space<hbm>>
      %dma_wait3A_233 = arith.constant 0 : i32
      %dma_wait3A_234 = arith.constant 0 : i32
      %dma_wait3A_235 = tpu.memref_slice %arg9[%run_scoped3A_183, %dma_wait3A_233, %dma_wait3A_234] : memref<2x128x128xf32, #tpu.memory_space<vmem>> -> memref<1x128x128xf32, #tpu.memory_space<vmem>>
      %dma_wait3A_236 = tpu.memref_squeeze %dma_wait3A_235 : memref<1x128x128xf32, #tpu.memory_space<vmem>> -> memref<128x128xf32, #tpu.memory_space<vmem>>
      tpu.wait_dma2 semaphore(%run_scoped3A_208 : memref<!tpu.dma_semaphore, #tpu.memory_space<semaphore_mem>>) src(%dma_wait3A_236 : memref<128x128xf32, #tpu.memory_space<vmem>>) dst(%dma_wait3A_232 : memref<128x128xf32, #tpu.memory_space<hbm>>)
      tpu.yield
    }) : () -> ()
    %mul3A_184 = arith.constant 5 : i32
    %mul3A_185 = arith.muli %arg1, %mul3A_184 : i32
    %add3A_186 = arith.constant 2 : i32
    %add3A_187 = arith.addi %mul3A_185, %add3A_186 : i32
    %mul3A_188 = arith.constant 128 : i32
    %mul3A_189 = arith.muli %add3A_187, %mul3A_188 : i32
    %run_scoped3A_190 = arith.constant 0 : i32
    "tpu.region"() ({
      %run_scoped3A_208 = tpu.sem_alloc : memref<!tpu.dma_semaphore, #tpu.memory_space<semaphore_mem>>
      %dma_start3A_209 = arith.constant 0 : i32
      %dma_start3A_210 = arith.constant 0 : i32
      %dma_start3A_211 = tpu.memref_slice %arg9[%run_scoped3A_190, %dma_start3A_209, %dma_start3A_210] : memref<2x128x128xf32, #tpu.memory_space<vmem>> -> memref<1x128x128xf32, #tpu.memory_space<vmem>>
      %dma_start3A_212 = tpu.memref_squeeze %dma_start3A_211 : memref<1x128x128xf32, #tpu.memory_space<vmem>> -> memref<128x128xf32, #tpu.memory_space<vmem>>
      %dma_start3A_213 = arith.constant 0 : i32
      %dma_start3A_214 = tpu.memref_slice %arg10[%mul3A_189, %dma_start3A_213] : memref<10240x128xf32, #tpu.memory_space<vmem_shared>> -> memref<128x128xf32, #tpu.memory_space<vmem_shared>>
      %dma_start3A_215 = arith.constant 0 : i32
      %dma_start3A_216 = arith.constant 0 : i32
      %dma_start3A_217 = tpu.memref_slice %arg9[%run_scoped3A_190, %dma_start3A_215, %dma_start3A_216] : memref<2x128x128xf32, #tpu.memory_space<vmem>> -> memref<1x128x128xf32, #tpu.memory_space<vmem>>
      %dma_start3A_218 = tpu.memref_squeeze %dma_start3A_217 : memref<1x128x128xf32, #tpu.memory_space<vmem>> -> memref<128x128xf32, #tpu.memory_space<vmem>>
      %dma_start3A_219 = arith.constant 0 : i32
      %dma_start3A_220 = tpu.memref_slice %arg10[%mul3A_189, %dma_start3A_219] : memref<10240x128xf32, #tpu.memory_space<vmem_shared>> -> memref<128x128xf32, #tpu.memory_space<vmem_shared>>
      tpu.enqueue_dma source(%dma_start3A_220 : memref<128x128xf32, #tpu.memory_space<vmem_shared>>) target(%dma_start3A_218 : memref<128x128xf32, #tpu.memory_space<vmem>>) target_semaphore(%run_scoped3A_208 : memref<!tpu.dma_semaphore, #tpu.memory_space<semaphore_mem>>)
      %dma_wait3A_221 = arith.constant 0 : i32
      %dma_wait3A_222 = arith.constant 0 : i32
      %dma_wait3A_223 = tpu.memref_slice %arg9[%run_scoped3A_190, %dma_wait3A_221, %dma_wait3A_222] : memref<2x128x128xf32, #tpu.memory_space<vmem>> -> memref<1x128x128xf32, #tpu.memory_space<vmem>>
      %dma_wait3A_224 = tpu.memref_squeeze %dma_wait3A_223 : memref<1x128x128xf32, #tpu.memory_space<vmem>> -> memref<128x128xf32, #tpu.memory_space<vmem>>
      %dma_wait3A_225 = arith.constant 0 : i32
      %dma_wait3A_226 = tpu.memref_slice %arg10[%mul3A_189, %dma_wait3A_225] : memref<10240x128xf32, #tpu.memory_space<vmem_shared>> -> memref<128x128xf32, #tpu.memory_space<vmem_shared>>
      %dma_wait3A_227 = arith.constant 0 : i32
      %dma_wait3A_228 = arith.constant 0 : i32
      %dma_wait3A_229 = tpu.memref_slice %arg9[%run_scoped3A_190, %dma_wait3A_227, %dma_wait3A_228] : memref<2x128x128xf32, #tpu.memory_space<vmem>> -> memref<1x128x128xf32, #tpu.memory_space<vmem>>
      %dma_wait3A_230 = tpu.memref_squeeze %dma_wait3A_229 : memref<1x128x128xf32, #tpu.memory_space<vmem>> -> memref<128x128xf32, #tpu.memory_space<vmem>>
      %dma_wait3A_231 = arith.constant 0 : i32
      %dma_wait3A_232 = tpu.memref_slice %arg10[%mul3A_189, %dma_wait3A_231] : memref<10240x128xf32, #tpu.memory_space<vmem_shared>> -> memref<128x128xf32, #tpu.memory_space<vmem_shared>>
      tpu.wait_dma2 semaphore(%run_scoped3A_208 : memref<!tpu.dma_semaphore, #tpu.memory_space<semaphore_mem>>) src(%dma_wait3A_232 : memref<128x128xf32, #tpu.memory_space<vmem_shared>>) dst(%dma_wait3A_230 : memref<128x128xf32, #tpu.memory_space<vmem>>)
      tpu.yield
    }) : () -> ()
    %run_scoped3A_191 = arith.constant 0 : i32
    "tpu.region"() ({
      %run_scoped3A_208 = tpu.sem_alloc : memref<!tpu.dma_semaphore, #tpu.memory_space<semaphore_mem>>
      %dma_start3A_209 = arith.constant 0 : i32
      %dma_start3A_210 = arith.constant 0 : i32
      %dma_start3A_211 = tpu.memref_slice %arg9[%run_scoped3A_191, %dma_start3A_209, %dma_start3A_210] : memref<2x128x128xf32, #tpu.memory_space<vmem>> -> memref<1x128x128xf32, #tpu.memory_space<vmem>>
      %dma_start3A_212 = tpu.memref_squeeze %dma_start3A_211 : memref<1x128x128xf32, #tpu.memory_space<vmem>> -> memref<128x128xf32, #tpu.memory_space<vmem>>
      %dma_start3A_213 = arith.constant 0 : i32
      %dma_start3A_214 = tpu.memref_slice %arg6[%arg0, %mul3A_189, %dma_start3A_213] : memref<2x10240x128xf32, #tpu.memory_space<hbm>> -> memref<1x128x128xf32, #tpu.memory_space<hbm>>
      %dma_start3A_215 = tpu.memref_squeeze %dma_start3A_214 : memref<1x128x128xf32, #tpu.memory_space<hbm>> -> memref<128x128xf32, #tpu.memory_space<hbm>>
      %dma_start3A_216 = arith.constant 0 : i32
      %dma_start3A_217 = tpu.memref_slice %arg6[%arg0, %mul3A_189, %dma_start3A_216] : memref<2x10240x128xf32, #tpu.memory_space<hbm>> -> memref<1x128x128xf32, #tpu.memory_space<hbm>>
      %dma_start3A_218 = tpu.memref_squeeze %dma_start3A_217 : memref<1x128x128xf32, #tpu.memory_space<hbm>> -> memref<128x128xf32, #tpu.memory_space<hbm>>
      %dma_start3A_219 = arith.constant 0 : i32
      %dma_start3A_220 = arith.constant 0 : i32
      %dma_start3A_221 = tpu.memref_slice %arg9[%run_scoped3A_191, %dma_start3A_219, %dma_start3A_220] : memref<2x128x128xf32, #tpu.memory_space<vmem>> -> memref<1x128x128xf32, #tpu.memory_space<vmem>>
      %dma_start3A_222 = tpu.memref_squeeze %dma_start3A_221 : memref<1x128x128xf32, #tpu.memory_space<vmem>> -> memref<128x128xf32, #tpu.memory_space<vmem>>
      tpu.enqueue_dma source(%dma_start3A_222 : memref<128x128xf32, #tpu.memory_space<vmem>>) target(%dma_start3A_218 : memref<128x128xf32, #tpu.memory_space<hbm>>) target_semaphore(%run_scoped3A_208 : memref<!tpu.dma_semaphore, #tpu.memory_space<semaphore_mem>>)
      %dma_wait3A_223 = arith.constant 0 : i32
      %dma_wait3A_224 = arith.constant 0 : i32
      %dma_wait3A_225 = tpu.memref_slice %arg9[%run_scoped3A_191, %dma_wait3A_223, %dma_wait3A_224] : memref<2x128x128xf32, #tpu.memory_space<vmem>> -> memref<1x128x128xf32, #tpu.memory_space<vmem>>
      %dma_wait3A_226 = tpu.memref_squeeze %dma_wait3A_225 : memref<1x128x128xf32, #tpu.memory_space<vmem>> -> memref<128x128xf32, #tpu.memory_space<vmem>>
      %dma_wait3A_227 = arith.constant 0 : i32
      %dma_wait3A_228 = tpu.memref_slice %arg6[%arg0, %mul3A_189, %dma_wait3A_227] : memref<2x10240x128xf32, #tpu.memory_space<hbm>> -> memref<1x128x128xf32, #tpu.memory_space<hbm>>
      %dma_wait3A_229 = tpu.memref_squeeze %dma_wait3A_228 : memref<1x128x128xf32, #tpu.memory_space<hbm>> -> memref<128x128xf32, #tpu.memory_space<hbm>>
      %dma_wait3A_230 = arith.constant 0 : i32
      %dma_wait3A_231 = tpu.memref_slice %arg6[%arg0, %mul3A_189, %dma_wait3A_230] : memref<2x10240x128xf32, #tpu.memory_space<hbm>> -> memref<1x128x128xf32, #tpu.memory_space<hbm>>
      %dma_wait3A_232 = tpu.memref_squeeze %dma_wait3A_231 : memref<1x128x128xf32, #tpu.memory_space<hbm>> -> memref<128x128xf32, #tpu.memory_space<hbm>>
      %dma_wait3A_233 = arith.constant 0 : i32
      %dma_wait3A_234 = arith.constant 0 : i32
      %dma_wait3A_235 = tpu.memref_slice %arg9[%run_scoped3A_191, %dma_wait3A_233, %dma_wait3A_234] : memref<2x128x128xf32, #tpu.memory_space<vmem>> -> memref<1x128x128xf32, #tpu.memory_space<vmem>>
      %dma_wait3A_236 = tpu.memref_squeeze %dma_wait3A_235 : memref<1x128x128xf32, #tpu.memory_space<vmem>> -> memref<128x128xf32, #tpu.memory_space<vmem>>
      tpu.wait_dma2 semaphore(%run_scoped3A_208 : memref<!tpu.dma_semaphore, #tpu.memory_space<semaphore_mem>>) src(%dma_wait3A_236 : memref<128x128xf32, #tpu.memory_space<vmem>>) dst(%dma_wait3A_232 : memref<128x128xf32, #tpu.memory_space<hbm>>)
      tpu.yield
    }) : () -> ()
    %mul3A_192 = arith.constant 5 : i32
    %mul3A_193 = arith.muli %arg1, %mul3A_192 : i32
    %add3A_194 = arith.constant 3 : i32
    %add3A_195 = arith.addi %mul3A_193, %add3A_194 : i32
    %mul3A_196 = arith.constant 128 : i32
    %mul3A_197 = arith.muli %add3A_195, %mul3A_196 : i32
    %run_scoped3A_198 = arith.constant 0 : i32
    "tpu.region"() ({
      %run_scoped3A_208 = tpu.sem_alloc : memref<!tpu.dma_semaphore, #tpu.memory_space<semaphore_mem>>
      %dma_start3A_209 = arith.constant 0 : i32
      %dma_start3A_210 = arith.constant 0 : i32
      %dma_start3A_211 = tpu.memref_slice %arg9[%run_scoped3A_198, %dma_start3A_209, %dma_start3A_210] : memref<2x128x128xf32, #tpu.memory_space<vmem>> -> memref<1x128x128xf32, #tpu.memory_space<vmem>>
      %dma_start3A_212 = tpu.memref_squeeze %dma_start3A_211 : memref<1x128x128xf32, #tpu.memory_space<vmem>> -> memref<128x128xf32, #tpu.memory_space<vmem>>
      %dma_start3A_213 = arith.constant 0 : i32
      %dma_start3A_214 = tpu.memref_slice %arg10[%mul3A_197, %dma_start3A_213] : memref<10240x128xf32, #tpu.memory_space<vmem_shared>> -> memref<128x128xf32, #tpu.memory_space<vmem_shared>>
      %dma_start3A_215 = arith.constant 0 : i32
      %dma_start3A_216 = arith.constant 0 : i32
      %dma_start3A_217 = tpu.memref_slice %arg9[%run_scoped3A_198, %dma_start3A_215, %dma_start3A_216] : memref<2x128x128xf32, #tpu.memory_space<vmem>> -> memref<1x128x128xf32, #tpu.memory_space<vmem>>
      %dma_start3A_218 = tpu.memref_squeeze %dma_start3A_217 : memref<1x128x128xf32, #tpu.memory_space<vmem>> -> memref<128x128xf32, #tpu.memory_space<vmem>>
      %dma_start3A_219 = arith.constant 0 : i32
      %dma_start3A_220 = tpu.memref_slice %arg10[%mul3A_197, %dma_start3A_219] : memref<10240x128xf32, #tpu.memory_space<vmem_shared>> -> memref<128x128xf32, #tpu.memory_space<vmem_shared>>
      tpu.enqueue_dma source(%dma_start3A_220 : memref<128x128xf32, #tpu.memory_space<vmem_shared>>) target(%dma_start3A_218 : memref<128x128xf32, #tpu.memory_space<vmem>>) target_semaphore(%run_scoped3A_208 : memref<!tpu.dma_semaphore, #tpu.memory_space<semaphore_mem>>)
      %dma_wait3A_221 = arith.constant 0 : i32
      %dma_wait3A_222 = arith.constant 0 : i32
      %dma_wait3A_223 = tpu.memref_slice %arg9[%run_scoped3A_198, %dma_wait3A_221, %dma_wait3A_222] : memref<2x128x128xf32, #tpu.memory_space<vmem>> -> memref<1x128x128xf32, #tpu.memory_space<vmem>>
      %dma_wait3A_224 = tpu.memref_squeeze %dma_wait3A_223 : memref<1x128x128xf32, #tpu.memory_space<vmem>> -> memref<128x128xf32, #tpu.memory_space<vmem>>
      %dma_wait3A_225 = arith.constant 0 : i32
      %dma_wait3A_226 = tpu.memref_slice %arg10[%mul3A_197, %dma_wait3A_225] : memref<10240x128xf32, #tpu.memory_space<vmem_shared>> -> memref<128x128xf32, #tpu.memory_space<vmem_shared>>
      %dma_wait3A_227 = arith.constant 0 : i32
      %dma_wait3A_228 = arith.constant 0 : i32
      %dma_wait3A_229 = tpu.memref_slice %arg9[%run_scoped3A_198, %dma_wait3A_227, %dma_wait3A_228] : memref<2x128x128xf32, #tpu.memory_space<vmem>> -> memref<1x128x128xf32, #tpu.memory_space<vmem>>
      %dma_wait3A_230 = tpu.memref_squeeze %dma_wait3A_229 : memref<1x128x128xf32, #tpu.memory_space<vmem>> -> memref<128x128xf32, #tpu.memory_space<vmem>>
      %dma_wait3A_231 = arith.constant 0 : i32
      %dma_wait3A_232 = tpu.memref_slice %arg10[%mul3A_197, %dma_wait3A_231] : memref<10240x128xf32, #tpu.memory_space<vmem_shared>> -> memref<128x128xf32, #tpu.memory_space<vmem_shared>>
      tpu.wait_dma2 semaphore(%run_scoped3A_208 : memref<!tpu.dma_semaphore, #tpu.memory_space<semaphore_mem>>) src(%dma_wait3A_232 : memref<128x128xf32, #tpu.memory_space<vmem_shared>>) dst(%dma_wait3A_230 : memref<128x128xf32, #tpu.memory_space<vmem>>)
      tpu.yield
    }) : () -> ()
    %run_scoped3A_199 = arith.constant 0 : i32
    "tpu.region"() ({
      %run_scoped3A_208 = tpu.sem_alloc : memref<!tpu.dma_semaphore, #tpu.memory_space<semaphore_mem>>
      %dma_start3A_209 = arith.constant 0 : i32
      %dma_start3A_210 = arith.constant 0 : i32
      %dma_start3A_211 = tpu.memref_slice %arg9[%run_scoped3A_199, %dma_start3A_209, %dma_start3A_210] : memref<2x128x128xf32, #tpu.memory_space<vmem>> -> memref<1x128x128xf32, #tpu.memory_space<vmem>>
      %dma_start3A_212 = tpu.memref_squeeze %dma_start3A_211 : memref<1x128x128xf32, #tpu.memory_space<vmem>> -> memref<128x128xf32, #tpu.memory_space<vmem>>
      %dma_start3A_213 = arith.constant 0 : i32
      %dma_start3A_214 = tpu.memref_slice %arg6[%arg0, %mul3A_197, %dma_start3A_213] : memref<2x10240x128xf32, #tpu.memory_space<hbm>> -> memref<1x128x128xf32, #tpu.memory_space<hbm>>
      %dma_start3A_215 = tpu.memref_squeeze %dma_start3A_214 : memref<1x128x128xf32, #tpu.memory_space<hbm>> -> memref<128x128xf32, #tpu.memory_space<hbm>>
      %dma_start3A_216 = arith.constant 0 : i32
      %dma_start3A_217 = tpu.memref_slice %arg6[%arg0, %mul3A_197, %dma_start3A_216] : memref<2x10240x128xf32, #tpu.memory_space<hbm>> -> memref<1x128x128xf32, #tpu.memory_space<hbm>>
      %dma_start3A_218 = tpu.memref_squeeze %dma_start3A_217 : memref<1x128x128xf32, #tpu.memory_space<hbm>> -> memref<128x128xf32, #tpu.memory_space<hbm>>
      %dma_start3A_219 = arith.constant 0 : i32
      %dma_start3A_220 = arith.constant 0 : i32
      %dma_start3A_221 = tpu.memref_slice %arg9[%run_scoped3A_199, %dma_start3A_219, %dma_start3A_220] : memref<2x128x128xf32, #tpu.memory_space<vmem>> -> memref<1x128x128xf32, #tpu.memory_space<vmem>>
      %dma_start3A_222 = tpu.memref_squeeze %dma_start3A_221 : memref<1x128x128xf32, #tpu.memory_space<vmem>> -> memref<128x128xf32, #tpu.memory_space<vmem>>
      tpu.enqueue_dma source(%dma_start3A_222 : memref<128x128xf32, #tpu.memory_space<vmem>>) target(%dma_start3A_218 : memref<128x128xf32, #tpu.memory_space<hbm>>) target_semaphore(%run_scoped3A_208 : memref<!tpu.dma_semaphore, #tpu.memory_space<semaphore_mem>>)
      %dma_wait3A_223 = arith.constant 0 : i32
      %dma_wait3A_224 = arith.constant 0 : i32
      %dma_wait3A_225 = tpu.memref_slice %arg9[%run_scoped3A_199, %dma_wait3A_223, %dma_wait3A_224] : memref<2x128x128xf32, #tpu.memory_space<vmem>> -> memref<1x128x128xf32, #tpu.memory_space<vmem>>
      %dma_wait3A_226 = tpu.memref_squeeze %dma_wait3A_225 : memref<1x128x128xf32, #tpu.memory_space<vmem>> -> memref<128x128xf32, #tpu.memory_space<vmem>>
      %dma_wait3A_227 = arith.constant 0 : i32
      %dma_wait3A_228 = tpu.memref_slice %arg6[%arg0, %mul3A_197, %dma_wait3A_227] : memref<2x10240x128xf32, #tpu.memory_space<hbm>> -> memref<1x128x128xf32, #tpu.memory_space<hbm>>
      %dma_wait3A_229 = tpu.memref_squeeze %dma_wait3A_228 : memref<1x128x128xf32, #tpu.memory_space<hbm>> -> memref<128x128xf32, #tpu.memory_space<hbm>>
      %dma_wait3A_230 = arith.constant 0 : i32
      %dma_wait3A_231 = tpu.memref_slice %arg6[%arg0, %mul3A_197, %dma_wait3A_230] : memref<2x10240x128xf32, #tpu.memory_space<hbm>> -> memref<1x128x128xf32, #tpu.memory_space<hbm>>
      %dma_wait3A_232 = tpu.memref_squeeze %dma_wait3A_231 : memref<1x128x128xf32, #tpu.memory_space<hbm>> -> memref<128x128xf32, #tpu.memory_space<hbm>>
      %dma_wait3A_233 = arith.constant 0 : i32
      %dma_wait3A_234 = arith.constant 0 : i32
      %dma_wait3A_235 = tpu.memref_slice %arg9[%run_scoped3A_199, %dma_wait3A_233, %dma_wait3A_234] : memref<2x128x128xf32, #tpu.memory_space<vmem>> -> memref<1x128x128xf32, #tpu.memory_space<vmem>>
      %dma_wait3A_236 = tpu.memref_squeeze %dma_wait3A_235 : memref<1x128x128xf32, #tpu.memory_space<vmem>> -> memref<128x128xf32, #tpu.memory_space<vmem>>
      tpu.wait_dma2 semaphore(%run_scoped3A_208 : memref<!tpu.dma_semaphore, #tpu.memory_space<semaphore_mem>>) src(%dma_wait3A_236 : memref<128x128xf32, #tpu.memory_space<vmem>>) dst(%dma_wait3A_232 : memref<128x128xf32, #tpu.memory_space<hbm>>)
      tpu.yield
    }) : () -> ()
    %mul3A_200 = arith.constant 5 : i32
    %mul3A_201 = arith.muli %arg1, %mul3A_200 : i32
    %add3A_202 = arith.constant 4 : i32
    %add3A_203 = arith.addi %mul3A_201, %add3A_202 : i32
    %mul3A_204 = arith.constant 128 : i32
    %mul3A_205 = arith.muli %add3A_203, %mul3A_204 : i32
    %run_scoped3A_206 = arith.constant 0 : i32
    "tpu.region"() ({
      %run_scoped3A_208 = tpu.sem_alloc : memref<!tpu.dma_semaphore, #tpu.memory_space<semaphore_mem>>
      %dma_start3A_209 = arith.constant 0 : i32
      %dma_start3A_210 = arith.constant 0 : i32
      %dma_start3A_211 = tpu.memref_slice %arg9[%run_scoped3A_206, %dma_start3A_209, %dma_start3A_210] : memref<2x128x128xf32, #tpu.memory_space<vmem>> -> memref<1x128x128xf32, #tpu.memory_space<vmem>>
      %dma_start3A_212 = tpu.memref_squeeze %dma_start3A_211 : memref<1x128x128xf32, #tpu.memory_space<vmem>> -> memref<128x128xf32, #tpu.memory_space<vmem>>
      %dma_start3A_213 = arith.constant 0 : i32
      %dma_start3A_214 = tpu.memref_slice %arg10[%mul3A_205, %dma_start3A_213] : memref<10240x128xf32, #tpu.memory_space<vmem_shared>> -> memref<128x128xf32, #tpu.memory_space<vmem_shared>>
      %dma_start3A_215 = arith.constant 0 : i32
      %dma_start3A_216 = arith.constant 0 : i32
      %dma_start3A_217 = tpu.memref_slice %arg9[%run_scoped3A_206, %dma_start3A_215, %dma_start3A_216] : memref<2x128x128xf32, #tpu.memory_space<vmem>> -> memref<1x128x128xf32, #tpu.memory_space<vmem>>
      %dma_start3A_218 = tpu.memref_squeeze %dma_start3A_217 : memref<1x128x128xf32, #tpu.memory_space<vmem>> -> memref<128x128xf32, #tpu.memory_space<vmem>>
      %dma_start3A_219 = arith.constant 0 : i32
      %dma_start3A_220 = tpu.memref_slice %arg10[%mul3A_205, %dma_start3A_219] : memref<10240x128xf32, #tpu.memory_space<vmem_shared>> -> memref<128x128xf32, #tpu.memory_space<vmem_shared>>
      tpu.enqueue_dma source(%dma_start3A_220 : memref<128x128xf32, #tpu.memory_space<vmem_shared>>) target(%dma_start3A_218 : memref<128x128xf32, #tpu.memory_space<vmem>>) target_semaphore(%run_scoped3A_208 : memref<!tpu.dma_semaphore, #tpu.memory_space<semaphore_mem>>)
      %dma_wait3A_221 = arith.constant 0 : i32
      %dma_wait3A_222 = arith.constant 0 : i32
      %dma_wait3A_223 = tpu.memref_slice %arg9[%run_scoped3A_206, %dma_wait3A_221, %dma_wait3A_222] : memref<2x128x128xf32, #tpu.memory_space<vmem>> -> memref<1x128x128xf32, #tpu.memory_space<vmem>>
      %dma_wait3A_224 = tpu.memref_squeeze %dma_wait3A_223 : memref<1x128x128xf32, #tpu.memory_space<vmem>> -> memref<128x128xf32, #tpu.memory_space<vmem>>
      %dma_wait3A_225 = arith.constant 0 : i32
      %dma_wait3A_226 = tpu.memref_slice %arg10[%mul3A_205, %dma_wait3A_225] : memref<10240x128xf32, #tpu.memory_space<vmem_shared>> -> memref<128x128xf32, #tpu.memory_space<vmem_shared>>
      %dma_wait3A_227 = arith.constant 0 : i32
      %dma_wait3A_228 = arith.constant 0 : i32
      %dma_wait3A_229 = tpu.memref_slice %arg9[%run_scoped3A_206, %dma_wait3A_227, %dma_wait3A_228] : memref<2x128x128xf32, #tpu.memory_space<vmem>> -> memref<1x128x128xf32, #tpu.memory_space<vmem>>
      %dma_wait3A_230 = tpu.memref_squeeze %dma_wait3A_229 : memref<1x128x128xf32, #tpu.memory_space<vmem>> -> memref<128x128xf32, #tpu.memory_space<vmem>>
      %dma_wait3A_231 = arith.constant 0 : i32
      %dma_wait3A_232 = tpu.memref_slice %arg10[%mul3A_205, %dma_wait3A_231] : memref<10240x128xf32, #tpu.memory_space<vmem_shared>> -> memref<128x128xf32, #tpu.memory_space<vmem_shared>>
      tpu.wait_dma2 semaphore(%run_scoped3A_208 : memref<!tpu.dma_semaphore, #tpu.memory_space<semaphore_mem>>) src(%dma_wait3A_232 : memref<128x128xf32, #tpu.memory_space<vmem_shared>>) dst(%dma_wait3A_230 : memref<128x128xf32, #tpu.memory_space<vmem>>)
      tpu.yield
    }) : () -> ()
    %run_scoped3A_207 = arith.constant 0 : i32
    "tpu.region"() ({
      %run_scoped3A_208 = tpu.sem_alloc : memref<!tpu.dma_semaphore, #tpu.memory_space<semaphore_mem>>
      %dma_start3A_209 = arith.constant 0 : i32
      %dma_start3A_210 = arith.constant 0 : i32
      %dma_start3A_211 = tpu.memref_slice %arg9[%run_scoped3A_207, %dma_start3A_209, %dma_start3A_210] : memref<2x128x128xf32, #tpu.memory_space<vmem>> -> memref<1x128x128xf32, #tpu.memory_space<vmem>>
      %dma_start3A_212 = tpu.memref_squeeze %dma_start3A_211 : memref<1x128x128xf32, #tpu.memory_space<vmem>> -> memref<128x128xf32, #tpu.memory_space<vmem>>
      %dma_start3A_213 = arith.constant 0 : i32
      %dma_start3A_214 = tpu.memref_slice %arg6[%arg0, %mul3A_205, %dma_start3A_213] : memref<2x10240x128xf32, #tpu.memory_space<hbm>> -> memref<1x128x128xf32, #tpu.memory_space<hbm>>
      %dma_start3A_215 = tpu.memref_squeeze %dma_start3A_214 : memref<1x128x128xf32, #tpu.memory_space<hbm>> -> memref<128x128xf32, #tpu.memory_space<hbm>>
      %dma_start3A_216 = arith.constant 0 : i32
      %dma_start3A_217 = tpu.memref_slice %arg6[%arg0, %mul3A_205, %dma_start3A_216] : memref<2x10240x128xf32, #tpu.memory_space<hbm>> -> memref<1x128x128xf32, #tpu.memory_space<hbm>>
      %dma_start3A_218 = tpu.memref_squeeze %dma_start3A_217 : memref<1x128x128xf32, #tpu.memory_space<hbm>> -> memref<128x128xf32, #tpu.memory_space<hbm>>
      %dma_start3A_219 = arith.constant 0 : i32
      %dma_start3A_220 = arith.constant 0 : i32
      %dma_start3A_221 = tpu.memref_slice %arg9[%run_scoped3A_207, %dma_start3A_219, %dma_start3A_220] : memref<2x128x128xf32, #tpu.memory_space<vmem>> -> memref<1x128x128xf32, #tpu.memory_space<vmem>>
      %dma_start3A_222 = tpu.memref_squeeze %dma_start3A_221 : memref<1x128x128xf32, #tpu.memory_space<vmem>> -> memref<128x128xf32, #tpu.memory_space<vmem>>
      tpu.enqueue_dma source(%dma_start3A_222 : memref<128x128xf32, #tpu.memory_space<vmem>>) target(%dma_start3A_218 : memref<128x128xf32, #tpu.memory_space<hbm>>) target_semaphore(%run_scoped3A_208 : memref<!tpu.dma_semaphore, #tpu.memory_space<semaphore_mem>>)
      %dma_wait3A_223 = arith.constant 0 : i32
      %dma_wait3A_224 = arith.constant 0 : i32
      %dma_wait3A_225 = tpu.memref_slice %arg9[%run_scoped3A_207, %dma_wait3A_223, %dma_wait3A_224] : memref<2x128x128xf32, #tpu.memory_space<vmem>> -> memref<1x128x128xf32, #tpu.memory_space<vmem>>
      %dma_wait3A_226 = tpu.memref_squeeze %dma_wait3A_225 : memref<1x128x128xf32, #tpu.memory_space<vmem>> -> memref<128x128xf32, #tpu.memory_space<vmem>>
      %dma_wait3A_227 = arith.constant 0 : i32
      %dma_wait3A_228 = tpu.memref_slice %arg6[%arg0, %mul3A_205, %dma_wait3A_227] : memref<2x10240x128xf32, #tpu.memory_space<hbm>> -> memref<1x128x128xf32, #tpu.memory_space<hbm>>
      %dma_wait3A_229 = tpu.memref_squeeze %dma_wait3A_228 : memref<1x128x128xf32, #tpu.memory_space<hbm>> -> memref<128x128xf32, #tpu.memory_space<hbm>>
      %dma_wait3A_230 = arith.constant 0 : i32
      %dma_wait3A_231 = tpu.memref_slice %arg6[%arg0, %mul3A_205, %dma_wait3A_230] : memref<2x10240x128xf32, #tpu.memory_space<hbm>> -> memref<1x128x128xf32, #tpu.memory_space<hbm>>
      %dma_wait3A_232 = tpu.memref_squeeze %dma_wait3A_231 : memref<1x128x128xf32, #tpu.memory_space<hbm>> -> memref<128x128xf32, #tpu.memory_space<hbm>>
      %dma_wait3A_233 = arith.constant 0 : i32
      %dma_wait3A_234 = arith.constant 0 : i32
      %dma_wait3A_235 = tpu.memref_slice %arg9[%run_scoped3A_207, %dma_wait3A_233, %dma_wait3A_234] : memref<2x128x128xf32, #tpu.memory_space<vmem>> -> memref<1x128x128xf32, #tpu.memory_space<vmem>>
      %dma_wait3A_236 = tpu.memref_squeeze %dma_wait3A_235 : memref<1x128x128xf32, #tpu.memory_space<vmem>> -> memref<128x128xf32, #tpu.memory_space<vmem>>
      tpu.wait_dma2 semaphore(%run_scoped3A_208 : memref<!tpu.dma_semaphore, #tpu.memory_space<semaphore_mem>>) src(%dma_wait3A_236 : memref<128x128xf32, #tpu.memory_space<vmem>>) dst(%dma_wait3A_232 : memref<128x128xf32, #tpu.memory_space<hbm>>)
      tpu.yield
    }) : () -> ()
    return
  }
}

module attributes {stable_mosaic.version = 14 : i64} {
  func.func @_tc1_body(%arg0: memref<10000x1xf32, #tpu.memory_space<vmem>>, %arg1: memref<10000x1xf32, #tpu.memory_space<vmem>>, %arg2: memref<10000x128xf32, #tpu.memory_space<vmem>>, %arg3: memref<128x128xf32, #tpu.memory_space<vmem>>, %arg4: memref<10000x128xf32, #tpu.memory_space<vmem>>) attributes {dimension_semantics = [], scalar_prefetch = 0 : i64, scratch_operands = 0 : i64, tpu.core_type = #tpu.core_type<tc>} {
    %get3A = arith.constant 0 : index
    %get3A_0 = arith.constant 0 : index
    %get3A_1 = vector.load %arg0[%get3A, %get3A_0] : memref<10000x1xf32, #tpu.memory_space<vmem>>, vector<10000x1xf32>
    %get3A_2 = arith.constant 0 : index
    %get3A_3 = arith.constant 0 : index
    %get3A_4 = vector.load %arg1[%get3A_2, %get3A_3] : memref<10000x1xf32, #tpu.memory_space<vmem>>, vector<10000x1xf32>
    %add3A = arith.addf %get3A_1, %get3A_4 : vector<10000x1xf32>
    %add3A_5 = arith.constant 1.000000e+00 : f32
    %add3A_6 = vector.broadcast %add3A_5 : f32 to vector<10000x1xf32>
    %add3A_7 = arith.addf %add3A, %add3A_6 : vector<10000x1xf32>
    %rsqrt3A = math.rsqrt %add3A_7 : vector<10000x1xf32>
    %get3A_8 = arith.constant 0 : index
    %get3A_9 = arith.constant 0 : index
    %get3A_10 = vector.load %arg2[%get3A_8, %get3A_9] : memref<10000x128xf32, #tpu.memory_space<vmem>>, vector<10000x128xf32>
    %get3A_11 = arith.constant 0 : index
    %get3A_12 = arith.constant 0 : index
    %get3A_13 = vector.load %arg3[%get3A_11, %get3A_12] : memref<128x128xf32, #tpu.memory_space<vmem>>, vector<128x128xf32>
    %dot_general3A = arith.constant dense<0.000000e+00> : vector<10000x128xf32>
    %dot_general3A_14 = tpu.matmul %get3A_10, %get3A_13, %dot_general3A {dimension_numbers = #tpu.dot_dimension_numbers<[1], [0], [0], [1], [0, 0, 1, 1], [], []>, transpose_lhs_hint = false} : vector<10000x128xf32>, vector<128x128xf32>, vector<10000x128xf32> -> vector<10000x128xf32>
    %mul3A = vector.broadcast %rsqrt3A : vector<10000x1xf32> to vector<10000x128xf32>
    %mul3A_15 = arith.mulf %dot_general3A_14, %mul3A : vector<10000x128xf32>
    %swap3A = arith.constant 0 : index
    %swap3A_16 = arith.constant 0 : index
    %swap3A_17 = vector.load %arg4[%swap3A, %swap3A_16] : memref<10000x128xf32, #tpu.memory_space<vmem>>, vector<10000x128xf32>
    tpu.vector_store %arg4[%swap3A, %swap3A_16], %mul3A_15 {strides = array<i32>} : memref<10000x128xf32, #tpu.memory_space<vmem>>, vector<10000x128xf32>,
    return
  }
}

module attributes {stable_mosaic.version = 14 : i64} {
  func.func @_tc2_body(%arg0: memref<10000x1xf32, #tpu.memory_space<vmem>>, %arg1: memref<10000x1xf32, #tpu.memory_space<vmem>>, %arg2: memref<10240x128xf32, #tpu.memory_space<vmem>>, %arg3: memref<10240x128xf32, #tpu.memory_space<vmem>>, %arg4: memref<10000x128xf32, #tpu.memory_space<vmem>>, %arg5: memref<1x128xf32, #tpu.memory_space<vmem>>, %arg6: memref<128x128xf32, #tpu.memory_space<vmem>>, %arg7: memref<10000x128xf32, #tpu.memory_space<vmem>>) attributes {dimension_semantics = [], scalar_prefetch = 0 : i64, scratch_operands = 0 : i64, tpu.core_type = #tpu.core_type<tc>} {
    %get3A = arith.constant 0 : index
    %get3A_0 = arith.constant 0 : index
    %get3A_1 = vector.load %arg0[%get3A, %get3A_0] : memref<10000x1xf32, #tpu.memory_space<vmem>>, vector<10000x1xf32>
    %get3A_2 = arith.constant 0 : index
    %get3A_3 = arith.constant 0 : index
    %get3A_4 = vector.load %arg1[%get3A_2, %get3A_3] : memref<10000x1xf32, #tpu.memory_space<vmem>>, vector<10000x1xf32>
    %add3A = arith.addf %get3A_1, %get3A_4 : vector<10000x1xf32>
    %add3A_5 = arith.constant 1.000000e+00 : f32
    %add3A_6 = vector.broadcast %add3A_5 : f32 to vector<10000x1xf32>
    %add3A_7 = arith.addf %add3A, %add3A_6 : vector<10000x1xf32>
    %rsqrt3A = math.rsqrt %add3A_7 : vector<10000x1xf32>
    %get3A_8 = arith.constant 0 : index
    %get3A_9 = arith.constant 0 : index
    %get3A_10 = vector.load %arg2[%get3A_8, %get3A_9] : memref<10240x128xf32, #tpu.memory_space<vmem>>, vector<10000x128xf32>
    %get3A_11 = arith.constant 0 : index
    %get3A_12 = arith.constant 0 : index
    %get3A_13 = vector.load %arg3[%get3A_11, %get3A_12] : memref<10240x128xf32, #tpu.memory_space<vmem>>, vector<10000x128xf32>
    %add3A_14 = arith.addf %get3A_10, %get3A_13 : vector<10000x128xf32>
    %get3A_15 = arith.constant 0 : index
    %get3A_16 = arith.constant 0 : index
    %get3A_17 = vector.load %arg4[%get3A_15, %get3A_16] : memref<10000x128xf32, #tpu.memory_space<vmem>>, vector<10000x128xf32>
    %add3A_18 = arith.addf %add3A_14, %get3A_17 : vector<10000x128xf32>
    %mul3A = vector.broadcast %rsqrt3A : vector<10000x1xf32> to vector<10000x128xf32>
    %mul3A_19 = arith.mulf %mul3A, %add3A_18 : vector<10000x128xf32>
    %get3A_20 = arith.constant 0 : index
    %get3A_21 = arith.constant 0 : index
    %get3A_22 = vector.load %arg5[%get3A_20, %get3A_21] : memref<1x128xf32, #tpu.memory_space<vmem>>, vector<1x128xf32>
    %add3A_23 = vector.broadcast %get3A_22 : vector<1x128xf32> to vector<10000x128xf32>
    %add3A_24 = arith.addf %mul3A_19, %add3A_23 : vector<10000x128xf32>
    %max3A = arith.constant 0.000000e+00 : f32
    %max3A_25 = vector.broadcast %max3A : f32 to vector<10000x128xf32>
    %max3A_26 = arith.maximumf %add3A_24, %max3A_25 : vector<10000x128xf32>
    %get3A_27 = arith.constant 0 : index
    %get3A_28 = arith.constant 0 : index
    %get3A_29 = vector.load %arg6[%get3A_27, %get3A_28] : memref<128x128xf32, #tpu.memory_space<vmem>>, vector<128x128xf32>
    %dot_general3A = arith.constant dense<0.000000e+00> : vector<10000x128xf32>
    %dot_general3A_30 = tpu.matmul %max3A_26, %get3A_29, %dot_general3A {dimension_numbers = #tpu.dot_dimension_numbers<[1], [0], [0], [1], [0, 0, 1, 1], [], []>, transpose_lhs_hint = false} : vector<10000x128xf32>, vector<128x128xf32>, vector<10000x128xf32> -> vector<10000x128xf32>
    %mul3A_31 = vector.broadcast %rsqrt3A : vector<10000x1xf32> to vector<10000x128xf32>
    %mul3A_32 = arith.mulf %dot_general3A_30, %mul3A_31 : vector<10000x128xf32>
    %swap3A = arith.constant 0 : index
    %swap3A_33 = arith.constant 0 : index
    %swap3A_34 = vector.load %arg7[%swap3A, %swap3A_33] : memref<10000x128xf32, #tpu.memory_space<vmem>>, vector<10000x128xf32>
    tpu.vector_store %arg7[%swap3A, %swap3A_33], %mul3A_32 {strides = array<i32>} : memref<10000x128xf32, #tpu.memory_space<vmem>>, vector<10000x128xf32>,
    return
  }
}

module attributes {stable_mosaic.version = 14 : i64} {
  func.func @_tc3_body(%arg0: memref<10000x1xf32, #tpu.memory_space<vmem>>, %arg1: memref<10000x1xf32, #tpu.memory_space<vmem>>, %arg2: memref<10240x128xf32, #tpu.memory_space<vmem>>, %arg3: memref<10240x128xf32, #tpu.memory_space<vmem>>, %arg4: memref<10000x128xf32, #tpu.memory_space<vmem>>, %arg5: memref<1x128xf32, #tpu.memory_space<vmem>>, %arg6: memref<10000x128xf32, #tpu.memory_space<vmem>>) attributes {dimension_semantics = [], scalar_prefetch = 0 : i64, scratch_operands = 0 : i64, tpu.core_type = #tpu.core_type<tc>} {
    %get3A = arith.constant 0 : index
    %get3A_0 = arith.constant 0 : index
    %get3A_1 = vector.load %arg0[%get3A, %get3A_0] : memref<10000x1xf32, #tpu.memory_space<vmem>>, vector<10000x1xf32>
    %get3A_2 = arith.constant 0 : index
    %get3A_3 = arith.constant 0 : index
    %get3A_4 = vector.load %arg1[%get3A_2, %get3A_3] : memref<10000x1xf32, #tpu.memory_space<vmem>>, vector<10000x1xf32>
    %add3A = arith.addf %get3A_1, %get3A_4 : vector<10000x1xf32>
    %add3A_5 = arith.constant 1.000000e+00 : f32
    %add3A_6 = vector.broadcast %add3A_5 : f32 to vector<10000x1xf32>
    %add3A_7 = arith.addf %add3A, %add3A_6 : vector<10000x1xf32>
    %rsqrt3A = math.rsqrt %add3A_7 : vector<10000x1xf32>
    %get3A_8 = arith.constant 0 : index
    %get3A_9 = arith.constant 0 : index
    %get3A_10 = vector.load %arg2[%get3A_8, %get3A_9] : memref<10240x128xf32, #tpu.memory_space<vmem>>, vector<10000x128xf32>
    %get3A_11 = arith.constant 0 : index
    %get3A_12 = arith.constant 0 : index
    %get3A_13 = vector.load %arg3[%get3A_11, %get3A_12] : memref<10240x128xf32, #tpu.memory_space<vmem>>, vector<10000x128xf32>
    %add3A_14 = arith.addf %get3A_10, %get3A_13 : vector<10000x128xf32>
    %get3A_15 = arith.constant 0 : index
    %get3A_16 = arith.constant 0 : index
    %get3A_17 = vector.load %arg4[%get3A_15, %get3A_16] : memref<10000x128xf32, #tpu.memory_space<vmem>>, vector<10000x128xf32>
    %add3A_18 = arith.addf %add3A_14, %get3A_17 : vector<10000x128xf32>
    %mul3A = vector.broadcast %rsqrt3A : vector<10000x1xf32> to vector<10000x128xf32>
    %mul3A_19 = arith.mulf %mul3A, %add3A_18 : vector<10000x128xf32>
    %get3A_20 = arith.constant 0 : index
    %get3A_21 = arith.constant 0 : index
    %get3A_22 = vector.load %arg5[%get3A_20, %get3A_21] : memref<1x128xf32, #tpu.memory_space<vmem>>, vector<1x128xf32>
    %add3A_23 = vector.broadcast %get3A_22 : vector<1x128xf32> to vector<10000x128xf32>
    %add3A_24 = arith.addf %mul3A_19, %add3A_23 : vector<10000x128xf32>
    %swap3A = arith.constant 0 : index
    %swap3A_25 = arith.constant 0 : index
    %swap3A_26 = vector.load %arg6[%swap3A, %swap3A_25] : memref<10000x128xf32, #tpu.memory_space<vmem>>, vector<10000x128xf32>
    tpu.vector_store %arg6[%swap3A, %swap3A_25], %add3A_24 {strides = array<i32>} : memref<10000x128xf32, #tpu.memory_space<vmem>>, vector<10000x128xf32>,
    return
  }
}

</mosaic_0001>

<sc_bundles>
// kernel: kernel.11.cloned.1.call-start
scs
__scs_entry_jumppad:
0x0: {  	(pc) =	sbr.rel $0x88, $3  }
0x1: {  	(tag) =	ssettag $0x0;
	lr =	simm.s32 $0x1  }
0x2: {  	[smem:$0x3F9B] =	sst lr;
	_ =	strace $0xD0000000  }
0x3: {  	_ = 	snop  }
0x4: {  	_ = 	snop  }
0x5: {  	_ = 	snop  }
0x6: {  	_ = 	snop  }
0x7: {  	_ = 	snop  }
__scs_overlays_trampoline_lowered:
0x8: {  	[smem:$0x3FAA] =	sst s0  }
0x9: {  	[smem:$0x3FAB] =	sst s1  }
0xa: {  	[smem:$0x3FAC] =	sst s2  }
0xb: {  	[smem:$0x3FAD] =	sst s3  }
0xc: {  	[smem:$0x3FAE] =	sst s4  }
0xd: {  	[smem:$0x3FAF] =	sst s5  }
0xe: {  	[smem:$0x3FB0] =	sst s6  }
0xf: {  	[smem:$0x3FB1] =	sst s7  }
0x10: {  	[smem:$0x3FB2] =	sst s8  }
0x11: {  	[smem:$0x3FB3] =	sst s9;
	s0 =	simm.s32 @!p0 $0x0  }
0x12: {  	s1 =	sld [smem:$0x3F99];
	s0 =	simm.s32 @p0 $0x1  }
0x13: {  	[smem:$0x3FB4] =	sst s0;
	s0 =	simm.s32 @!p1 $0x0  }
0x14: {  	s2 =	sld [smem:$0x3F98];
	s0 =	simm.s32 @p1 $0x1  }
0x15: {  	[smem:$0x3FB5] =	sst s0;
	s0 =	simm.s32 @!p2 $0x0  }
0x16: {  	s3 =	sld [smem:$0x3FDB];
	s0 =	simm.s32 @p2 $0x1  }
0x17: {  	s4 =	simm.s32 $0x1BF5;
	[smem:$0x3FB7] =	sst s0  }
0x18: {  	s0 =	sld [smem:$0x3F9A];
	_ =	swait.ge [sflag:s4], $0x0  }
0x19: {  	s7 =	sld [smem:$0x3F9B]  }
0x1a: {  	s8 =	sadd.s32 $0xFFFFE003, lr  }
0x1b: {  	s9 =	sadd.s32 $0xFFFFFEF7, lr;
	s5 =	simm.s32 $0xFFFFFFFF;
	p2 =	slt.u32 s8, $0xFFFFF086  }
0x1c: {  	p1 =	slt.u32 s9, $0xF7A;
	s5 =	simm.s32 @!p2 $0x0  }
0x1d: {  	s5 =	simm.s32 @p1 $0x1;
	p0 =	seq.s32 s7, s2  }
0x1e: {  	s7 =	smul.u32 @!p0 $0xF7A, s2;
	p2 =	seq.s32 @!p0 s5, $0x0  }
0x1f: {  	s9 =	smul.u32 $0xF7A, s1;
	s8 =	simm.s32 @!p0 $0x1BF5;
	p2 =	por !p2, p0  }
0x20: {  	[sflag:s8] =	ssyncset.s32 @!p0 $0xFFFFF086;
	s6 =	sadd.s32 @!p0 s3, s7;
	s7 =	simm.s32 @!p0 $0x108  }
0x21: {  	s3 =	sadd.s32 s3, s9;
	s6 =	sadd.s32 @!p0 $0x88, s6;
	s7 =	simm.s32 @p2 $0x1082  }
0x22: {  	[simem:s7], [sflag:s8] =	dma.local @!p0 [hbm:s6], $0xF7A  }
0x23: {  	s9 =	sor.u32 $0xD0000000, s2;
	s6 =	simm.s32 $0x108;
	_ =	swait.ge @!p0 [sflag:s8], $0x0  }
0x24: {  	s3 =	sadd.s32 $0x88, s3;
	s6 =	simm.s32 @!p1 $0x1082;
	[sflag:s4] =	ssyncset.s32 $0xFFFFF086  }
0x25: {  	[simem:s6], [sflag:s4] =	dma.local [hbm:s3], $0xF7A  }
0x26: {  	[smem:$0x3F9B] =	sst s1;
	(tag) =	ssettag s2;
	_ =	strace s9  }
0x27: {  	s1 =	sld [smem:$0x3FAB]  }
0x28: {  	s2 =	sld [smem:$0x3FAC]  }
0x29: {  	s4 =	sld [smem:$0x3FAE]  }
0x2a: {  	p0 =	seq.s32 s5, $0x0;
	s5 =	sld [smem:$0x3FAF]  }
0x2b: {  	s6 =	sld [smem:$0x3FB0]  }
0x2c: {  	s7 =	sld [smem:$0x3FB1]  }
0x2d: {  	s3 =	simm.s32 $0x108;
	s8 =	sld [smem:$0x3FB2]  }
0x2e: {  	s3 =	simm.s32 @!p0 $0x1082;
	s9 =	sld [smem:$0x3FB3]  }
0x2f: {  	lr =	sadd.s32 s0, s3;
	s0 =	sld [smem:$0x3FAA]  }
0x30: {  	s3 =	sld [smem:$0x3FAD]  }
0x31: {  	[smem:$0x3FB6] =	sst s10  }
0x32: {  	s10 =	sld [smem:$0x3FB4];
	_ =	sdelay $0x3  }
0x33: {  	p0 =	seq.s32 s10, $0x1;
	s10 =	sld [smem:$0x3FB6];
	_ =	sdelay $0x3  }
0x34: {  	[smem:$0x3FB6] =	sst s10  }
0x35: {  	s10 =	sld [smem:$0x3FB5];
	_ =	sdelay $0x3  }
0x36: {  	p1 =	seq.s32 s10, $0x1;
	s10 =	sld [smem:$0x3FB6];
	_ =	sdelay $0x3  }
0x37: {  	[smem:$0x3FB6] =	sst s10  }
0x38: {  	s10 =	sld [smem:$0x3FB7]  }
0x39: {  	_ = 	snop;
	(pc) =	sbr.ind lr, $3  }
0x3a: {  	_ = 	snop  }
0x3b: {  	_ = 	snop  }
0x3c: {  	p2 =	seq.s32 s10, $0x1;
	s10 =	sld [smem:$0x3FB6]  }
0x3d: {  	_ =	shalt  }
0x3e: {  	_ =	shalt  }
0x3f: {  	_ =	shalt  }
0x40: {  	_ =	shalt  }
0x41: {  	_ =	shalt  }
0x42: {  	_ =	shalt  }
0x43: {  	_ =	shalt  }
0x44: {  	_ =	shalt  }
0x45: {  	_ =	shalt  }
0x46: {  	_ =	shalt  }
0x47: {  	_ =	shalt  }
0x48: {  	_ =	shalt  }
0x49: {  	_ =	shalt  }
0x4a: {  	_ =	shalt  }
0x4b: {  	_ =	shalt  }
0x4c: {  	_ =	shalt  }
0x4d: {  	_ =	shalt  }
0x4e: {  	_ =	shalt  }
0x4f: {  	_ =	shalt  }
0x50: {  	_ =	shalt  }
0x51: {  	_ =	shalt  }
0x52: {  	_ =	shalt  }
0x53: {  	_ =	shalt  }
0x54: {  	_ =	shalt  }
0x55: {  	_ =	shalt  }
0x56: {  	_ =	shalt  }
0x57: {  	_ =	shalt  }
0x58: {  	_ =	shalt  }
0x59: {  	_ =	shalt  }
0x5a: {  	_ =	shalt  }
0x5b: {  	_ =	shalt  }
0x5c: {  	_ =	shalt  }
0x5d: {  	_ =	shalt  }
0x5e: {  	_ =	shalt  }
0x5f: {  	_ =	shalt  }
0x60: {  	_ =	shalt  }
0x61: {  	_ =	shalt  }
0x62: {  	_ =	shalt  }
0x63: {  	_ =	shalt  }
0x64: {  	_ =	shalt  }
0x65: {  	_ =	shalt  }
0x66: {  	_ =	shalt  }
0x67: {  	_ =	shalt  }
0x68: {  	_ =	shalt  }
0x69: {  	_ =	shalt  }
0x6a: {  	_ =	shalt  }
0x6b: {  	_ =	shalt  }
0x6c: {  	_ =	shalt  }
0x6d: {  	_ =	shalt  }
0x6e: {  	_ =	shalt  }
0x6f: {  	_ =	shalt  }
0x70: {  	_ =	shalt  }
0x71: {  	_ =	shalt  }
0x72: {  	_ =	shalt  }
0x73: {  	_ =	shalt  }
0x74: {  	_ =	shalt  }
0x75: {  	_ =	shalt  }
0x76: {  	_ =	shalt  }
0x77: {  	_ =	shalt  }
0x78: {  	_ =	shalt  }
0x79: {  	_ =	shalt  }
0x7a: {  	_ =	shalt  }
0x7b: {  	_ =	shalt  }
0x7c: {  	_ =	shalt  }
0x7d: {  	_ =	shalt  }
0x7e: {  	_ =	shalt  }
0x7f: {  	_ =	shalt  }
0x80: {  	_ =	shalt  }
0x81: {  	_ =	shalt  }
0x82: {  	_ =	shalt  }
0x83: {  	_ =	shalt  }
0x84: {  	_ =	shalt  }
0x85: {  	_ =	shalt  }
0x86: {  	_ =	shalt  }
0x87: {  	_ =	shalt  }
.Lfunc_end0:
.L_simem_size_0:
called_computation.1_lowered:
.L_overlay_start_0:
0x88: {  	s2 =	sld [smem:$0x3FD9]  }
0x89: {  	s3 =	sld [smem:$0x3FFE];
	_ =	sdelay $0x1  }
0x8a: {  	s1 =	srdreg.scid  }
0x8b: {  	s0 =	sand.u32 $0x1, s1  }
0x8c: {  	s17 =	sshll.u32 s0, $0xA;
	s2 =	sadd.s32 s3, s2  }
0x8d: {  	s2 =	sadd.s32 s2, s17  }
0x8e: {  	[smem:$0x3FC2] =	sst s2  }
0x8f: {  	_ = 	snop  }
0x90: {  	s2 =	sld [smem:$0x3FD0];
	(tm) =	ssettm $0x1  }
0x91: {  	s18 =	sld [smem:$0x3FFB];
	_ =	sdelay $0x3  }
0x92: {  	_ =	strace s18  }
0x93: {  	s3 =	sld [smem:$0x3FFC];
	_ =	sdelay $0x3  }
0x94: {  	_ =	strace s3  }
0x95: {  	s3 =	sld [smem:$0x3FFD];
	_ =	sdelay $0x3  }
0x96: {  	_ =	strace s3  }
0x97: {  	_ =	strace $0x8FFFFFFF  }
0x98: {  	s19 =	sld [smem:$0x3FDB];
	_ =	sdelay $0x1  }
0x99: {  	s4 =	simm.s32 $_scs_section_size  }
0x9a: {  	s5 =	simm.s32 $_size__tile_overlayer_lowered;
	s6 =	simm.s32 $_tile_overlayer_lowered  }
0x9b: {  	s22 =	simm.s32 $0x1BFF;
	s21 =	sshll.u32 s6, $0x1;
	s3 =	sadd.s32 s4, s19  }
0x9c: {  	s7 =	simm.s32 $0x0;
	s20 =	sshll.u32 s5, $0x1;
	s5 =	sadd.s32 s21, s3  }
0x9d: {  	[timem:s7], [sflag:s22] =	dma.local [hbm:s5], s20  }
0x9e: {  	_ =	swait.ge [sflag:s22], s20  }
0x9f: {  	s4 =	ssub.s32 $0x0, s20;
	[sflag:s22] =	ssyncset.done $0x0  }
0xa0: {  	[sflag:s22] =	ssyncadd.s32 s4;
	_ =	sdelay $0x1  }
0xa1: {  	s23 =	simm.s32 $0x1B8B  }
0xa2: {  	_ =	swait.ge [sflag:s23], $0x1  }
0xa3: {  	[sflag:s23] =	ssyncset.done $0x0  }
0xa4: {  	s25 =	simm.s32 $0x1B8E;
	s24 =	sld [smem:$0x3FFE];
	[sflag:s23] =	ssyncadd.s32 $0xFFFFFFFF  }
0xa5: {  	s26 =	simm.s32 $execute0_lowered;
	[smem:$0x3FD2] =	sst s25  }
0xa6: {  	s5 =	sshll.u32 s26, $0x1;
	_ =	strace $0x80000049;
	[dreg:$0x1] =	wrdreg $0xFFFFFFFF  }
0xa7: {  	s28 =	simm.s32 $_size_execute0_lowered;
	s3 =	sadd.s32 s3, s5;
	[dreg:$0x0] =	wrdreg $0x0  }
0xa8: {  	s5 =	sshll.u32 s28, $0x1;
	[dreg:$0x2] =	wrdreg s3  }
0xa9: {  	[dreg:$0x3] =	wrdreg s5  }
0xaa: {  	[dreg:$0x4] =	wrdreg $0xC0  }
0xab: {  	_ =	task [dreg:s7], $0x5FFFF  }
0xac: {  	[dreg:$0x1] =	wrdreg $0xFFFFFFFF  }
0xad: {  	[dreg:$0x0] =	wrdreg $0x60  }
0xae: {  	[dreg:$0x2] =	wrdreg s2  }
0xaf: {  	[dreg:$0x3] =	wrdreg s24  }
0xb0: {  	[dreg:$0x4] =	wrdreg $0xA9000  }
0xb1: {  	[dreg:$0x5] =	wrdreg $0x9  }
0xb2: {  	_ =	task.clear_ibuf [dreg:s7], $0x6FFFF;
	_ =	strace $0x90000049  }
0xb3: {  	s29 =	simm.s32 $0x9;
	_ =	strace $0x8000004B  }
0xb4: {  	_ =	swait.ge [sflag:s29], $0x1  }
0xb5: {  	[sflag:s29] =	ssyncadd.s32 $0xFFFFFFFF  }
0xb6: {  	_ =	strace $0x9000004B  }
0xb7: {  	_ =	sfence  }
0xb8: {  	s30 =	sld [smem:$0x0];
	_ =	sdelay $0x2  }
0xb9: {  	s31 =	sshll.u32 s1, $0xD;
	s1 =	sshrl.u32 s1, $0x2  }
0xba: {  	s3 =	sand.u32 $0x4000, s31;
	s1 =	sadd.s32 s1, s30  }
0xbb: {  	s0 =	sor.u32 s3, s0;
	s1 =	sshll.u32 s1, $0x11  }
0xbc: {  	s0 =	sor.u32 s1, s0  }
0xbd: {  	s0 =	sadd.s32 $0x8F2B, s0  }
0xbe: {  	[sflag:s0] =	ssyncadd.remote.s32 $0x1  }
0xbf: {  	_ =	sfence.sel $0xFFFF  }
0xc0: {  	[dreg:$0x0] =	wrdreg $0xFFFFFFFF;
	(pc) =	sbr.abs _section_cstart, $3  }
0xc1: {  	[dreg:$0x1] =	wrdreg $0xFFFFFFFF  }
0xc2: {  	_ =	task.clear_ibuf [dreg:s7], $0x2FFFF;
	_ =	strace $0x9FFFFFFF  }
0xc3: {  	(tm) =	ssettm $0x7FFFFFFF  }
tec
execute0_lowered:
.L_overlay_start_1:
0x0: {  	(tag) =	ssettag $0x1  }
0x1: {  	s1 =	rddreg [dreg:$0x0]  }
0x2: {  	s0 =	srdreg.scid;
	s7 =	rddreg [dreg:$0x1]  }
0x3: {  	s10 =	stileid.u32;
	s3 =	rddreg [dreg:$0x2];
	s5 =	simm.s32 $0x0  }
0x4: {  	s28 =	simm.s32 $0x2880;
	s29 =	simm.s32 $0x3;
	s30 =	simm.s32 $0x1  }
0x5: {  	s31 =	simm.s32 $0x4;
	s0 =	sand.u32 $0x1, s0;
	s8 =	smul.u32 $0x50000, s10  }
0x6: {  	[smem:$0x7FF] =	sst s5;
	s6 =	sadd.s32 $0x2800, s7;
	s14 =	smul.u32 $0x14000, s10  }
0x7: {  	s15 =	sadd.s32 $0x16C00, s7;
	s2 =	sshll.u32 s0, $0x4;
	_ =	strace $0x8000004A  }
0x8: {  	s9 =	ssub.s32 $0x2, s0;
	[dreg:$0x4] =	wrdreg s15;
	s0 =	smul.u32 $0x140000, s0  }
0x9: {  	s2 =	sor.u32 s10, s2;
	s16 =	sshrl.u32 s9, $0x1;
	s8 =	sshrl.u32 s8, $0x2  }
0xa: {  	s15 =	sadd.s32 $0x4000, s14;
	s18 =	sadd.s32 $0x8000, s14;
	s19 =	sadd.s32 $0xC000, s14  }
0xb: {  	s20 =	sadd.s32 $0x10000, s14;
	s4 =	smul.u32 $0x2800, s2;
	s16 =	ssub.s32 s9, s16  }
0xc: {  	s8 =	sadd.s32 s8, s3;
	s9 =	sadd.s32 s15, s3;
	s10 =	sadd.s32 s18, s3  }
0xd: {  	s11 =	sadd.s32 s19, s3;
	s12 =	sadd.s32 s20, s3;
	s17 =	sadd.s32 s14, s0  }
0xe: {  	s15 =	sadd.s32 s0, s15;
	s24 =	sadd.s32 s0, s18;
	s25 =	sadd.s32 s0, s19  }
0xf: {  	s0 =	sadd.s32 s0, s20;
	s21 =	sshrl.u32 s17, $0x3;
	s2 =	sshrl.u32 s4, $0x3  }
0x10: {  	s22 =	sshrl.u32 s15, $0x3;
	s0 =	sshrl.u32 s0, $0x3;
	s13 =	sadd.s32 s2, s7  }
0x11: {  	s7 =	sadd.s32 $0x17400, s7;
	s14 =	sadd.s32 s6, s2;
	s13 =	sadd.s32 $0xCC00, s13  }
0x12: {  	s15 =	sadd.s32 $0x10, s14;
	s2 =	sadd.s32 s7, s21;
	s23 =	sadd.s32 s7, s22  }
0x13: {  	s20 =	sadd.s32 s7, s0;
	s21 =	smax.u32 s16, $0x1;
	[dreg:$0x5] =	wrdreg s13  }
0x14: {  	s22 =	simm.s32 $0x2900;
	s0 =	simm.s32 $0x0;
	[dreg:$0x6] =	wrdreg s2  }
0x15: {  	[dreg:$0x7] =	wrdreg s23;
	s2 =	sshrl.u32 s24, $0x3;
	s13 =	sshrl.u32 s25, $0x3  }
0x16: {  	s23 =	simm.s32 $0x5;
	s24 =	simm.s32 $0x80;
	s2 =	sadd.s32 s7, s2  }
0x17: {  	s25 =	simm.s32 $0x2800;
	s26 =	sadd.s32 s7, s13;
	[dreg:$0x8] =	wrdreg s2  }
0x18: {  	[dreg:$0x9] =	wrdreg s26;
	s26 =	simm.s32 $0x6900;
	s2 =	simm.s32 $0x2  }
.LBB2_1:
0x19: {  	s7 =	rddreg [dreg:$0x4]  }
0x1a: {  	[tilespmem:s22], [sflag:$0x5] =	stream.linear.gather [hbm4b:s7+s5], $0x4000, $0x38;
	[tilespmem:$0x1E900] =	vst v63  }
0x1b: {  	_ =	swait.ge [sflag:s23], $0x4000  }
0x1c: {  	[sflag:s23] =	ssyncset.done $0x0  }
0x1d: {  	[sflag:s23] =	ssyncadd.s32 $0xFFFFC000  }
0x1e: {  	[spmem:s8] =	stream.linear.scatter [tilespmem:s22], [sflag:$0x5], $0x4000, $0x38;
	[tilespmem:$0x1E900] =	vst v63  }
0x1f: {  	_ =	swait.ge [sflag:s23], $0x4000  }
0x20: {  	[sflag:s23] =	ssyncset.done $0x0  }
0x21: {  	[sflag:s23] =	ssyncadd.s32 $0xFFFFC000  }
0x22: {  	[spmem:s9] =	stream.linear.scatter [tilespmem:s22], [sflag:$0x5], $0x4000, $0x38;
	[tilespmem:$0x1E900] =	vst v63  }
0x23: {  	_ =	swait.ge [sflag:s23], $0x4000  }
0x24: {  	[sflag:s23] =	ssyncset.done $0x0  }
0x25: {  	[sflag:s23] =	ssyncadd.s32 $0xFFFFC000  }
0x26: {  	[spmem:s10] =	stream.linear.scatter [tilespmem:s22], [sflag:$0x5], $0x4000, $0x38;
	[tilespmem:$0x1E900] =	vst v63  }
0x27: {  	_ =	swait.ge [sflag:s23], $0x4000  }
0x28: {  	[sflag:s23] =	ssyncset.done $0x0  }
0x29: {  	[sflag:s23] =	ssyncadd.s32 $0xFFFFC000  }
0x2a: {  	[spmem:s11] =	stream.linear.scatter [tilespmem:s22], [sflag:$0x5], $0x4000, $0x38;
	[tilespmem:$0x1E900] =	vst v63  }
0x2b: {  	_ =	swait.ge [sflag:s23], $0x4000  }
0x2c: {  	[sflag:s23] =	ssyncset.done $0x0  }
0x2d: {  	[sflag:s23] =	ssyncadd.s32 $0xFFFFC000  }
0x2e: {  	[spmem:s12] =	stream.linear.scatter [tilespmem:s22], [sflag:$0x5], $0x4000, $0x38;
	[tilespmem:$0x1E900] =	vst v63  }
0x2f: {  	_ =	swait.ge [sflag:s23], $0x4000  }
0x30: {  	[sflag:s23] =	ssyncset.done $0x0  }
0x31: {  	s16 =	rddreg [dreg:$0x5];
	[sflag:s23] =	ssyncadd.s32 $0xFFFFC000  }
0x32: {  	[tilespmem:s5], [sflag:$0x5] =	stream.linear.gather [hbm4b:s16+s5], $0x2800, $0x38;
	[tilespmem:$0x1E900] =	vst v63  }
0x33: {  	_ =	swait.ge [sflag:s23], $0x2800  }
0x34: {  	[sflag:s23] =	ssyncset.done $0x0  }
0x35: {  	[sflag:s23] =	ssyncadd.s32 $0xFFFFD800  }
0x36: {  	[bflag:$0x0] =	sbarrier.arrive $0xFFFF  }
0x37: {  	[tilespmem:s22], [sflag:$0x1] =	stream.indirect.gather [hbm4b:s1+s24], $0x80, s5, s24, $0xb8;
	[tilespmem:$0x1E900] =	vst v63  }
0x38: {  	_ = 	snop  }
0x39: {  	[tilespmem:s25], [sflag:$0x3] =	stream.linear.gather [hbm4b:s14+s5], $0x80, $0x38;
	[tilespmem:$0x1E900] =	vst v63  }
0x3a: {  	_ = 	snop  }
0x3b: {  	[tilespmem:s26], [sflag:$0x2] =	stream.indirect.gather [hbm4b:s1+s24], $0x80, s24, s24, $0xb8;
	[tilespmem:$0x1E900] =	vst v63  }
0x3c: {  	_ = 	snop  }
0x3d: {  	[tilespmem:s28], [sflag:$0x4] =	stream.linear.gather [hbm4b:s15+s5], $0x80, $0x38;
	[tilespmem:$0x1E900] =	vst v63  }
0x3e: {  	_ =	swait.ge [sflag:s29], $0x80  }
0x3f: {  	[sflag:s29] =	ssyncset.done $0x0  }
0x40: {  	[sflag:s29] =	ssyncadd.s32 $0xFFFFFF80  }
0x41: {  	_ =	swait.ge [sflag:s30], $0x4000  }
0x42: {  	s17 =	simm.s32 $0x100;
	[sflag:s30] =	ssyncset.done $0x0  }
0x43: {  	s13 =	sand.u32 $0x3C00, s17;
	[sflag:s30] =	ssyncadd.s32 $0xFFFFC000  }
0x44: {  	[spmem:s3] =	stream.indirect.scatter.add.f32 [tilespmem:s22], [sflag:$0x5], $0x80, s25, s24, $0xb8;
	[tilespmem:$0x1E900] =	vst v63  }
0x45: {  	s7 =	sand.u32 $0x300, s17;
	s13 =	sadd.s32 s4, s13;
	_ =	swait.ge [sflag:s23], $0x4000  }
0x46: {  	s7 =	sor.u32 s7, s13;
	[sflag:s23] =	ssyncset.done $0x0  }
0x47: {  	s7 =	sshrl.u32 s7, $0x3;
	s16 =	simm.s32 $0x100;
	[sflag:s23] =	ssyncadd.s32 $0xFFFFC000  }
0x48: {  	[tilespmem:s22], [sflag:$0x1] =	stream.indirect.gather [hbm4b:s1+s24], $0x80, s16, s24, $0xb8;
	[tilespmem:$0x1E900] =	vst v63  }
0x49: {  	s7 =	sadd.s32 s6, s7  }
0x4a: {  	[tilespmem:s25], [sflag:$0x3] =	stream.linear.gather [hbm4b:s7+s5], $0x80, $0x38;
	[tilespmem:$0x1E900] =	vst v63  }
0x4b: {  	_ =	swait.ge [sflag:s31], $0x80  }
0x4c: {  	[sflag:s31] =	ssyncset.done $0x0  }
0x4d: {  	[sflag:s31] =	ssyncadd.s32 $0xFFFFFF80  }
0x4e: {  	_ =	swait.ge [sflag:s2], $0x4000  }
0x4f: {  	s7 =	simm.s32 $0x180;
	[sflag:s2] =	ssyncset.done $0x0  }
0x50: {  	s18 =	sand.u32 $0x3C00, s7;
	[sflag:s2] =	ssyncadd.s32 $0xFFFFC000  }
0x51: {  	[spmem:s3] =	stream.indirect.scatter.add.f32 [tilespmem:s26], [sflag:$0x5], $0x80, s28, s24, $0xb8;
	[tilespmem:$0x1E900] =	vst v63  }
0x52: {  	s19 =	sand.u32 $0x380, s7;
	s13 =	sadd.s32 s4, s18;
	_ =	swait.ge [sflag:s23], $0x4000  }
0x53: {  	s16 =	sor.u32 s19, s13;
	[sflag:s23] =	ssyncset.done $0x0  }
0x54: {  	s13 =	simm.s32 $0x280;
	s16 =	sshrl.u32 s16, $0x3;
	[sflag:s23] =	ssyncadd.s32 $0xFFFFC000  }
0x55: {  	[tilespmem:s26], [sflag:$0x2] =	stream.indirect.gather [hbm4b:s1+s24], $0x80, s7, s24, $0xb8;
	[tilespmem:$0x1E900] =	vst v63  }
.LBB2_2:
0x56: {  	p0 =	sne.s32 s13, $0x2780;
	s16 =	sadd.s32 s6, s16;
	s7 =	sadd.s32 $0x100, s7  }
0x57: {  	[tilespmem:s28], [sflag:$0x4] =	stream.linear.gather [hbm4b:s16+s5], $0x80, $0x38;
	[tilespmem:$0x1E900] =	vst v63  }
0x58: {  	s16 =	smov.u32 s13;
	s13 =	sadd.s32 $0x100, s13;
	_ =	swait.ge [sflag:s29], $0x80  }
0x59: {  	[sflag:s29] =	ssyncset.done $0x0  }
0x5a: {  	[sflag:s29] =	ssyncadd.s32 $0xFFFFFF80  }
0x5b: {  	_ =	swait.ge [sflag:s30], $0x4000  }
0x5c: {  	[sflag:s30] =	ssyncset.done $0x0  }
0x5d: {  	s17 =	sadd.s32 $0xFFFFFF80, s16;
	[sflag:s30] =	ssyncadd.s32 $0xFFFFC000  }
0x5e: {  	[spmem:s3] =	stream.indirect.scatter.add.f32 [tilespmem:s22], [sflag:$0x5], $0x80, s25, s24, $0xb8;
	[tilespmem:$0x1E900] =	vst v63  }
0x5f: {  	s18 =	sand.u32 $0x3C00, s17;
	_ =	swait.ge [sflag:s23], $0x4000  }
0x60: {  	s17 =	sand.u32 $0x300, s17;
	s18 =	sadd.s32 s4, s18;
	[sflag:s23] =	ssyncset.done $0x0  }
0x61: {  	s19 =	sadd.s32 $0xFFFFFF80, s7;
	s17 =	sor.u32 s17, s18;
	[sflag:s23] =	ssyncadd.s32 $0xFFFFC000  }
0x62: {  	[tilespmem:s22], [sflag:$0x1] =	stream.indirect.gather [hbm4b:s1+s24], $0x80, s19, s24, $0xb8;
	[tilespmem:$0x1E900] =	vst v63  }
0x63: {  	s17 =	sshrl.u32 s17, $0x3  }
0x64: {  	s17 =	sadd.s32 s6, s17  }
0x65: {  	[tilespmem:s25], [sflag:$0x3] =	stream.linear.gather [hbm4b:s17+s5], $0x80, $0x38;
	[tilespmem:$0x1E900] =	vst v63  }
0x66: {  	_ =	swait.ge [sflag:s31], $0x80  }
0x67: {  	[sflag:s31] =	ssyncset.done $0x0  }
0x68: {  	[sflag:s31] =	ssyncadd.s32 $0xFFFFFF80  }
0x69: {  	_ =	swait.ge [sflag:s2], $0x4000  }
0x6a: {  	[sflag:s2] =	ssyncset.done $0x0  }
0x6b: {  	s17 =	sand.u32 $0x3C00, s16;
	[sflag:s2] =	ssyncadd.s32 $0xFFFFC000  }
0x6c: {  	[spmem:s3] =	stream.indirect.scatter.add.f32 [tilespmem:s26], [sflag:$0x5], $0x80, s28, s24, $0xb8;
	[tilespmem:$0x1E900] =	vst v63  }
.Ltmp0:
0x6d: {  	_ = 	snop;
	(pc) =	sbr.rel @p0 .LBB2_2-.Ltmp0, $4  }
0x6e: {  	s16 =	sand.u32 $0x380, s16;
	s17 =	sadd.s32 s4, s17;
	_ =	swait.ge [sflag:s23], $0x4000  }
0x6f: {  	s16 =	sor.u32 s16, s17;
	[sflag:s23] =	ssyncset.done $0x0  }
0x70: {  	s16 =	sshrl.u32 s16, $0x3;
	[sflag:s23] =	ssyncadd.s32 $0xFFFFC000  }
0x71: {  	[tilespmem:s26], [sflag:$0x2] =	stream.indirect.gather [hbm4b:s1+s24], $0x80, s7, s24, $0xb8;
	[tilespmem:$0x1E900] =	vst v63  }
0x72: {  	s7 =	sadd.s32 s6, s16  }
0x73: {  	[tilespmem:s28], [sflag:$0x4] =	stream.linear.gather [hbm4b:s7+s5], $0x80, $0x38;
	[tilespmem:$0x1E900] =	vst v63  }
0x74: {  	_ =	swait.ge [sflag:s29], $0x80  }
0x75: {  	[sflag:s29] =	ssyncset.done $0x0  }
0x76: {  	[sflag:s29] =	ssyncadd.s32 $0xFFFFFF80  }
0x77: {  	_ =	swait.ge [sflag:s30], $0x4000  }
0x78: {  	[sflag:s30] =	ssyncset.done $0x0  }
0x79: {  	[sflag:s30] =	ssyncadd.s32 $0xFFFFC000  }
0x7a: {  	[spmem:s3] =	stream.indirect.scatter.add.f32 [tilespmem:s22], [sflag:$0x5], $0x80, s25, s24, $0xb8;
	[tilespmem:$0x1E900] =	vst v63  }
0x7b: {  	_ =	swait.ge [sflag:s23], $0x4000  }
0x7c: {  	[sflag:s23] =	ssyncset.done $0x0  }
0x7d: {  	[sflag:s23] =	ssyncadd.s32 $0xFFFFC000  }
0x7e: {  	[tilespmem:s22], [sflag:$0x1] =	stream.indirect.gather [hbm4b:s1+s24], $0x80, s5, s24, $0xb8;
	[tilespmem:$0x1E900] =	vst v63  }
0x7f: {  	_ = 	snop  }
0x80: {  	[tilespmem:s25], [sflag:$0x3] =	stream.linear.gather [hbm4b:s14+s5], $0x80, $0x38;
	[tilespmem:$0x1E900] =	vst v63  }
0x81: {  	_ =	swait.ge [sflag:s31], $0x80  }
0x82: {  	[sflag:s31] =	ssyncset.done $0x0  }
0x83: {  	[sflag:s31] =	ssyncadd.s32 $0xFFFFFF80  }
0x84: {  	_ =	swait.ge [sflag:s2], $0x4000  }
0x85: {  	[sflag:s2] =	ssyncset.done $0x0  }
0x86: {  	[sflag:s2] =	ssyncadd.s32 $0xFFFFC000  }
0x87: {  	[spmem:s3] =	stream.indirect.scatter.add.f32 [tilespmem:s26], [sflag:$0x5], $0x80, s28, s24, $0xb8;
	[tilespmem:$0x1E900] =	vst v63  }
0x88: {  	_ =	swait.ge [sflag:s23], $0x4000  }
0x89: {  	[sflag:s23] =	ssyncset.done $0x0  }
0x8a: {  	[sflag:s23] =	ssyncadd.s32 $0xFFFFC000  }
0x8b: {  	[tilespmem:s26], [sflag:$0x2] =	stream.indirect.gather [hbm4b:s1+s24], $0x80, s24, s24, $0xb8;
	[tilespmem:$0x1E900] =	vst v63  }
0x8c: {  	_ = 	snop  }
0x8d: {  	[tilespmem:s28], [sflag:$0x4] =	stream.linear.gather [hbm4b:s15+s5], $0x80, $0x38;
	[tilespmem:$0x1E900] =	vst v63  }
0x8e: {  	_ =	swait.ge [sflag:s30], $0x4000  }
0x8f: {  	[sflag:s30] =	ssyncset.done $0x0  }
0x90: {  	[sflag:s30] =	ssyncadd.s32 $0xFFFFC000  }
0x91: {  	_ =	swait.ge [sflag:s29], $0x80  }
0x92: {  	[sflag:s29] =	ssyncset.done $0x0  }
0x93: {  	[sflag:s29] =	ssyncadd.s32 $0xFFFFFF80  }
0x94: {  	_ =	swait.ge [sflag:s2], $0x4000  }
0x95: {  	[sflag:s2] =	ssyncset.done $0x0  }
0x96: {  	[sflag:s2] =	ssyncadd.s32 $0xFFFFC000  }
0x97: {  	_ =	swait.ge [sflag:s31], $0x80  }
0x98: {  	[sflag:s31] =	ssyncset.done $0x0  }
0x99: {  	[sflag:s31] =	ssyncadd.s32 $0xFFFFFF80  }
0x9a: {  	[bflag:$0x0] =	sbarrier.arrive $0xFFFF  }
0x9b: {  	[tilespmem:s22], [sflag:$0x5] =	stream.linear.gather [spmem:s8], $0x4000, $0x38;
	[tilespmem:$0x1E900] =	vst v63  }
0x9c: {  	_ =	swait.ge [sflag:s23], $0x4000  }
0x9d: {  	[sflag:s23] =	ssyncset.done $0x0  }
0x9e: {  	s16 =	rddreg [dreg:$0x6];
	[sflag:s23] =	ssyncadd.s32 $0xFFFFC000  }
0x9f: {  	[hbm4b:s16+s5] =	stream.linear.scatter [tilespmem:s22], [sflag:$0x5], $0x4000, $0x38;
	[tilespmem:$0x1E900] =	vst v63  }
0xa0: {  	_ =	swait.ge [sflag:s23], $0x4000  }
0xa1: {  	[sflag:s23] =	ssyncset.done $0x0  }
0xa2: {  	[sflag:s23] =	ssyncadd.s32 $0xFFFFC000  }
0xa3: {  	[tilespmem:s22], [sflag:$0x5] =	stream.linear.gather [spmem:s9], $0x4000, $0x38;
	[tilespmem:$0x1E900] =	vst v63  }
0xa4: {  	_ =	swait.ge [sflag:s23], $0x4000  }
0xa5: {  	[sflag:s23] =	ssyncset.done $0x0  }
0xa6: {  	s17 =	rddreg [dreg:$0x7];
	[sflag:s23] =	ssyncadd.s32 $0xFFFFC000  }
0xa7: {  	[hbm4b:s17+s5] =	stream.linear.scatter [tilespmem:s22], [sflag:$0x5], $0x4000, $0x38;
	[tilespmem:$0x1E900] =	vst v63  }
0xa8: {  	_ =	swait.ge [sflag:s23], $0x4000  }
0xa9: {  	[sflag:s23] =	ssyncset.done $0x0  }
0xaa: {  	[sflag:s23] =	ssyncadd.s32 $0xFFFFC000  }
0xab: {  	[tilespmem:s22], [sflag:$0x5] =	stream.linear.gather [spmem:s10], $0x4000, $0x38;
	[tilespmem:$0x1E900] =	vst v63  }
0xac: {  	_ =	swait.ge [sflag:s23], $0x4000  }
0xad: {  	[sflag:s23] =	ssyncset.done $0x0  }
0xae: {  	s18 =	rddreg [dreg:$0x8];
	[sflag:s23] =	ssyncadd.s32 $0xFFFFC000  }
0xaf: {  	[hbm4b:s18+s5] =	stream.linear.scatter [tilespmem:s22], [sflag:$0x5], $0x4000, $0x38;
	[tilespmem:$0x1E900] =	vst v63  }
0xb0: {  	_ =	swait.ge [sflag:s23], $0x4000  }
0xb1: {  	[sflag:s23] =	ssyncset.done $0x0  }
0xb2: {  	[sflag:s23] =	ssyncadd.s32 $0xFFFFC000  }
0xb3: {  	[tilespmem:s22], [sflag:$0x5] =	stream.linear.gather [spmem:s11], $0x4000, $0x38;
	[tilespmem:$0x1E900] =	vst v63  }
0xb4: {  	_ =	swait.ge [sflag:s23], $0x4000  }
0xb5: {  	[sflag:s23] =	ssyncset.done $0x0  }
0xb6: {  	s19 =	rddreg [dreg:$0x9];
	[sflag:s23] =	ssyncadd.s32 $0xFFFFC000  }
0xb7: {  	[hbm4b:s19+s5] =	stream.linear.scatter [tilespmem:s22], [sflag:$0x5], $0x4000, $0x38;
	[tilespmem:$0x1E900] =	vst v63  }
0xb8: {  	_ =	swait.ge [sflag:s23], $0x4000  }
0xb9: {  	[sflag:s23] =	ssyncset.done $0x0  }
0xba: {  	[sflag:s23] =	ssyncadd.s32 $0xFFFFC000  }
0xbb: {  	[tilespmem:s22], [sflag:$0x5] =	stream.linear.gather [spmem:s12], $0x4000, $0x38;
	[tilespmem:$0x1E900] =	vst v63  }
0xbc: {  	s0 =	sadd.s32 $0x1, s0;
	_ =	swait.ge [sflag:s23], $0x4000  }
0xbd: {  	p0 =	sne.s32 s0, s21;
	[sflag:s23] =	ssyncset.done $0x0  }
.Ltmp1:
0xbe: {  	[sflag:s23] =	ssyncadd.s32 $0xFFFFC000;
	(pc) =	sbr.rel @p0 .LBB2_1-.Ltmp1, $4  }
0xbf: {  	[hbm4b:s20+s5] =	stream.linear.scatter [tilespmem:s22], [sflag:$0x5], $0x4000, $0x38;
	[tilespmem:$0x1E900] =	vst v63  }
0xc0: {  	_ =	swait.ge [sflag:s23], $0x4000  }
0xc1: {  	[sflag:s23] =	ssyncset.done $0x0  }
0xc2: {  	[sflag:s23] =	ssyncadd.s32 $0xFFFFC000  }
0xc3: {  	_ =	sfence.sel $0x180000  }
0xc4: {  	[bflag:$0x0] =	sbarrier.arrive $0xFFFF  }
0xc5: {  	_ =	strace $0x9000004A  }
0xc6: {  	s0 =	stileid.u32;
	[bflag:$0x2] =	sbarrier.arrive $0xFFFF  }
0xc7: {  	p0 =	sne.s32 s0, $0x0;
	s0 =	rddreg [dreg:$0x3]  }
0xc8: {  	s0 =	sadd.s32 @!p0 $0x100000, s0  }
0xc9: {  	[sflag:s0] =	ssyncadd.tile.s32 @!p0 $0x1;
	_ =	shalt  }
.Lfunc_end2:
_tile_overlayer_lowered:
.L_overlay_start_2:
0xca: {  	(tag) =	ssettag $0x2  }
0xcb: {  	s0 =	rddreg [dreg:$0x0];
	s2 =	stileid.u32  }
0xcc: {  	s1 =	rddreg [dreg:$0x1];
	p0 =	sne.s32 s2, $0x0  }
0xcd: {  	s3 =	rddreg [dreg:$0x2];
	[bflag:$0x3] =	sbarrier.arrive $0xFFFF;
	s2 =	simm.s32 @!p0 $0x1C05  }
0xce: {  	[timem:s3], [sflag:s2] =	dma.local @!p0 [hbm:s0], s1  }
0xcf: {  	s0 =	simm.s32 @!p0 $0x5  }
0xd0: {  	_ =	swait.ge @!p0 [sflag:s0], s1  }
0xd1: {  	s1 =	ssub.s32 @!p0 $0x0, s1;
	[sflag:s0] =	ssyncset.done @!p0 $0x0  }
0xd2: {  	[sflag:s0] =	ssyncadd.s32 @!p0 s1  }
0xd3: {  	[bflag:$0x3] =	sbarrier.arrive $0xFFFF  }
0xd4: {  	_ =	shalt  }

// kernel: kernel.14.cloned.1.call-start
scs
__scs_entry_jumppad:
0x0: {  	(pc) =	sbr.rel $0x88, $3  }
0x1: {  	(tag) =	ssettag $0x0;
	lr =	simm.s32 $0x1  }
0x2: {  	[smem:$0x3F9B] =	sst lr;
	_ =	strace $0xD0000000  }
0x3: {  	_ = 	snop  }
0x4: {  	_ = 	snop  }
0x5: {  	_ = 	snop  }
0x6: {  	_ = 	snop  }
0x7: {  	_ = 	snop  }
__scs_overlays_trampoline_lowered:
0x8: {  	[smem:$0x3FAA] =	sst s0  }
0x9: {  	[smem:$0x3FAB] =	sst s1  }
0xa: {  	[smem:$0x3FAC] =	sst s2  }
0xb: {  	[smem:$0x3FAD] =	sst s3  }
0xc: {  	[smem:$0x3FAE] =	sst s4  }
0xd: {  	[smem:$0x3FAF] =	sst s5  }
0xe: {  	[smem:$0x3FB0] =	sst s6  }
0xf: {  	[smem:$0x3FB1] =	sst s7  }
0x10: {  	[smem:$0x3FB2] =	sst s8  }
0x11: {  	[smem:$0x3FB3] =	sst s9;
	s0 =	simm.s32 @!p0 $0x0  }
0x12: {  	s1 =	sld [smem:$0x3F99];
	s0 =	simm.s32 @p0 $0x1  }
0x13: {  	[smem:$0x3FB4] =	sst s0;
	s0 =	simm.s32 @!p1 $0x0  }
0x14: {  	s2 =	sld [smem:$0x3F98];
	s0 =	simm.s32 @p1 $0x1  }
0x15: {  	[smem:$0x3FB5] =	sst s0;
	s0 =	simm.s32 @!p2 $0x0  }
0x16: {  	s3 =	sld [smem:$0x3FDB];
	s0 =	simm.s32 @p2 $0x1  }
0x17: {  	s4 =	simm.s32 $0x1BF5;
	[smem:$0x3FB7] =	sst s0  }
0x18: {  	s0 =	sld [smem:$0x3F9A];
	_ =	swait.ge [sflag:s4], $0x0  }
0x19: {  	s7 =	sld [smem:$0x3F9B]  }
0x1a: {  	s8 =	sadd.s32 $0xFFFFE003, lr  }
0x1b: {  	s9 =	sadd.s32 $0xFFFFFEF7, lr;
	s5 =	simm.s32 $0xFFFFFFFF;
	p2 =	slt.u32 s8, $0xFFFFF086  }
0x1c: {  	p1 =	slt.u32 s9, $0xF7A;
	s5 =	simm.s32 @!p2 $0x0  }
0x1d: {  	s5 =	simm.s32 @p1 $0x1;
	p0 =	seq.s32 s7, s2  }
0x1e: {  	s7 =	smul.u32 @!p0 $0xF7A, s2;
	p2 =	seq.s32 @!p0 s5, $0x0  }
0x1f: {  	s9 =	smul.u32 $0xF7A, s1;
	s8 =	simm.s32 @!p0 $0x1BF5;
	p2 =	por !p2, p0  }
0x20: {  	[sflag:s8] =	ssyncset.s32 @!p0 $0xFFFFF086;
	s6 =	sadd.s32 @!p0 s3, s7;
	s7 =	simm.s32 @!p0 $0x108  }
0x21: {  	s3 =	sadd.s32 s3, s9;
	s6 =	sadd.s32 @!p0 $0x88, s6;
	s7 =	simm.s32 @p2 $0x1082  }
0x22: {  	[simem:s7], [sflag:s8] =	dma.local @!p0 [hbm:s6], $0xF7A  }
0x23: {  	s9 =	sor.u32 $0xD0000000, s2;
	s6 =	simm.s32 $0x108;
	_ =	swait.ge @!p0 [sflag:s8], $0x0  }
0x24: {  	s3 =	sadd.s32 $0x88, s3;
	s6 =	simm.s32 @!p1 $0x1082;
	[sflag:s4] =	ssyncset.s32 $0xFFFFF086  }
0x25: {  	[simem:s6], [sflag:s4] =	dma.local [hbm:s3], $0xF7A  }
0x26: {  	[smem:$0x3F9B] =	sst s1;
	(tag) =	ssettag s2;
	_ =	strace s9  }
0x27: {  	s1 =	sld [smem:$0x3FAB]  }
0x28: {  	s2 =	sld [smem:$0x3FAC]  }
0x29: {  	s4 =	sld [smem:$0x3FAE]  }
0x2a: {  	p0 =	seq.s32 s5, $0x0;
	s5 =	sld [smem:$0x3FAF]  }
0x2b: {  	s6 =	sld [smem:$0x3FB0]  }
0x2c: {  	s7 =	sld [smem:$0x3FB1]  }
0x2d: {  	s3 =	simm.s32 $0x108;
	s8 =	sld [smem:$0x3FB2]  }
0x2e: {  	s3 =	simm.s32 @!p0 $0x1082;
	s9 =	sld [smem:$0x3FB3]  }
0x2f: {  	lr =	sadd.s32 s0, s3;
	s0 =	sld [smem:$0x3FAA]  }
0x30: {  	s3 =	sld [smem:$0x3FAD]  }
0x31: {  	[smem:$0x3FB6] =	sst s10  }
0x32: {  	s10 =	sld [smem:$0x3FB4];
	_ =	sdelay $0x3  }
0x33: {  	p0 =	seq.s32 s10, $0x1;
	s10 =	sld [smem:$0x3FB6];
	_ =	sdelay $0x3  }
0x34: {  	[smem:$0x3FB6] =	sst s10  }
0x35: {  	s10 =	sld [smem:$0x3FB5];
	_ =	sdelay $0x3  }
0x36: {  	p1 =	seq.s32 s10, $0x1;
	s10 =	sld [smem:$0x3FB6];
	_ =	sdelay $0x3  }
0x37: {  	[smem:$0x3FB6] =	sst s10  }
0x38: {  	s10 =	sld [smem:$0x3FB7]  }
0x39: {  	_ = 	snop;
	(pc) =	sbr.ind lr, $3  }
0x3a: {  	_ = 	snop  }
0x3b: {  	_ = 	snop  }
0x3c: {  	p2 =	seq.s32 s10, $0x1;
	s10 =	sld [smem:$0x3FB6]  }
0x3d: {  	_ =	shalt  }
0x3e: {  	_ =	shalt  }
0x3f: {  	_ =	shalt  }
0x40: {  	_ =	shalt  }
0x41: {  	_ =	shalt  }
0x42: {  	_ =	shalt  }
0x43: {  	_ =	shalt  }
0x44: {  	_ =	shalt  }
0x45: {  	_ =	shalt  }
0x46: {  	_ =	shalt  }
0x47: {  	_ =	shalt  }
0x48: {  	_ =	shalt  }
0x49: {  	_ =	shalt  }
0x4a: {  	_ =	shalt  }
0x4b: {  	_ =	shalt  }
0x4c: {  	_ =	shalt  }
0x4d: {  	_ =	shalt  }
0x4e: {  	_ =	shalt  }
0x4f: {  	_ =	shalt  }
0x50: {  	_ =	shalt  }
0x51: {  	_ =	shalt  }
0x52: {  	_ =	shalt  }
0x53: {  	_ =	shalt  }
0x54: {  	_ =	shalt  }
0x55: {  	_ =	shalt  }
0x56: {  	_ =	shalt  }
0x57: {  	_ =	shalt  }
0x58: {  	_ =	shalt  }
0x59: {  	_ =	shalt  }
0x5a: {  	_ =	shalt  }
0x5b: {  	_ =	shalt  }
0x5c: {  	_ =	shalt  }
0x5d: {  	_ =	shalt  }
0x5e: {  	_ =	shalt  }
0x5f: {  	_ =	shalt  }
0x60: {  	_ =	shalt  }
0x61: {  	_ =	shalt  }
0x62: {  	_ =	shalt  }
0x63: {  	_ =	shalt  }
0x64: {  	_ =	shalt  }
0x65: {  	_ =	shalt  }
0x66: {  	_ =	shalt  }
0x67: {  	_ =	shalt  }
0x68: {  	_ =	shalt  }
0x69: {  	_ =	shalt  }
0x6a: {  	_ =	shalt  }
0x6b: {  	_ =	shalt  }
0x6c: {  	_ =	shalt  }
0x6d: {  	_ =	shalt  }
0x6e: {  	_ =	shalt  }
0x6f: {  	_ =	shalt  }
0x70: {  	_ =	shalt  }
0x71: {  	_ =	shalt  }
0x72: {  	_ =	shalt  }
0x73: {  	_ =	shalt  }
0x74: {  	_ =	shalt  }
0x75: {  	_ =	shalt  }
0x76: {  	_ =	shalt  }
0x77: {  	_ =	shalt  }
0x78: {  	_ =	shalt  }
0x79: {  	_ =	shalt  }
0x7a: {  	_ =	shalt  }
0x7b: {  	_ =	shalt  }
0x7c: {  	_ =	shalt  }
0x7d: {  	_ =	shalt  }
0x7e: {  	_ =	shalt  }
0x7f: {  	_ =	shalt  }
0x80: {  	_ =	shalt  }
0x81: {  	_ =	shalt  }
0x82: {  	_ =	shalt  }
0x83: {  	_ =	shalt  }
0x84: {  	_ =	shalt  }
0x85: {  	_ =	shalt  }
0x86: {  	_ =	shalt  }
0x87: {  	_ =	shalt  }
.Lfunc_end0:
.L_simem_size_0:
called_computation.2_lowered:
.L_overlay_start_0:
0x88: {  	s2 =	sld [smem:$0x3FD9]  }
0x89: {  	s3 =	sld [smem:$0x3FFE];
	_ =	sdelay $0x1  }
0x8a: {  	s1 =	srdreg.scid  }
0x8b: {  	s0 =	sand.u32 $0x1, s1  }
0x8c: {  	s17 =	sshll.u32 s0, $0xA;
	s2 =	sadd.s32 s3, s2  }
0x8d: {  	s2 =	sadd.s32 s2, s17  }
0x8e: {  	[smem:$0x3FC2] =	sst s2  }
0x8f: {  	_ = 	snop  }
0x90: {  	s2 =	sld [smem:$0x3FD0];
	(tm) =	ssettm $0x1  }
0x91: {  	s18 =	sld [smem:$0x3FFB];
	_ =	sdelay $0x3  }
0x92: {  	_ =	strace s18  }
0x93: {  	s3 =	sld [smem:$0x3FFC];
	_ =	sdelay $0x3  }
0x94: {  	_ =	strace s3  }
0x95: {  	s3 =	sld [smem:$0x3FFD];
	_ =	sdelay $0x3  }
0x96: {  	_ =	strace s3  }
0x97: {  	_ =	strace $0x8FFFFFFF  }
0x98: {  	s19 =	sld [smem:$0x3FDB];
	_ =	sdelay $0x1  }
0x99: {  	s4 =	simm.s32 $_scs_section_size  }
0x9a: {  	s5 =	simm.s32 $_size__tile_overlayer_lowered;
	s6 =	simm.s32 $_tile_overlayer_lowered  }
0x9b: {  	s22 =	simm.s32 $0x1BFF;
	s21 =	sshll.u32 s6, $0x1;
	s3 =	sadd.s32 s4, s19  }
0x9c: {  	s7 =	simm.s32 $0x0;
	s20 =	sshll.u32 s5, $0x1;
	s5 =	sadd.s32 s21, s3  }
0x9d: {  	[timem:s7], [sflag:s22] =	dma.local [hbm:s5], s20  }
0x9e: {  	_ =	swait.ge [sflag:s22], s20  }
0x9f: {  	s4 =	ssub.s32 $0x0, s20;
	[sflag:s22] =	ssyncset.done $0x0  }
0xa0: {  	[sflag:s22] =	ssyncadd.s32 s4;
	_ =	sdelay $0x1  }
0xa1: {  	s23 =	simm.s32 $0x1B8B  }
0xa2: {  	_ =	swait.ge [sflag:s23], $0x1  }
0xa3: {  	[sflag:s23] =	ssyncset.done $0x0  }
0xa4: {  	s25 =	simm.s32 $0x1B8E;
	s24 =	sld [smem:$0x3FFE];
	[sflag:s23] =	ssyncadd.s32 $0xFFFFFFFF  }
0xa5: {  	s26 =	simm.s32 $execute0_lowered;
	[smem:$0x3FD2] =	sst s25  }
0xa6: {  	s5 =	sshll.u32 s26, $0x1;
	_ =	strace $0x8000004C;
	[dreg:$0x1] =	wrdreg $0xFFFFFFFF  }
0xa7: {  	s28 =	simm.s32 $_size_execute0_lowered;
	s3 =	sadd.s32 s3, s5;
	[dreg:$0x0] =	wrdreg $0x0  }
0xa8: {  	s5 =	sshll.u32 s28, $0x1;
	[dreg:$0x2] =	wrdreg s3  }
0xa9: {  	[dreg:$0x3] =	wrdreg s5  }
0xaa: {  	[dreg:$0x4] =	wrdreg $0xC0  }
0xab: {  	_ =	task [dreg:s7], $0x5FFFF  }
0xac: {  	[dreg:$0x1] =	wrdreg $0xFFFFFFFF  }
0xad: {  	[dreg:$0x0] =	wrdreg $0x60  }
0xae: {  	[dreg:$0x2] =	wrdreg s2  }
0xaf: {  	[dreg:$0x3] =	wrdreg s24  }
0xb0: {  	[dreg:$0x4] =	wrdreg $0xA9000  }
0xb1: {  	[dreg:$0x5] =	wrdreg $0x9  }
0xb2: {  	_ =	task.clear_ibuf [dreg:s7], $0x6FFFF;
	_ =	strace $0x9000004C  }
0xb3: {  	s29 =	simm.s32 $0x9;
	_ =	strace $0x8000004E  }
0xb4: {  	_ =	swait.ge [sflag:s29], $0x1  }
0xb5: {  	[sflag:s29] =	ssyncadd.s32 $0xFFFFFFFF  }
0xb6: {  	_ =	strace $0x9000004E  }
0xb7: {  	_ =	sfence  }
0xb8: {  	s30 =	sld [smem:$0x0];
	_ =	sdelay $0x2  }
0xb9: {  	s31 =	sshll.u32 s1, $0xD;
	s1 =	sshrl.u32 s1, $0x2  }
0xba: {  	s3 =	sand.u32 $0x4000, s31;
	s1 =	sadd.s32 s1, s30  }
0xbb: {  	s0 =	sor.u32 s3, s0;
	s1 =	sshll.u32 s1, $0x11  }
0xbc: {  	s0 =	sor.u32 s1, s0  }
0xbd: {  	s0 =	sadd.s32 $0x8F2B, s0  }
0xbe: {  	[sflag:s0] =	ssyncadd.remote.s32 $0x1  }
0xbf: {  	_ =	sfence.sel $0xFFFF  }
0xc0: {  	[dreg:$0x0] =	wrdreg $0xFFFFFFFF;
	(pc) =	sbr.abs _section_cstart, $3  }
0xc1: {  	[dreg:$0x1] =	wrdreg $0xFFFFFFFF  }
0xc2: {  	_ =	task.clear_ibuf [dreg:s7], $0x2FFFF;
	_ =	strace $0x9FFFFFFF  }
0xc3: {  	(tm) =	ssettm $0x7FFFFFFF  }
tec
execute0_lowered:
.L_overlay_start_1:
0x0: {  	(tag) =	ssettag $0x1  }
0x1: {  	s1 =	rddreg [dreg:$0x0]  }
0x2: {  	s0 =	srdreg.scid;
	s7 =	rddreg [dreg:$0x1]  }
0x3: {  	s10 =	stileid.u32;
	s3 =	rddreg [dreg:$0x2];
	s5 =	simm.s32 $0x0  }
0x4: {  	s28 =	simm.s32 $0x2880;
	s29 =	simm.s32 $0x3;
	s30 =	simm.s32 $0x1  }
0x5: {  	s31 =	simm.s32 $0x4;
	s0 =	sand.u32 $0x1, s0;
	s8 =	smul.u32 $0x50000, s10  }
0x6: {  	[smem:$0x7FF] =	sst s5;
	s6 =	sadd.s32 $0x2800, s7;
	s14 =	smul.u32 $0x14000, s10  }
0x7: {  	s15 =	sadd.s32 $0x16C00, s7;
	s2 =	sshll.u32 s0, $0x4;
	_ =	strace $0x8000004D  }
0x8: {  	s9 =	ssub.s32 $0x2, s0;
	[dreg:$0x4] =	wrdreg s15;
	s0 =	smul.u32 $0x140000, s0  }
0x9: {  	s2 =	sor.u32 s10, s2;
	s16 =	sshrl.u32 s9, $0x1;
	s8 =	sshrl.u32 s8, $0x2  }
0xa: {  	s15 =	sadd.s32 $0x4000, s14;
	s18 =	sadd.s32 $0x8000, s14;
	s19 =	sadd.s32 $0xC000, s14  }
0xb: {  	s20 =	sadd.s32 $0x10000, s14;
	s4 =	smul.u32 $0x2800, s2;
	s16 =	ssub.s32 s9, s16  }
0xc: {  	s8 =	sadd.s32 s8, s3;
	s9 =	sadd.s32 s15, s3;
	s10 =	sadd.s32 s18, s3  }
0xd: {  	s11 =	sadd.s32 s19, s3;
	s12 =	sadd.s32 s20, s3;
	s17 =	sadd.s32 s14, s0  }
0xe: {  	s15 =	sadd.s32 s0, s15;
	s24 =	sadd.s32 s0, s18;
	s25 =	sadd.s32 s0, s19  }
0xf: {  	s0 =	sadd.s32 s0, s20;
	s21 =	sshrl.u32 s17, $0x3;
	s2 =	sshrl.u32 s4, $0x3  }
0x10: {  	s22 =	sshrl.u32 s15, $0x3;
	s0 =	sshrl.u32 s0, $0x3;
	s13 =	sadd.s32 s2, s7  }
0x11: {  	s7 =	sadd.s32 $0x17400, s7;
	s14 =	sadd.s32 s6, s2;
	s13 =	sadd.s32 $0xCC00, s13  }
0x12: {  	s15 =	sadd.s32 $0x10, s14;
	s2 =	sadd.s32 s7, s21;
	s23 =	sadd.s32 s7, s22  }
0x13: {  	s20 =	sadd.s32 s7, s0;
	s21 =	smax.u32 s16, $0x1;
	[dreg:$0x5] =	wrdreg s13  }
0x14: {  	s22 =	simm.s32 $0x2900;
	s0 =	simm.s32 $0x0;
	[dreg:$0x6] =	wrdreg s2  }
0x15: {  	[dreg:$0x7] =	wrdreg s23;
	s2 =	sshrl.u32 s24, $0x3;
	s13 =	sshrl.u32 s25, $0x3  }
0x16: {  	s23 =	simm.s32 $0x5;
	s24 =	simm.s32 $0x80;
	s2 =	sadd.s32 s7, s2  }
0x17: {  	s25 =	simm.s32 $0x2800;
	s26 =	sadd.s32 s7, s13;
	[dreg:$0x8] =	wrdreg s2  }
0x18: {  	[dreg:$0x9] =	wrdreg s26;
	s26 =	simm.s32 $0x6900;
	s2 =	simm.s32 $0x2  }
.LBB2_1:
0x19: {  	s7 =	rddreg [dreg:$0x4]  }
0x1a: {  	[tilespmem:s22], [sflag:$0x5] =	stream.linear.gather [hbm4b:s7+s5], $0x4000, $0x38;
	[tilespmem:$0x1E900] =	vst v63  }
0x1b: {  	_ =	swait.ge [sflag:s23], $0x4000  }
0x1c: {  	[sflag:s23] =	ssyncset.done $0x0  }
0x1d: {  	[sflag:s23] =	ssyncadd.s32 $0xFFFFC000  }
0x1e: {  	[spmem:s8] =	stream.linear.scatter [tilespmem:s22], [sflag:$0x5], $0x4000, $0x38;
	[tilespmem:$0x1E900] =	vst v63  }
0x1f: {  	_ =	swait.ge [sflag:s23], $0x4000  }
0x20: {  	[sflag:s23] =	ssyncset.done $0x0  }
0x21: {  	[sflag:s23] =	ssyncadd.s32 $0xFFFFC000  }
0x22: {  	[spmem:s9] =	stream.linear.scatter [tilespmem:s22], [sflag:$0x5], $0x4000, $0x38;
	[tilespmem:$0x1E900] =	vst v63  }
0x23: {  	_ =	swait.ge [sflag:s23], $0x4000  }
0x24: {  	[sflag:s23] =	ssyncset.done $0x0  }
0x25: {  	[sflag:s23] =	ssyncadd.s32 $0xFFFFC000  }
0x26: {  	[spmem:s10] =	stream.linear.scatter [tilespmem:s22], [sflag:$0x5], $0x4000, $0x38;
	[tilespmem:$0x1E900] =	vst v63  }
0x27: {  	_ =	swait.ge [sflag:s23], $0x4000  }
0x28: {  	[sflag:s23] =	ssyncset.done $0x0  }
0x29: {  	[sflag:s23] =	ssyncadd.s32 $0xFFFFC000  }
0x2a: {  	[spmem:s11] =	stream.linear.scatter [tilespmem:s22], [sflag:$0x5], $0x4000, $0x38;
	[tilespmem:$0x1E900] =	vst v63  }
0x2b: {  	_ =	swait.ge [sflag:s23], $0x4000  }
0x2c: {  	[sflag:s23] =	ssyncset.done $0x0  }
0x2d: {  	[sflag:s23] =	ssyncadd.s32 $0xFFFFC000  }
0x2e: {  	[spmem:s12] =	stream.linear.scatter [tilespmem:s22], [sflag:$0x5], $0x4000, $0x38;
	[tilespmem:$0x1E900] =	vst v63  }
0x2f: {  	_ =	swait.ge [sflag:s23], $0x4000  }
0x30: {  	[sflag:s23] =	ssyncset.done $0x0  }
0x31: {  	s16 =	rddreg [dreg:$0x5];
	[sflag:s23] =	ssyncadd.s32 $0xFFFFC000  }
0x32: {  	[tilespmem:s5], [sflag:$0x5] =	stream.linear.gather [hbm4b:s16+s5], $0x2800, $0x38;
	[tilespmem:$0x1E900] =	vst v63  }
0x33: {  	_ =	swait.ge [sflag:s23], $0x2800  }
0x34: {  	[sflag:s23] =	ssyncset.done $0x0  }
0x35: {  	[sflag:s23] =	ssyncadd.s32 $0xFFFFD800  }
0x36: {  	[bflag:$0x0] =	sbarrier.arrive $0xFFFF  }
0x37: {  	[tilespmem:s22], [sflag:$0x1] =	stream.indirect.gather [hbm4b:s1+s24], $0x80, s5, s24, $0xb8;
	[tilespmem:$0x1E900] =	vst v63  }
0x38: {  	_ = 	snop  }
0x39: {  	[tilespmem:s25], [sflag:$0x3] =	stream.linear.gather [hbm4b:s14+s5], $0x80, $0x38;
	[tilespmem:$0x1E900] =	vst v63  }
0x3a: {  	_ = 	snop  }
0x3b: {  	[tilespmem:s26], [sflag:$0x2] =	stream.indirect.gather [hbm4b:s1+s24], $0x80, s24, s24, $0xb8;
	[tilespmem:$0x1E900] =	vst v63  }
0x3c: {  	_ = 	snop  }
0x3d: {  	[tilespmem:s28], [sflag:$0x4] =	stream.linear.gather [hbm4b:s15+s5], $0x80, $0x38;
	[tilespmem:$0x1E900] =	vst v63  }
0x3e: {  	_ =	swait.ge [sflag:s29], $0x80  }
0x3f: {  	[sflag:s29] =	ssyncset.done $0x0  }
0x40: {  	[sflag:s29] =	ssyncadd.s32 $0xFFFFFF80  }
0x41: {  	_ =	swait.ge [sflag:s30], $0x4000  }
0x42: {  	s17 =	simm.s32 $0x100;
	[sflag:s30] =	ssyncset.done $0x0  }
0x43: {  	s13 =	sand.u32 $0x3C00, s17;
	[sflag:s30] =	ssyncadd.s32 $0xFFFFC000  }
0x44: {  	[spmem:s3] =	stream.indirect.scatter.add.f32 [tilespmem:s22], [sflag:$0x5], $0x80, s25, s24, $0xb8;
	[tilespmem:$0x1E900] =	vst v63  }
0x45: {  	s7 =	sand.u32 $0x300, s17;
	s13 =	sadd.s32 s4, s13;
	_ =	swait.ge [sflag:s23], $0x4000  }
0x46: {  	s7 =	sor.u32 s7, s13;
	[sflag:s23] =	ssyncset.done $0x0  }
0x47: {  	s7 =	sshrl.u32 s7, $0x3;
	s16 =	simm.s32 $0x100;
	[sflag:s23] =	ssyncadd.s32 $0xFFFFC000  }
0x48: {  	[tilespmem:s22], [sflag:$0x1] =	stream.indirect.gather [hbm4b:s1+s24], $0x80, s16, s24, $0xb8;
	[tilespmem:$0x1E900] =	vst v63  }
0x49: {  	s7 =	sadd.s32 s6, s7  }
0x4a: {  	[tilespmem:s25], [sflag:$0x3] =	stream.linear.gather [hbm4b:s7+s5], $0x80, $0x38;
	[tilespmem:$0x1E900] =	vst v63  }
0x4b: {  	_ =	swait.ge [sflag:s31], $0x80  }
0x4c: {  	[sflag:s31] =	ssyncset.done $0x0  }
0x4d: {  	[sflag:s31] =	ssyncadd.s32 $0xFFFFFF80  }
0x4e: {  	_ =	swait.ge [sflag:s2], $0x4000  }
0x4f: {  	s7 =	simm.s32 $0x180;
	[sflag:s2] =	ssyncset.done $0x0  }
0x50: {  	s18 =	sand.u32 $0x3C00, s7;
	[sflag:s2] =	ssyncadd.s32 $0xFFFFC000  }
0x51: {  	[spmem:s3] =	stream.indirect.scatter.add.f32 [tilespmem:s26], [sflag:$0x5], $0x80, s28, s24, $0xb8;
	[tilespmem:$0x1E900] =	vst v63  }
0x52: {  	s19 =	sand.u32 $0x380, s7;
	s13 =	sadd.s32 s4, s18;
	_ =	swait.ge [sflag:s23], $0x4000  }
0x53: {  	s16 =	sor.u32 s19, s13;
	[sflag:s23] =	ssyncset.done $0x0  }
0x54: {  	s13 =	simm.s32 $0x280;
	s16 =	sshrl.u32 s16, $0x3;
	[sflag:s23] =	ssyncadd.s32 $0xFFFFC000  }
0x55: {  	[tilespmem:s26], [sflag:$0x2] =	stream.indirect.gather [hbm4b:s1+s24], $0x80, s7, s24, $0xb8;
	[tilespmem:$0x1E900] =	vst v63  }
.LBB2_2:
0x56: {  	p0 =	sne.s32 s13, $0x2780;
	s16 =	sadd.s32 s6, s16;
	s7 =	sadd.s32 $0x100, s7  }
0x57: {  	[tilespmem:s28], [sflag:$0x4] =	stream.linear.gather [hbm4b:s16+s5], $0x80, $0x38;
	[tilespmem:$0x1E900] =	vst v63  }
0x58: {  	s16 =	smov.u32 s13;
	s13 =	sadd.s32 $0x100, s13;
	_ =	swait.ge [sflag:s29], $0x80  }
0x59: {  	[sflag:s29] =	ssyncset.done $0x0  }
0x5a: {  	[sflag:s29] =	ssyncadd.s32 $0xFFFFFF80  }
0x5b: {  	_ =	swait.ge [sflag:s30], $0x4000  }
0x5c: {  	[sflag:s30] =	ssyncset.done $0x0  }
0x5d: {  	s17 =	sadd.s32 $0xFFFFFF80, s16;
	[sflag:s30] =	ssyncadd.s32 $0xFFFFC000  }
0x5e: {  	[spmem:s3] =	stream.indirect.scatter.add.f32 [tilespmem:s22], [sflag:$0x5], $0x80, s25, s24, $0xb8;
	[tilespmem:$0x1E900] =	vst v63  }
0x5f: {  	s18 =	sand.u32 $0x3C00, s17;
	_ =	swait.ge [sflag:s23], $0x4000  }
0x60: {  	s17 =	sand.u32 $0x300, s17;
	s18 =	sadd.s32 s4, s18;
	[sflag:s23] =	ssyncset.done $0x0  }
0x61: {  	s19 =	sadd.s32 $0xFFFFFF80, s7;
	s17 =	sor.u32 s17, s18;
	[sflag:s23] =	ssyncadd.s32 $0xFFFFC000  }
0x62: {  	[tilespmem:s22], [sflag:$0x1] =	stream.indirect.gather [hbm4b:s1+s24], $0x80, s19, s24, $0xb8;
	[tilespmem:$0x1E900] =	vst v63  }
0x63: {  	s17 =	sshrl.u32 s17, $0x3  }
0x64: {  	s17 =	sadd.s32 s6, s17  }
0x65: {  	[tilespmem:s25], [sflag:$0x3] =	stream.linear.gather [hbm4b:s17+s5], $0x80, $0x38;
	[tilespmem:$0x1E900] =	vst v63  }
0x66: {  	_ =	swait.ge [sflag:s31], $0x80  }
0x67: {  	[sflag:s31] =	ssyncset.done $0x0  }
0x68: {  	[sflag:s31] =	ssyncadd.s32 $0xFFFFFF80  }
0x69: {  	_ =	swait.ge [sflag:s2], $0x4000  }
0x6a: {  	[sflag:s2] =	ssyncset.done $0x0  }
0x6b: {  	s17 =	sand.u32 $0x3C00, s16;
	[sflag:s2] =	ssyncadd.s32 $0xFFFFC000  }
0x6c: {  	[spmem:s3] =	stream.indirect.scatter.add.f32 [tilespmem:s26], [sflag:$0x5], $0x80, s28, s24, $0xb8;
	[tilespmem:$0x1E900] =	vst v63  }
.Ltmp0:
0x6d: {  	_ = 	snop;
	(pc) =	sbr.rel @p0 .LBB2_2-.Ltmp0, $4  }
0x6e: {  	s16 =	sand.u32 $0x380, s16;
	s17 =	sadd.s32 s4, s17;
	_ =	swait.ge [sflag:s23], $0x4000  }
0x6f: {  	s16 =	sor.u32 s16, s17;
	[sflag:s23] =	ssyncset.done $0x0  }
0x70: {  	s16 =	sshrl.u32 s16, $0x3;
	[sflag:s23] =	ssyncadd.s32 $0xFFFFC000  }
0x71: {  	[tilespmem:s26], [sflag:$0x2] =	stream.indirect.gather [hbm4b:s1+s24], $0x80, s7, s24, $0xb8;
	[tilespmem:$0x1E900] =	vst v63  }
0x72: {  	s7 =	sadd.s32 s6, s16  }
0x73: {  	[tilespmem:s28], [sflag:$0x4] =	stream.linear.gather [hbm4b:s7+s5], $0x80, $0x38;
	[tilespmem:$0x1E900] =	vst v63  }
0x74: {  	_ =	swait.ge [sflag:s29], $0x80  }
0x75: {  	[sflag:s29] =	ssyncset.done $0x0  }
0x76: {  	[sflag:s29] =	ssyncadd.s32 $0xFFFFFF80  }
0x77: {  	_ =	swait.ge [sflag:s30], $0x4000  }
0x78: {  	[sflag:s30] =	ssyncset.done $0x0  }
0x79: {  	[sflag:s30] =	ssyncadd.s32 $0xFFFFC000  }
0x7a: {  	[spmem:s3] =	stream.indirect.scatter.add.f32 [tilespmem:s22], [sflag:$0x5], $0x80, s25, s24, $0xb8;
	[tilespmem:$0x1E900] =	vst v63  }
0x7b: {  	_ =	swait.ge [sflag:s23], $0x4000  }
0x7c: {  	[sflag:s23] =	ssyncset.done $0x0  }
0x7d: {  	[sflag:s23] =	ssyncadd.s32 $0xFFFFC000  }
0x7e: {  	[tilespmem:s22], [sflag:$0x1] =	stream.indirect.gather [hbm4b:s1+s24], $0x80, s5, s24, $0xb8;
	[tilespmem:$0x1E900] =	vst v63  }
0x7f: {  	_ = 	snop  }
0x80: {  	[tilespmem:s25], [sflag:$0x3] =	stream.linear.gather [hbm4b:s14+s5], $0x80, $0x38;
	[tilespmem:$0x1E900] =	vst v63  }
0x81: {  	_ =	swait.ge [sflag:s31], $0x80  }
0x82: {  	[sflag:s31] =	ssyncset.done $0x0  }
0x83: {  	[sflag:s31] =	ssyncadd.s32 $0xFFFFFF80  }
0x84: {  	_ =	swait.ge [sflag:s2], $0x4000  }
0x85: {  	[sflag:s2] =	ssyncset.done $0x0  }
0x86: {  	[sflag:s2] =	ssyncadd.s32 $0xFFFFC000  }
0x87: {  	[spmem:s3] =	stream.indirect.scatter.add.f32 [tilespmem:s26], [sflag:$0x5], $0x80, s28, s24, $0xb8;
	[tilespmem:$0x1E900] =	vst v63  }
0x88: {  	_ =	swait.ge [sflag:s23], $0x4000  }
0x89: {  	[sflag:s23] =	ssyncset.done $0x0  }
0x8a: {  	[sflag:s23] =	ssyncadd.s32 $0xFFFFC000  }
0x8b: {  	[tilespmem:s26], [sflag:$0x2] =	stream.indirect.gather [hbm4b:s1+s24], $0x80, s24, s24, $0xb8;
	[tilespmem:$0x1E900] =	vst v63  }
0x8c: {  	_ = 	snop  }
0x8d: {  	[tilespmem:s28], [sflag:$0x4] =	stream.linear.gather [hbm4b:s15+s5], $0x80, $0x38;
	[tilespmem:$0x1E900] =	vst v63  }
0x8e: {  	_ =	swait.ge [sflag:s30], $0x4000  }
0x8f: {  	[sflag:s30] =	ssyncset.done $0x0  }
0x90: {  	[sflag:s30] =	ssyncadd.s32 $0xFFFFC000  }
0x91: {  	_ =	swait.ge [sflag:s29], $0x80  }
0x92: {  	[sflag:s29] =	ssyncset.done $0x0  }
0x93: {  	[sflag:s29] =	ssyncadd.s32 $0xFFFFFF80  }
0x94: {  	_ =	swait.ge [sflag:s2], $0x4000  }
0x95: {  	[sflag:s2] =	ssyncset.done $0x0  }
0x96: {  	[sflag:s2] =	ssyncadd.s32 $0xFFFFC000  }
0x97: {  	_ =	swait.ge [sflag:s31], $0x80  }
0x98: {  	[sflag:s31] =	ssyncset.done $0x0  }
0x99: {  	[sflag:s31] =	ssyncadd.s32 $0xFFFFFF80  }
0x9a: {  	[bflag:$0x0] =	sbarrier.arrive $0xFFFF  }
0x9b: {  	[tilespmem:s22], [sflag:$0x5] =	stream.linear.gather [spmem:s8], $0x4000, $0x38;
	[tilespmem:$0x1E900] =	vst v63  }
0x9c: {  	_ =	swait.ge [sflag:s23], $0x4000  }
0x9d: {  	[sflag:s23] =	ssyncset.done $0x0  }
0x9e: {  	s16 =	rddreg [dreg:$0x6];
	[sflag:s23] =	ssyncadd.s32 $0xFFFFC000  }
0x9f: {  	[hbm4b:s16+s5] =	stream.linear.scatter [tilespmem:s22], [sflag:$0x5], $0x4000, $0x38;
	[tilespmem:$0x1E900] =	vst v63  }
0xa0: {  	_ =	swait.ge [sflag:s23], $0x4000  }
0xa1: {  	[sflag:s23] =	ssyncset.done $0x0  }
0xa2: {  	[sflag:s23] =	ssyncadd.s32 $0xFFFFC000  }
0xa3: {  	[tilespmem:s22], [sflag:$0x5] =	stream.linear.gather [spmem:s9], $0x4000, $0x38;
	[tilespmem:$0x1E900] =	vst v63  }
0xa4: {  	_ =	swait.ge [sflag:s23], $0x4000  }
0xa5: {  	[sflag:s23] =	ssyncset.done $0x0  }
0xa6: {  	s17 =	rddreg [dreg:$0x7];
	[sflag:s23] =	ssyncadd.s32 $0xFFFFC000  }
0xa7: {  	[hbm4b:s17+s5] =	stream.linear.scatter [tilespmem:s22], [sflag:$0x5], $0x4000, $0x38;
	[tilespmem:$0x1E900] =	vst v63  }
0xa8: {  	_ =	swait.ge [sflag:s23], $0x4000  }
0xa9: {  	[sflag:s23] =	ssyncset.done $0x0  }
0xaa: {  	[sflag:s23] =	ssyncadd.s32 $0xFFFFC000  }
0xab: {  	[tilespmem:s22], [sflag:$0x5] =	stream.linear.gather [spmem:s10], $0x4000, $0x38;
	[tilespmem:$0x1E900] =	vst v63  }
0xac: {  	_ =	swait.ge [sflag:s23], $0x4000  }
0xad: {  	[sflag:s23] =	ssyncset.done $0x0  }
0xae: {  	s18 =	rddreg [dreg:$0x8];
	[sflag:s23] =	ssyncadd.s32 $0xFFFFC000  }
0xaf: {  	[hbm4b:s18+s5] =	stream.linear.scatter [tilespmem:s22], [sflag:$0x5], $0x4000, $0x38;
	[tilespmem:$0x1E900] =	vst v63  }
0xb0: {  	_ =	swait.ge [sflag:s23], $0x4000  }
0xb1: {  	[sflag:s23] =	ssyncset.done $0x0  }
0xb2: {  	[sflag:s23] =	ssyncadd.s32 $0xFFFFC000  }
0xb3: {  	[tilespmem:s22], [sflag:$0x5] =	stream.linear.gather [spmem:s11], $0x4000, $0x38;
	[tilespmem:$0x1E900] =	vst v63  }
0xb4: {  	_ =	swait.ge [sflag:s23], $0x4000  }
0xb5: {  	[sflag:s23] =	ssyncset.done $0x0  }
0xb6: {  	s19 =	rddreg [dreg:$0x9];
	[sflag:s23] =	ssyncadd.s32 $0xFFFFC000  }
0xb7: {  	[hbm4b:s19+s5] =	stream.linear.scatter [tilespmem:s22], [sflag:$0x5], $0x4000, $0x38;
	[tilespmem:$0x1E900] =	vst v63  }
0xb8: {  	_ =	swait.ge [sflag:s23], $0x4000  }
0xb9: {  	[sflag:s23] =	ssyncset.done $0x0  }
0xba: {  	[sflag:s23] =	ssyncadd.s32 $0xFFFFC000  }
0xbb: {  	[tilespmem:s22], [sflag:$0x5] =	stream.linear.gather [spmem:s12], $0x4000, $0x38;
	[tilespmem:$0x1E900] =	vst v63  }
0xbc: {  	s0 =	sadd.s32 $0x1, s0;
	_ =	swait.ge [sflag:s23], $0x4000  }
0xbd: {  	p0 =	sne.s32 s0, s21;
	[sflag:s23] =	ssyncset.done $0x0  }
.Ltmp1:
0xbe: {  	[sflag:s23] =	ssyncadd.s32 $0xFFFFC000;
	(pc) =	sbr.rel @p0 .LBB2_1-.Ltmp1, $4  }
0xbf: {  	[hbm4b:s20+s5] =	stream.linear.scatter [tilespmem:s22], [sflag:$0x5], $0x4000, $0x38;
	[tilespmem:$0x1E900] =	vst v63  }
0xc0: {  	_ =	swait.ge [sflag:s23], $0x4000  }
0xc1: {  	[sflag:s23] =	ssyncset.done $0x0  }
0xc2: {  	[sflag:s23] =	ssyncadd.s32 $0xFFFFC000  }
0xc3: {  	_ =	sfence.sel $0x180000  }
0xc4: {  	[bflag:$0x0] =	sbarrier.arrive $0xFFFF  }
0xc5: {  	_ =	strace $0x9000004D  }
0xc6: {  	s0 =	stileid.u32;
	[bflag:$0x2] =	sbarrier.arrive $0xFFFF  }
0xc7: {  	p0 =	sne.s32 s0, $0x0;
	s0 =	rddreg [dreg:$0x3]  }
0xc8: {  	s0 =	sadd.s32 @!p0 $0x100000, s0  }
0xc9: {  	[sflag:s0] =	ssyncadd.tile.s32 @!p0 $0x1;
	_ =	shalt  }
.Lfunc_end2:
_tile_overlayer_lowered:
.L_overlay_start_2:
0xca: {  	(tag) =	ssettag $0x2  }
0xcb: {  	s0 =	rddreg [dreg:$0x0];
	s2 =	stileid.u32  }
0xcc: {  	s1 =	rddreg [dreg:$0x1];
	p0 =	sne.s32 s2, $0x0  }
0xcd: {  	s3 =	rddreg [dreg:$0x2];
	[bflag:$0x3] =	sbarrier.arrive $0xFFFF;
	s2 =	simm.s32 @!p0 $0x1C05  }
0xce: {  	[timem:s3], [sflag:s2] =	dma.local @!p0 [hbm:s0], s1  }
0xcf: {  	s0 =	simm.s32 @!p0 $0x5  }
0xd0: {  	_ =	swait.ge @!p0 [sflag:s0], s1  }
0xd1: {  	s1 =	ssub.s32 @!p0 $0x0, s1;
	[sflag:s0] =	ssyncset.done @!p0 $0x0  }
0xd2: {  	[sflag:s0] =	ssyncadd.s32 @!p0 s1  }
0xd3: {  	[bflag:$0x3] =	sbarrier.arrive $0xFFFF  }
0xd4: {  	_ =	shalt  }

// kernel: kernel.8.cloned.1.call-start
scs
__scs_entry_jumppad:
0x0: {  	(pc) =	sbr.rel $0x88, $3  }
0x1: {  	(tag) =	ssettag $0x0;
	lr =	simm.s32 $0x1  }
0x2: {  	[smem:$0x3F9B] =	sst lr;
	_ =	strace $0xD0000000  }
0x3: {  	_ = 	snop  }
0x4: {  	_ = 	snop  }
0x5: {  	_ = 	snop  }
0x6: {  	_ = 	snop  }
0x7: {  	_ = 	snop  }
__scs_overlays_trampoline_lowered:
0x8: {  	[smem:$0x3FAA] =	sst s0  }
0x9: {  	[smem:$0x3FAB] =	sst s1  }
0xa: {  	[smem:$0x3FAC] =	sst s2  }
0xb: {  	[smem:$0x3FAD] =	sst s3  }
0xc: {  	[smem:$0x3FAE] =	sst s4  }
0xd: {  	[smem:$0x3FAF] =	sst s5  }
0xe: {  	[smem:$0x3FB0] =	sst s6  }
0xf: {  	[smem:$0x3FB1] =	sst s7  }
0x10: {  	[smem:$0x3FB2] =	sst s8  }
0x11: {  	[smem:$0x3FB3] =	sst s9;
	s0 =	simm.s32 @!p0 $0x0  }
0x12: {  	s1 =	sld [smem:$0x3F99];
	s0 =	simm.s32 @p0 $0x1  }
0x13: {  	[smem:$0x3FB4] =	sst s0;
	s0 =	simm.s32 @!p1 $0x0  }
0x14: {  	s2 =	sld [smem:$0x3F98];
	s0 =	simm.s32 @p1 $0x1  }
0x15: {  	[smem:$0x3FB5] =	sst s0;
	s0 =	simm.s32 @!p2 $0x0  }
0x16: {  	s3 =	sld [smem:$0x3FDB];
	s0 =	simm.s32 @p2 $0x1  }
0x17: {  	s4 =	simm.s32 $0x1BF5;
	[smem:$0x3FB7] =	sst s0  }
0x18: {  	s0 =	sld [smem:$0x3F9A];
	_ =	swait.ge [sflag:s4], $0x0  }
0x19: {  	s7 =	sld [smem:$0x3F9B]  }
0x1a: {  	s8 =	sadd.s32 $0xFFFFE003, lr  }
0x1b: {  	s9 =	sadd.s32 $0xFFFFFEF7, lr;
	s5 =	simm.s32 $0xFFFFFFFF;
	p2 =	slt.u32 s8, $0xFFFFF086  }
0x1c: {  	p1 =	slt.u32 s9, $0xF7A;
	s5 =	simm.s32 @!p2 $0x0  }
0x1d: {  	s5 =	simm.s32 @p1 $0x1;
	p0 =	seq.s32 s7, s2  }
0x1e: {  	s7 =	smul.u32 @!p0 $0xF7A, s2;
	p2 =	seq.s32 @!p0 s5, $0x0  }
0x1f: {  	s9 =	smul.u32 $0xF7A, s1;
	s8 =	simm.s32 @!p0 $0x1BF5;
	p2 =	por !p2, p0  }
0x20: {  	[sflag:s8] =	ssyncset.s32 @!p0 $0xFFFFF086;
	s6 =	sadd.s32 @!p0 s3, s7;
	s7 =	simm.s32 @!p0 $0x108  }
0x21: {  	s3 =	sadd.s32 s3, s9;
	s6 =	sadd.s32 @!p0 $0x88, s6;
	s7 =	simm.s32 @p2 $0x1082  }
0x22: {  	[simem:s7], [sflag:s8] =	dma.local @!p0 [hbm:s6], $0xF7A  }
0x23: {  	s9 =	sor.u32 $0xD0000000, s2;
	s6 =	simm.s32 $0x108;
	_ =	swait.ge @!p0 [sflag:s8], $0x0  }
0x24: {  	s3 =	sadd.s32 $0x88, s3;
	s6 =	simm.s32 @!p1 $0x1082;
	[sflag:s4] =	ssyncset.s32 $0xFFFFF086  }
0x25: {  	[simem:s6], [sflag:s4] =	dma.local [hbm:s3], $0xF7A  }
0x26: {  	[smem:$0x3F9B] =	sst s1;
	(tag) =	ssettag s2;
	_ =	strace s9  }
0x27: {  	s1 =	sld [smem:$0x3FAB]  }
0x28: {  	s2 =	sld [smem:$0x3FAC]  }
0x29: {  	s4 =	sld [smem:$0x3FAE]  }
0x2a: {  	p0 =	seq.s32 s5, $0x0;
	s5 =	sld [smem:$0x3FAF]  }
0x2b: {  	s6 =	sld [smem:$0x3FB0]  }
0x2c: {  	s7 =	sld [smem:$0x3FB1]  }
0x2d: {  	s3 =	simm.s32 $0x108;
	s8 =	sld [smem:$0x3FB2]  }
0x2e: {  	s3 =	simm.s32 @!p0 $0x1082;
	s9 =	sld [smem:$0x3FB3]  }
0x2f: {  	lr =	sadd.s32 s0, s3;
	s0 =	sld [smem:$0x3FAA]  }
0x30: {  	s3 =	sld [smem:$0x3FAD]  }
0x31: {  	[smem:$0x3FB6] =	sst s10  }
0x32: {  	s10 =	sld [smem:$0x3FB4];
	_ =	sdelay $0x3  }
0x33: {  	p0 =	seq.s32 s10, $0x1;
	s10 =	sld [smem:$0x3FB6];
	_ =	sdelay $0x3  }
0x34: {  	[smem:$0x3FB6] =	sst s10  }
0x35: {  	s10 =	sld [smem:$0x3FB5];
	_ =	sdelay $0x3  }
0x36: {  	p1 =	seq.s32 s10, $0x1;
	s10 =	sld [smem:$0x3FB6];
	_ =	sdelay $0x3  }
0x37: {  	[smem:$0x3FB6] =	sst s10  }
0x38: {  	s10 =	sld [smem:$0x3FB7]  }
0x39: {  	_ = 	snop;
	(pc) =	sbr.ind lr, $3  }
0x3a: {  	_ = 	snop  }
0x3b: {  	_ = 	snop  }
0x3c: {  	p2 =	seq.s32 s10, $0x1;
	s10 =	sld [smem:$0x3FB6]  }
0x3d: {  	_ =	shalt  }
0x3e: {  	_ =	shalt  }
0x3f: {  	_ =	shalt  }
0x40: {  	_ =	shalt  }
0x41: {  	_ =	shalt  }
0x42: {  	_ =	shalt  }
0x43: {  	_ =	shalt  }
0x44: {  	_ =	shalt  }
0x45: {  	_ =	shalt  }
0x46: {  	_ =	shalt  }
0x47: {  	_ =	shalt  }
0x48: {  	_ =	shalt  }
0x49: {  	_ =	shalt  }
0x4a: {  	_ =	shalt  }
0x4b: {  	_ =	shalt  }
0x4c: {  	_ =	shalt  }
0x4d: {  	_ =	shalt  }
0x4e: {  	_ =	shalt  }
0x4f: {  	_ =	shalt  }
0x50: {  	_ =	shalt  }
0x51: {  	_ =	shalt  }
0x52: {  	_ =	shalt  }
0x53: {  	_ =	shalt  }
0x54: {  	_ =	shalt  }
0x55: {  	_ =	shalt  }
0x56: {  	_ =	shalt  }
0x57: {  	_ =	shalt  }
0x58: {  	_ =	shalt  }
0x59: {  	_ =	shalt  }
0x5a: {  	_ =	shalt  }
0x5b: {  	_ =	shalt  }
0x5c: {  	_ =	shalt  }
0x5d: {  	_ =	shalt  }
0x5e: {  	_ =	shalt  }
0x5f: {  	_ =	shalt  }
0x60: {  	_ =	shalt  }
0x61: {  	_ =	shalt  }
0x62: {  	_ =	shalt  }
0x63: {  	_ =	shalt  }
0x64: {  	_ =	shalt  }
0x65: {  	_ =	shalt  }
0x66: {  	_ =	shalt  }
0x67: {  	_ =	shalt  }
0x68: {  	_ =	shalt  }
0x69: {  	_ =	shalt  }
0x6a: {  	_ =	shalt  }
0x6b: {  	_ =	shalt  }
0x6c: {  	_ =	shalt  }
0x6d: {  	_ =	shalt  }
0x6e: {  	_ =	shalt  }
0x6f: {  	_ =	shalt  }
0x70: {  	_ =	shalt  }
0x71: {  	_ =	shalt  }
0x72: {  	_ =	shalt  }
0x73: {  	_ =	shalt  }
0x74: {  	_ =	shalt  }
0x75: {  	_ =	shalt  }
0x76: {  	_ =	shalt  }
0x77: {  	_ =	shalt  }
0x78: {  	_ =	shalt  }
0x79: {  	_ =	shalt  }
0x7a: {  	_ =	shalt  }
0x7b: {  	_ =	shalt  }
0x7c: {  	_ =	shalt  }
0x7d: {  	_ =	shalt  }
0x7e: {  	_ =	shalt  }
0x7f: {  	_ =	shalt  }
0x80: {  	_ =	shalt  }
0x81: {  	_ =	shalt  }
0x82: {  	_ =	shalt  }
0x83: {  	_ =	shalt  }
0x84: {  	_ =	shalt  }
0x85: {  	_ =	shalt  }
0x86: {  	_ =	shalt  }
0x87: {  	_ =	shalt  }
.Lfunc_end0:
.L_simem_size_0:
called_computation_lowered:
.L_overlay_start_0:
0x88: {  	s2 =	sld [smem:$0x3FD9]  }
0x89: {  	s3 =	sld [smem:$0x3FFE];
	_ =	sdelay $0x1  }
0x8a: {  	s1 =	srdreg.scid  }
0x8b: {  	s0 =	sand.u32 $0x1, s1  }
0x8c: {  	s17 =	sshll.u32 s0, $0xA;
	s2 =	sadd.s32 s3, s2  }
0x8d: {  	s2 =	sadd.s32 s2, s17  }
0x8e: {  	[smem:$0x3FC2] =	sst s2  }
0x8f: {  	_ = 	snop  }
0x90: {  	s2 =	sld [smem:$0x3FD0];
	(tm) =	ssettm $0x1  }
0x91: {  	s18 =	sld [smem:$0x3FFB];
	_ =	sdelay $0x3  }
0x92: {  	_ =	strace s18  }
0x93: {  	s3 =	sld [smem:$0x3FFC];
	_ =	sdelay $0x3  }
0x94: {  	_ =	strace s3  }
0x95: {  	s3 =	sld [smem:$0x3FFD];
	_ =	sdelay $0x3  }
0x96: {  	_ =	strace s3  }
0x97: {  	_ =	strace $0x8FFFFFFF  }
0x98: {  	s19 =	sld [smem:$0x3FDB];
	_ =	sdelay $0x1  }
0x99: {  	s4 =	simm.s32 $_scs_section_size  }
0x9a: {  	s5 =	simm.s32 $_size__tile_overlayer_lowered;
	s6 =	simm.s32 $_tile_overlayer_lowered  }
0x9b: {  	s22 =	simm.s32 $0x1BFF;
	s21 =	sshll.u32 s6, $0x1;
	s3 =	sadd.s32 s4, s19  }
0x9c: {  	s7 =	simm.s32 $0x0;
	s20 =	sshll.u32 s5, $0x1;
	s5 =	sadd.s32 s21, s3  }
0x9d: {  	[timem:s7], [sflag:s22] =	dma.local [hbm:s5], s20  }
0x9e: {  	_ =	swait.ge [sflag:s22], s20  }
0x9f: {  	s4 =	ssub.s32 $0x0, s20;
	[sflag:s22] =	ssyncset.done $0x0  }
0xa0: {  	[sflag:s22] =	ssyncadd.s32 s4;
	_ =	sdelay $0x1  }
0xa1: {  	s23 =	simm.s32 $0x1B8B  }
0xa2: {  	_ =	swait.ge [sflag:s23], $0x1  }
0xa3: {  	[sflag:s23] =	ssyncset.done $0x0  }
0xa4: {  	s25 =	simm.s32 $0x1B8E;
	s24 =	sld [smem:$0x3FFE];
	[sflag:s23] =	ssyncadd.s32 $0xFFFFFFFF  }
0xa5: {  	s26 =	simm.s32 $execute0_lowered;
	[smem:$0x3FD2] =	sst s25  }
0xa6: {  	s5 =	sshll.u32 s26, $0x1;
	_ =	strace $0x80000046;
	[dreg:$0x1] =	wrdreg $0xFFFFFFFF  }
0xa7: {  	s28 =	simm.s32 $_size_execute0_lowered;
	s3 =	sadd.s32 s3, s5;
	[dreg:$0x0] =	wrdreg $0x0  }
0xa8: {  	s5 =	sshll.u32 s28, $0x1;
	[dreg:$0x2] =	wrdreg s3  }
0xa9: {  	[dreg:$0x3] =	wrdreg s5  }
0xaa: {  	[dreg:$0x4] =	wrdreg $0xC0  }
0xab: {  	_ =	task [dreg:s7], $0x5FFFF  }
0xac: {  	[dreg:$0x1] =	wrdreg $0xFFFFFFFF  }
0xad: {  	[dreg:$0x0] =	wrdreg $0x60  }
0xae: {  	[dreg:$0x2] =	wrdreg s24  }
0xaf: {  	[dreg:$0x3] =	wrdreg s2  }
0xb0: {  	[dreg:$0x4] =	wrdreg $0x3800  }
0xb1: {  	[dreg:$0x5] =	wrdreg $0x9  }
0xb2: {  	_ =	task.clear_ibuf [dreg:s7], $0x6FFFF;
	_ =	strace $0x90000046  }
0xb3: {  	s29 =	simm.s32 $0x9;
	_ =	strace $0x80000048  }
0xb4: {  	_ =	swait.ge [sflag:s29], $0x1  }
0xb5: {  	[sflag:s29] =	ssyncadd.s32 $0xFFFFFFFF  }
0xb6: {  	_ =	strace $0x90000048  }
0xb7: {  	_ =	sfence  }
0xb8: {  	s30 =	sld [smem:$0x0];
	_ =	sdelay $0x2  }
0xb9: {  	s31 =	sshll.u32 s1, $0xD;
	s1 =	sshrl.u32 s1, $0x2  }
0xba: {  	s3 =	sand.u32 $0x4000, s31;
	s1 =	sadd.s32 s1, s30  }
0xbb: {  	s0 =	sor.u32 s3, s0;
	s1 =	sshll.u32 s1, $0x11  }
0xbc: {  	s0 =	sor.u32 s1, s0  }
0xbd: {  	s0 =	sadd.s32 $0x8F2B, s0  }
0xbe: {  	[sflag:s0] =	ssyncadd.remote.s32 $0x1  }
0xbf: {  	_ =	sfence.sel $0xFFFF  }
0xc0: {  	[dreg:$0x0] =	wrdreg $0xFFFFFFFF;
	(pc) =	sbr.abs _section_cstart, $3  }
0xc1: {  	[dreg:$0x1] =	wrdreg $0xFFFFFFFF  }
0xc2: {  	_ =	task.clear_ibuf [dreg:s7], $0x2FFFF;
	_ =	strace $0x9FFFFFFF  }
0xc3: {  	(tm) =	ssettm $0x7FFFFFFF  }
tec
execute0_lowered:
.L_overlay_start_1:
0x0: {  	(tag) =	ssettag $0x1  }
0x1: {  	s6 =	rddreg [dreg:$0x0]  }
0x2: {  	s9 =	rddreg [dreg:$0x1]  }
0x3: {  	s1 =	rddreg [dreg:$0x2]  }
0x4: {  	s0 =	rddreg [dreg:$0x3];
	s2 =	simm.s32 $0x0  }
0x5: {  	s5 =	srdreg.scid;
	s3 =	stileid.u32;
	s13 =	simm.s32 $0x80  }
0x6: {  	s14 =	simm.s32 $0x0;
	[smem:$0x7FF] =	sst s2;
	s4 =	sadd.s32 $0x2800, s6  }
0x7: {  	s7 =	sand.u32 $0x1, s5;
	s5 =	sadd.s32 $0xC800, s6;
	s10 =	smul.u32 $0xA00, s3  }
0x8: {  	s6 =	sadd.s32 $0xCA00, s6;
	s12 =	smul.u32 $0x500, s3;
	_ =	strace $0x80000047  }
0x9: {  	s8 =	ssub.s32 $0x2, s7;
	s30 =	sshll.u32 s7, $0x4;
	s7 =	sshll.u32 s7, $0x7  }
0xa: {  	s11 =	sshrl.u32 s8, $0x1;
	s10 =	sshrl.u32 s10, $0x2;
	s12 =	sor.u32 s7, s12  }
0xb: {  	s11 =	ssub.s32 s8, s11;
	s8 =	sor.u32 s3, s30;
	s7 =	sadd.s32 s10, s1  }
0xc: {  	s31 =	sshrl.u32 s12, $0x3;
	s12 =	simm.s32 $0x1;
	s8 =	smul.u32 $0x2800, s8  }
0xd: {  	s9 =	sadd.s32 s9, s31;
	s10 =	smax.u32 s11, $0x1;
	s11 =	simm.s32 $0x100  }
.LBB2_1:
0xe: {  	[tilespmem:s11], [sflag:$0x1] =	stream.linear.gather [hbm4b:s6+s2], $0x280, $0x38;
	[tilespmem:$0x600] =	vst v63  }
0xf: {  	_ =	swait.ge [sflag:s12], $0x280  }
0x10: {  	[sflag:s12] =	ssyncset.done $0x0  }
0x11: {  	[sflag:s12] =	ssyncadd.s32 $0xFFFFFD80  }
0x12: {  	[spmem:s7] =	stream.linear.scatter [tilespmem:s11], [sflag:$0x1], $0x280, $0x38;
	[tilespmem:$0x600] =	vst v63  }
0x13: {  	_ =	swait.ge [sflag:s12], $0x280  }
0x14: {  	[sflag:s12] =	ssyncset.done $0x0  }
0x15: {  	s15 =	sand.u32 $0x3C00, s2;
	[sflag:s12] =	ssyncadd.s32 $0xFFFFFD80  }
0x16: {  	[tilespmem:s13], [sflag:$0x1] =	stream.linear.gather [hbm4b:s5+s2], $0x80, $0x38;
	[tilespmem:$0x600] =	vst v63  }
0x17: {  	s16 =	sand.u32 $0x380, s2;
	s15 =	sadd.s32 s8, s15;
	_ =	swait.ge [sflag:s12], $0x80  }
0x18: {  	s15 =	sor.u32 s16, s15;
	[sflag:s12] =	ssyncset.done $0x0  }
0x19: {  	s15 =	sshrl.u32 s15, $0x3;
	[sflag:s12] =	ssyncadd.s32 $0xFFFFFF80  }
0x1a: {  	s15 =	sadd.s32 s4, s15;
	[bflag:$0x0] =	sbarrier.arrive $0xFFFF  }
0x1b: {  	[tilespmem:s2], [sflag:$0x1] =	stream.linear.gather [hbm4b:s15+s2], $0x80, $0x38;
	[tilespmem:$0x600] =	vst v63  }
0x1c: {  	_ =	swait.ge [sflag:s12], $0x80  }
0x1d: {  	s30 =	simm.s32 $0x80;
	[sflag:s12] =	ssyncset.done $0x0  }
0x1e: {  	s31 =	sand.u32 $0x3C00, s30;
	[sflag:s12] =	ssyncadd.s32 $0xFFFFFF80  }
0x1f: {  	[spmem:s1] =	stream.indirect.scatter.add.f32 [tilespmem:s13], [sflag:$0x1], $0x1, s2, s13, $0xb8;
	[tilespmem:$0x600] =	vst v63  }
0x20: {  	s17 =	sand.u32 $0x380, s30;
	s16 =	sadd.s32 s8, s31;
	_ =	swait.ge [sflag:s12], $0x80  }
0x21: {  	s16 =	sor.u32 s17, s16;
	s15 =	simm.s32 $0x100;
	[sflag:s12] =	ssyncset.done $0x0  }
.LBB2_2:
0x22: {  	s16 =	sshrl.u32 s16, $0x3  }
0x23: {  	[sflag:s12] =	ssyncadd.s32 $0xFFFFFF80;
	s17 =	smov.u32 s15;
	s18 =	sadd.s32 $0x80, s15  }
0x24: {  	p0 =	sne.s32 s15, $0x2780;
	s15 =	sadd.s32 s4, s16  }
0x25: {  	[tilespmem:s2], [sflag:$0x1] =	stream.linear.gather [hbm4b:s15+s2], $0x80, $0x38;
	[tilespmem:$0x600] =	vst v63  }
0x26: {  	_ =	swait.ge [sflag:s12], $0x80  }
.Ltmp0:
0x27: {  	[sflag:s12] =	ssyncset.done $0x0;
	(pc) =	sbr.rel @p0 .LBB2_2-.Ltmp0, $4  }
0x28: {  	s15 =	sand.u32 $0x3C00, s17;
	[sflag:s12] =	ssyncadd.s32 $0xFFFFFF80  }
0x29: {  	[spmem:s1] =	stream.indirect.scatter.add.f32 [tilespmem:s13], [sflag:$0x1], $0x1, s2, s13, $0xb8;
	[tilespmem:$0x600] =	vst v63  }
0x2a: {  	s16 =	sand.u32 $0x380, s17;
	s15 =	sadd.s32 s8, s15;
	_ =	swait.ge [sflag:s12], $0x80  }
0x2b: {  	s16 =	sor.u32 s16, s15;
	s15 =	smov.u32 s18;
	[sflag:s12] =	ssyncset.done $0x0  }
0x2c: {  	s15 =	sshrl.u32 s16, $0x3  }
0x2d: {  	[sflag:s12] =	ssyncadd.s32 $0xFFFFFF80;
	s15 =	sadd.s32 s4, s15  }
0x2e: {  	[tilespmem:s2], [sflag:$0x1] =	stream.linear.gather [hbm4b:s15+s2], $0x80, $0x38;
	[tilespmem:$0x600] =	vst v63  }
0x2f: {  	_ =	swait.ge [sflag:s12], $0x80  }
0x30: {  	[sflag:s12] =	ssyncset.done $0x0  }
0x31: {  	[sflag:s12] =	ssyncadd.s32 $0xFFFFFF80  }
0x32: {  	[spmem:s1] =	stream.indirect.scatter.add.f32 [tilespmem:s13], [sflag:$0x1], $0x1, s2, s13, $0xb8;
	[tilespmem:$0x600] =	vst v63  }
0x33: {  	_ =	swait.ge [sflag:s12], $0x80  }
0x34: {  	[sflag:s12] =	ssyncset.done $0x0  }
0x35: {  	[sflag:s12] =	ssyncadd.s32 $0xFFFFFF80  }
0x36: {  	[bflag:$0x0] =	sbarrier.arrive $0xFFFF  }
0x37: {  	[tilespmem:s11], [sflag:$0x1] =	stream.linear.gather [spmem:s7], $0x280, $0x38;
	[tilespmem:$0x600] =	vst v63  }
0x38: {  	s14 =	sadd.s32 $0x1, s14;
	_ =	swait.ge [sflag:s12], $0x280  }
0x39: {  	p0 =	sne.s32 s14, s10;
	[sflag:s12] =	ssyncset.done $0x0  }
.Ltmp1:
0x3a: {  	[sflag:s12] =	ssyncadd.s32 $0xFFFFFD80;
	(pc) =	sbr.rel @p0 .LBB2_1-.Ltmp1, $4  }
0x3b: {  	[hbm4b:s9+s13] =	stream.strided.scatter [tilespmem:s11], [sflag:$0x1], $0x280, s11, s13, $0x38;
	[tilespmem:$0x600] =	vst v63  }
0x3c: {  	_ =	swait.ge [sflag:s12], $0x280  }
0x3d: {  	[sflag:s12] =	ssyncset.done $0x0  }
0x3e: {  	[sflag:s12] =	ssyncadd.s32 $0xFFFFFD80  }
0x3f: {  	_ =	sfence.sel $0x180000  }
0x40: {  	[bflag:$0x0] =	sbarrier.arrive $0xFFFF  }
0x41: {  	p0 =	sne.s32 s3, $0x0;
	_ =	strace $0x90000047  }
0x42: {  	s0 =	sadd.s32 @!p0 $0x100000, s0;
	[bflag:$0x2] =	sbarrier.arrive $0xFFFF  }
0x43: {  	[sflag:s0] =	ssyncadd.tile.s32 @!p0 $0x1;
	_ =	shalt  }
.Lfunc_end2:
_tile_overlayer_lowered:
.L_overlay_start_2:
0x44: {  	(tag) =	ssettag $0x2  }
0x45: {  	s0 =	rddreg [dreg:$0x0];
	s2 =	stileid.u32  }
0x46: {  	s1 =	rddreg [dreg:$0x1];
	p0 =	sne.s32 s2, $0x0  }
0x47: {  	s3 =	rddreg [dreg:$0x2];
	[bflag:$0x3] =	sbarrier.arrive $0xFFFF;
	s2 =	simm.s32 @!p0 $0x1C01  }
0x48: {  	[timem:s3], [sflag:s2] =	dma.local @!p0 [hbm:s0], s1  }
0x49: {  	s0 =	simm.s32 @!p0 $0x1  }
0x4a: {  	_ =	swait.ge @!p0 [sflag:s0], s1  }
0x4b: {  	s1 =	ssub.s32 @!p0 $0x0, s1;
	[sflag:s0] =	ssyncset.done @!p0 $0x0  }
0x4c: {  	[sflag:s0] =	ssyncadd.s32 @!p0 s1  }
0x4d: {  	[bflag:$0x3] =	sbarrier.arrive $0xFFFF  }
0x4e: {  	_ =	shalt  }

</sc_bundles>
